<compile_context>
chip_gen: v7x
topology: tpu7x:2x2x1
jax: 0.10.2.dev20260603
libtpu: 0.0.44.dev20260713+nightly
codegen_flags: <defaults>
</compile_context>

<pallas_src>
import functools

import jax
import jax.numpy as jnp
from jax import lax
from jax.experimental import pallas as pl
from jax.experimental.pallas import tpu as pltpu
from jax.experimental.pallas import tpu_sc as plsc

F = 26
D = 16
FIELD_DIM = 40000


def _fm_body(idx_hbm, table_hbm, w_hbm, bias_hbm, out_hbm,
             idx_v, rows_v, wv_v, bias_v, out_v, sem,
             *, nchunk, csize, samp_per_tile, num_cores):
    wid = lax.axis_index("s") * num_cores + lax.axis_index("c")

    pltpu.sync_copy(idx_hbm.at[wid], idx_v)
    pltpu.sync_copy(bias_hbm, bias_v)

    lanes = jnp.arange(D, dtype=jnp.int32)

    @pl.loop(0, nchunk)
    def _chunk(c):
        copies = []
        for f in range(F):
            r = f * nchunk + c
            copies.append(
                pltpu.async_copy(table_hbm.at[idx_v.at[r]],
                                 rows_v.at[pl.ds(f * csize, csize)], sem))
            copies.append(
                pltpu.async_copy(w_hbm.at[idx_v.at[r]], wv_v.at[f], sem))
        for cp in copies:
            cp.wait()

        @pl.loop(0, csize // D)
        def _group(g):
            j0 = g * D
            jvec = lanes + j0

            lin = bias_v[...]
            for f in range(F):
                lin = lin + wv_v[f, pl.ds(j0, D)]

            def dim_step(d, t):
                dvec = jnp.full((D,), d, dtype=jnp.int32)
                s = jnp.zeros((D,), jnp.float32)
                ssq = jnp.zeros((D,), jnp.float32)
                for f in range(F):
                    rv = plsc.load_gather(rows_v, [jvec + (f * csize), dvec])
                    s = s + rv
                    ssq = ssq + rv * rv
                return t + (s * s - ssq)

            t = lax.fori_loop(0, D, dim_step, jnp.zeros((D,), jnp.float32))
            z = lin + 0.5 * t
            res = 1.0 / (1.0 + jnp.exp(-z))
            out_v[pl.ds(c * csize + j0, D)] = res

    pltpu.sync_copy(out_v, out_hbm.at[pl.ds(wid * samp_per_tile, samp_per_tile)])


def kernel(x, table, w_lin, bias):
    B, nf = x.shape
    assert nf == F
    info = plsc.get_sparse_core_info()
    nc, ns = info.num_cores, info.num_subcores
    nw = nc * ns
    samp = B // nw
    csize = 128
    nchunk = samp // csize

    offs = (jnp.arange(F, dtype=jnp.int32) * FIELD_DIM)
    idx = x.astype(jnp.int32) + offs[None, :]
    idx_r = (idx.reshape(nw, nchunk, csize, F)
                .transpose(0, 3, 1, 2)
                .reshape(nw, F * nchunk, csize))
    w_flat = w_lin.reshape(-1)
    bias_splat = jnp.broadcast_to(bias.astype(jnp.float32), (D,))

    mesh = plsc.VectorSubcoreMesh(core_axis_name="c", subcore_axis_name="s",
                                  num_cores=nc, num_subcores=ns)
    body = functools.partial(_fm_body, nchunk=nchunk, csize=csize,
                             samp_per_tile=samp, num_cores=nc)
    run = pl.kernel(
        body,
        out_type=jax.ShapeDtypeStruct((B,), jnp.float32),
        mesh=mesh,
        scratch_types=[
            pltpu.VMEM((F * nchunk, csize), jnp.int32),
            pltpu.VMEM((F * csize, D), jnp.float32),
            pltpu.VMEM((F, csize), jnp.float32),
            pltpu.VMEM((D,), jnp.float32),
            pltpu.VMEM((samp,), jnp.float32),
            pltpu.SemaphoreType.DMA,
        ],
        compiler_params=pltpu.CompilerParams(needs_layout_passes=False,
                                             use_tc_tiling_on_sc=False),
    )
    return run(idx_r, table, w_flat, bias_splat)

# --- scband reference (transcript-rebuilt; emitter-appended) ---
"""Pipeline reference for scband-factorization-machine-model-flax-46196668236358 (READ-ONLY COPY).

The authoritative reference and input builder live on the scoring server;
editing this copy changes nothing except your own understanding.
"""

import jax, jax.numpy as jnp
import numpy as np

FIELD_DIMS = np.array([40000] * 26, dtype=np.int64)
EMBED_DIM = 16
TOTAL = int(FIELD_DIMS.sum())
OFFSETS = np.array((0, *np.cumsum(FIELD_DIMS)[:-1]), dtype=np.int64)


def setup_inputs(seed: int = 0) -> dict:
    key = jax.random.key(seed)
    k1, k2, k3 = jax.random.split(key, 3)
    x = jax.random.randint(k1, (16384, 26), 0, 40000, dtype=jnp.int64)
    table = jax.random.normal(k2, (TOTAL, EMBED_DIM), dtype=jnp.float32) * 0.01
    w_lin = jax.random.normal(k3, (TOTAL, 1), dtype=jnp.float32) * 0.01
    bias = jnp.zeros((1,), dtype=jnp.float32)
    return {"x": x, "table": table, "w_lin": w_lin, "bias": bias}


def reference(x, table, w_lin, bias):
    offsets = jnp.asarray(OFFSETS, dtype=x.dtype)
    idx = x + offsets[None, :]  # [B, F]
    # FeaturesLinear: sum of per-field scalar weights + bias -> [B, 1]
    lin = jnp.take(w_lin, idx, axis=0).sum(axis=1) + bias  # [B, 1]
    # FeaturesEmbedding: [B, F, D]
    emb = jnp.take(table, idx, axis=0)
    # FactorizationMachine with reduce_sum=True
    square_of_sum = jnp.sum(emb, axis=1) ** 2       # [B, D]
    sum_of_square = jnp.sum(emb ** 2, axis=1)       # [B, D]
    ix = 0.5 * jnp.sum(square_of_sum - sum_of_square, axis=1, keepdims=True)  # [B, 1]
    out = lin + ix                                   # [B, 1]
    return jax.nn.sigmoid(out.squeeze(1))            # [B]

if __name__ == "__main__":
    import jax
    _d = setup_inputs()
    print(jax.jit(kernel)(*tuple(_d.values())))

</pallas_src>

<mosaic_0001>
#map = affine_map<(d0, d1) -> (0, 0, 0)>
#map1 = affine_map<(d0, d1) -> (0, 0)>
#map2 = affine_map<(d0, d1) -> (0)>
module attributes {stable_mosaic.version = 14 : i64} {
  func.func @_fm_body(%arg0: i32, %arg1: i32, %arg2: memref<32x104x128xi32, #tpu.memory_space<hbm>>, %arg3: memref<1040000x16xf32, #tpu.memory_space<hbm>>, %arg4: memref<1040000xf32, #tpu.memory_space<hbm>>, %arg5: memref<16xf32, #tpu.memory_space<hbm>>, %arg6: memref<16384xf32, #tpu.memory_space<hbm>>, %arg7: memref<104x128xi32, #tpu.memory_space<vmem>>, %arg8: memref<3328x16xf32, #tpu.memory_space<vmem>>, %arg9: memref<26x128xf32, #tpu.memory_space<vmem>>, %arg10: memref<16xf32, #tpu.memory_space<vmem>>, %arg11: memref<512xf32, #tpu.memory_space<vmem>>, %arg12: memref<!tpu.dma_semaphore, #tpu.memory_space<semaphore_mem>>) attributes {dimension_semantics = [#tpu.dimension_semantics<core_parallel>, #tpu.dimension_semantics<subcore_parallel>], iteration_bounds = array<i64: 2, 16>, scalar_prefetch = 0 : i64, scratch_operands = 6 : i64, tpu.core_type = #tpu.core_type<sc_vector_subcore>, window_params = [{transform_indices = #map}, {transform_indices = #map1}, {transform_indices = #map2}, {transform_indices = #map2}, {transform_indices = #map2}]} {
    %mul3A = arith.constant 2 : i32
    %mul3A_0 = arith.muli %arg1, %mul3A : i32
    %add3A = arith.addi %mul3A_0, %arg0 : i32
    "tpu.region"() ({
      %run_scoped3A = tpu.sem_alloc : memref<!tpu.dma_semaphore, #tpu.memory_space<semaphore_mem>>
      %dma_start3A = arith.constant 0 : i32
      %dma_start3A_7 = arith.constant 0 : i32
      %dma_start3A_8 = tpu.memref_slice %arg2[%add3A, %dma_start3A, %dma_start3A_7] : memref<32x104x128xi32, #tpu.memory_space<hbm>> -> memref<1x104x128xi32, #tpu.memory_space<hbm>>
      %dma_start3A_9 = tpu.memref_squeeze %dma_start3A_8 : memref<1x104x128xi32, #tpu.memory_space<hbm>> -> memref<104x128xi32, #tpu.memory_space<hbm>>
      %dma_start3A_10 = arith.constant 0 : i32
      %dma_start3A_11 = arith.constant 0 : i32
      %dma_start3A_12 = tpu.memref_slice %arg2[%add3A, %dma_start3A_10, %dma_start3A_11] : memref<32x104x128xi32, #tpu.memory_space<hbm>> -> memref<1x104x128xi32, #tpu.memory_space<hbm>>
      %dma_start3A_13 = tpu.memref_squeeze %dma_start3A_12 : memref<1x104x128xi32, #tpu.memory_space<hbm>> -> memref<104x128xi32, #tpu.memory_space<hbm>>
      tpu.enqueue_dma source(%dma_start3A_13 : memref<104x128xi32, #tpu.memory_space<hbm>>) target(%arg7 : memref<104x128xi32, #tpu.memory_space<vmem>>) target_semaphore(%run_scoped3A : memref<!tpu.dma_semaphore, #tpu.memory_space<semaphore_mem>>)
      %dma_wait3A = arith.constant 0 : i32
      %dma_wait3A_14 = arith.constant 0 : i32
      %dma_wait3A_15 = tpu.memref_slice %arg2[%add3A, %dma_wait3A, %dma_wait3A_14] : memref<32x104x128xi32, #tpu.memory_space<hbm>> -> memref<1x104x128xi32, #tpu.memory_space<hbm>>
      %dma_wait3A_16 = tpu.memref_squeeze %dma_wait3A_15 : memref<1x104x128xi32, #tpu.memory_space<hbm>> -> memref<104x128xi32, #tpu.memory_space<hbm>>
      %dma_wait3A_17 = arith.constant 0 : i32
      %dma_wait3A_18 = arith.constant 0 : i32
      %dma_wait3A_19 = tpu.memref_slice %arg2[%add3A, %dma_wait3A_17, %dma_wait3A_18] : memref<32x104x128xi32, #tpu.memory_space<hbm>> -> memref<1x104x128xi32, #tpu.memory_space<hbm>>
      %dma_wait3A_20 = tpu.memref_squeeze %dma_wait3A_19 : memref<1x104x128xi32, #tpu.memory_space<hbm>> -> memref<104x128xi32, #tpu.memory_space<hbm>>
      tpu.wait_dma2 semaphore(%run_scoped3A : memref<!tpu.dma_semaphore, #tpu.memory_space<semaphore_mem>>) src(%dma_wait3A_20 : memref<104x128xi32, #tpu.memory_space<hbm>>) dst(%arg7 : memref<104x128xi32, #tpu.memory_space<vmem>>)
      tpu.yield
    }) : () -> ()
    "tpu.region"() ({
      %run_scoped3A = tpu.sem_alloc : memref<!tpu.dma_semaphore, #tpu.memory_space<semaphore_mem>>
      tpu.enqueue_dma source(%arg5 : memref<16xf32, #tpu.memory_space<hbm>>) target(%arg10 : memref<16xf32, #tpu.memory_space<vmem>>) target_semaphore(%run_scoped3A : memref<!tpu.dma_semaphore, #tpu.memory_space<semaphore_mem>>)
      tpu.wait_dma2 semaphore(%run_scoped3A : memref<!tpu.dma_semaphore, #tpu.memory_space<semaphore_mem>>) src(%arg5 : memref<16xf32, #tpu.memory_space<hbm>>) dst(%arg10 : memref<16xf32, #tpu.memory_space<vmem>>)
      tpu.yield
    }) : () -> ()
    %iota3A = tpu.iota {dimensions = array<i32: 0>} : vector<16xi32>
    %scan3A = arith.constant 0 : i32
    %scan3A_1 = arith.constant 4 : i32
    %scan3A_2 = arith.addi %scan3A, %scan3A_1 : i32
    %scan3A_3 = arith.constant 1 : i32
    scf.for %scan3A_7 = %scan3A to %scan3A_2 step %scan3A_3  : i32 {
      %mul3A_8 = arith.constant 1 : i32
      %mul3A_9 = arith.muli %scan3A_7, %mul3A_8 : i32
      %add3A_10 = arith.constant 0 : i32
      %add3A_11 = arith.addi %add3A_10, %mul3A_9 : i32
      %add3A_12 = arith.constant 0 : i32
      %add3A_13 = arith.addi %add3A_12, %add3A_11 : i32
      %dma_start3A = arith.constant 0 : i32
      %dma_start3A_14 = arith.constant 0 : i32
      %dma_start3A_15 = tpu.memref_slice %arg8[%dma_start3A, %dma_start3A_14] : memref<3328x16xf32, #tpu.memory_space<vmem>> -> memref<128x16xf32, #tpu.memory_space<vmem>>
      %dma_start3A_16 = arith.constant 0 : i32
      %dma_start3A_17 = tpu.memref_slice %arg7[%add3A_13, %dma_start3A_16] : memref<104x128xi32, #tpu.memory_space<vmem>> -> memref<1x128xi32, #tpu.memory_space<vmem>>
      %dma_start3A_18 = tpu.memref_squeeze %dma_start3A_17 : memref<1x128xi32, #tpu.memory_space<vmem>> -> memref<128xi32, #tpu.memory_space<vmem>>
      %dma_start3A_19 = arith.constant 0 : i32
      %dma_start3A_20 = arith.constant 0 : i32
      %dma_start3A_21 = tpu.memref_slice %arg3[%dma_start3A_19, %dma_start3A_20] : memref<1040000x16xf32, #tpu.memory_space<hbm>> -> memref<1040000x16xf32, #tpu.memory_space<hbm>>
      tpu.enqueue_indirect_dma source(%dma_start3A_21 : memref<1040000x16xf32, #tpu.memory_space<hbm>>) target(%dma_start3A_15 : memref<128x16xf32, #tpu.memory_space<vmem>>) offsets(%dma_start3A_18 : memref<128xi32, #tpu.memory_space<vmem>>) semaphore(%arg12 : memref<!tpu.dma_semaphore, #tpu.memory_space<semaphore_mem>>)
      %dma_start3A_22 = arith.constant 0 : i32
      %dma_start3A_23 = arith.constant 0 : i32
      %dma_start3A_24 = tpu.memref_slice %arg9[%dma_start3A_22, %dma_start3A_23] : memref<26x128xf32, #tpu.memory_space<vmem>> -> memref<1x128xf32, #tpu.memory_space<vmem>>
      %dma_start3A_25 = tpu.memref_squeeze %dma_start3A_24 : memref<1x128xf32, #tpu.memory_space<vmem>> -> memref<128xf32, #tpu.memory_space<vmem>>
      %dma_start3A_26 = arith.constant 0 : i32
      %dma_start3A_27 = tpu.memref_slice %arg7[%add3A_13, %dma_start3A_26] : memref<104x128xi32, #tpu.memory_space<vmem>> -> memref<1x128xi32, #tpu.memory_space<vmem>>
      %dma_start3A_28 = tpu.memref_squeeze %dma_start3A_27 : memref<1x128xi32, #tpu.memory_space<vmem>> -> memref<128xi32, #tpu.memory_space<vmem>>
      %dma_start3A_29 = arith.constant 0 : i32
      %dma_start3A_30 = tpu.memref_slice %arg4[%dma_start3A_29] : memref<1040000xf32, #tpu.memory_space<hbm>> -> memref<1040000xf32, #tpu.memory_space<hbm>>
      tpu.enqueue_indirect_dma source(%dma_start3A_30 : memref<1040000xf32, #tpu.memory_space<hbm>>) target(%dma_start3A_25 : memref<128xf32, #tpu.memory_space<vmem>>) offsets(%dma_start3A_28 : memref<128xi32, #tpu.memory_space<vmem>>) semaphore(%arg12 : memref<!tpu.dma_semaphore, #tpu.memory_space<semaphore_mem>>)
      %add3A_31 = arith.constant 4 : i32
      %add3A_32 = arith.addi %add3A_31, %add3A_11 : i32
      %dma_start3A_33 = arith.constant 128 : i32
      %dma_start3A_34 = arith.constant 0 : i32
      %dma_start3A_35 = tpu.memref_slice %arg8[%dma_start3A_33, %dma_start3A_34] : memref<3328x16xf32, #tpu.memory_space<vmem>> -> memref<128x16xf32, #tpu.memory_space<vmem>>
      %dma_start3A_36 = arith.constant 0 : i32
      %dma_start3A_37 = tpu.memref_slice %arg7[%add3A_32, %dma_start3A_36] : memref<104x128xi32, #tpu.memory_space<vmem>> -> memref<1x128xi32, #tpu.memory_space<vmem>>
      %dma_start3A_38 = tpu.memref_squeeze %dma_start3A_37 : memref<1x128xi32, #tpu.memory_space<vmem>> -> memref<128xi32, #tpu.memory_space<vmem>>
      %dma_start3A_39 = arith.constant 0 : i32
      %dma_start3A_40 = arith.constant 0 : i32
      %dma_start3A_41 = tpu.memref_slice %arg3[%dma_start3A_39, %dma_start3A_40] : memref<1040000x16xf32, #tpu.memory_space<hbm>> -> memref<1040000x16xf32, #tpu.memory_space<hbm>>
      tpu.enqueue_indirect_dma source(%dma_start3A_41 : memref<1040000x16xf32, #tpu.memory_space<hbm>>) target(%dma_start3A_35 : memref<128x16xf32, #tpu.memory_space<vmem>>) offsets(%dma_start3A_38 : memref<128xi32, #tpu.memory_space<vmem>>) semaphore(%arg12 : memref<!tpu.dma_semaphore, #tpu.memory_space<semaphore_mem>>)
      %dma_start3A_42 = arith.constant 1 : i32
      %dma_start3A_43 = arith.constant 0 : i32
      %dma_start3A_44 = tpu.memref_slice %arg9[%dma_start3A_42, %dma_start3A_43] : memref<26x128xf32, #tpu.memory_space<vmem>> -> memref<1x128xf32, #tpu.memory_space<vmem>>
      %dma_start3A_45 = tpu.memref_squeeze %dma_start3A_44 : memref<1x128xf32, #tpu.memory_space<vmem>> -> memref<128xf32, #tpu.memory_space<vmem>>
      %dma_start3A_46 = arith.constant 0 : i32
      %dma_start3A_47 = tpu.memref_slice %arg7[%add3A_32, %dma_start3A_46] : memref<104x128xi32, #tpu.memory_space<vmem>> -> memref<1x128xi32, #tpu.memory_space<vmem>>
      %dma_start3A_48 = tpu.memref_squeeze %dma_start3A_47 : memref<1x128xi32, #tpu.memory_space<vmem>> -> memref<128xi32, #tpu.memory_space<vmem>>
      %dma_start3A_49 = arith.constant 0 : i32
      %dma_start3A_50 = tpu.memref_slice %arg4[%dma_start3A_49] : memref<1040000xf32, #tpu.memory_space<hbm>> -> memref<1040000xf32, #tpu.memory_space<hbm>>
      tpu.enqueue_indirect_dma source(%dma_start3A_50 : memref<1040000xf32, #tpu.memory_space<hbm>>) target(%dma_start3A_45 : memref<128xf32, #tpu.memory_space<vmem>>) offsets(%dma_start3A_48 : memref<128xi32, #tpu.memory_space<vmem>>) semaphore(%arg12 : memref<!tpu.dma_semaphore, #tpu.memory_space<semaphore_mem>>)
      %add3A_51 = arith.constant 8 : i32
      %add3A_52 = arith.addi %add3A_51, %add3A_11 : i32
      %dma_start3A_53 = arith.constant 256 : i32
      %dma_start3A_54 = arith.constant 0 : i32
      %dma_start3A_55 = tpu.memref_slice %arg8[%dma_start3A_53, %dma_start3A_54] : memref<3328x16xf32, #tpu.memory_space<vmem>> -> memref<128x16xf32, #tpu.memory_space<vmem>>
      %dma_start3A_56 = arith.constant 0 : i32
      %dma_start3A_57 = tpu.memref_slice %arg7[%add3A_52, %dma_start3A_56] : memref<104x128xi32, #tpu.memory_space<vmem>> -> memref<1x128xi32, #tpu.memory_space<vmem>>
      %dma_start3A_58 = tpu.memref_squeeze %dma_start3A_57 : memref<1x128xi32, #tpu.memory_space<vmem>> -> memref<128xi32, #tpu.memory_space<vmem>>
      %dma_start3A_59 = arith.constant 0 : i32
      %dma_start3A_60 = arith.constant 0 : i32
      %dma_start3A_61 = tpu.memref_slice %arg3[%dma_start3A_59, %dma_start3A_60] : memref<1040000x16xf32, #tpu.memory_space<hbm>> -> memref<1040000x16xf32, #tpu.memory_space<hbm>>
      tpu.enqueue_indirect_dma source(%dma_start3A_61 : memref<1040000x16xf32, #tpu.memory_space<hbm>>) target(%dma_start3A_55 : memref<128x16xf32, #tpu.memory_space<vmem>>) offsets(%dma_start3A_58 : memref<128xi32, #tpu.memory_space<vmem>>) semaphore(%arg12 : memref<!tpu.dma_semaphore, #tpu.memory_space<semaphore_mem>>)
      %dma_start3A_62 = arith.constant 2 : i32
      %dma_start3A_63 = arith.constant 0 : i32
      %dma_start3A_64 = tpu.memref_slice %arg9[%dma_start3A_62, %dma_start3A_63] : memref<26x128xf32, #tpu.memory_space<vmem>> -> memref<1x128xf32, #tpu.memory_space<vmem>>
      %dma_start3A_65 = tpu.memref_squeeze %dma_start3A_64 : memref<1x128xf32, #tpu.memory_space<vmem>> -> memref<128xf32, #tpu.memory_space<vmem>>
      %dma_start3A_66 = arith.constant 0 : i32
      %dma_start3A_67 = tpu.memref_slice %arg7[%add3A_52, %dma_start3A_66] : memref<104x128xi32, #tpu.memory_space<vmem>> -> memref<1x128xi32, #tpu.memory_space<vmem>>
      %dma_start3A_68 = tpu.memref_squeeze %dma_start3A_67 : memref<1x128xi32, #tpu.memory_space<vmem>> -> memref<128xi32, #tpu.memory_space<vmem>>
      %dma_start3A_69 = arith.constant 0 : i32
      %dma_start3A_70 = tpu.memref_slice %arg4[%dma_start3A_69] : memref<1040000xf32, #tpu.memory_space<hbm>> -> memref<1040000xf32, #tpu.memory_space<hbm>>
      tpu.enqueue_indirect_dma source(%dma_start3A_70 : memref<1040000xf32, #tpu.memory_space<hbm>>) target(%dma_start3A_65 : memref<128xf32, #tpu.memory_space<vmem>>) offsets(%dma_start3A_68 : memref<128xi32, #tpu.memory_space<vmem>>) semaphore(%arg12 : memref<!tpu.dma_semaphore, #tpu.memory_space<semaphore_mem>>)
      %add3A_71 = arith.constant 12 : i32
      %add3A_72 = arith.addi %add3A_71, %add3A_11 : i32
      %dma_start3A_73 = arith.constant 384 : i32
      %dma_start3A_74 = arith.constant 0 : i32
      %dma_start3A_75 = tpu.memref_slice %arg8[%dma_start3A_73, %dma_start3A_74] : memref<3328x16xf32, #tpu.memory_space<vmem>> -> memref<128x16xf32, #tpu.memory_space<vmem>>
      %dma_start3A_76 = arith.constant 0 : i32
      %dma_start3A_77 = tpu.memref_slice %arg7[%add3A_72, %dma_start3A_76] : memref<104x128xi32, #tpu.memory_space<vmem>> -> memref<1x128xi32, #tpu.memory_space<vmem>>
      %dma_start3A_78 = tpu.memref_squeeze %dma_start3A_77 : memref<1x128xi32, #tpu.memory_space<vmem>> -> memref<128xi32, #tpu.memory_space<vmem>>
      %dma_start3A_79 = arith.constant 0 : i32
      %dma_start3A_80 = arith.constant 0 : i32
      %dma_start3A_81 = tpu.memref_slice %arg3[%dma_start3A_79, %dma_start3A_80] : memref<1040000x16xf32, #tpu.memory_space<hbm>> -> memref<1040000x16xf32, #tpu.memory_space<hbm>>
      tpu.enqueue_indirect_dma source(%dma_start3A_81 : memref<1040000x16xf32, #tpu.memory_space<hbm>>) target(%dma_start3A_75 : memref<128x16xf32, #tpu.memory_space<vmem>>) offsets(%dma_start3A_78 : memref<128xi32, #tpu.memory_space<vmem>>) semaphore(%arg12 : memref<!tpu.dma_semaphore, #tpu.memory_space<semaphore_mem>>)
      %dma_start3A_82 = arith.constant 3 : i32
      %dma_start3A_83 = arith.constant 0 : i32
      %dma_start3A_84 = tpu.memref_slice %arg9[%dma_start3A_82, %dma_start3A_83] : memref<26x128xf32, #tpu.memory_space<vmem>> -> memref<1x128xf32, #tpu.memory_space<vmem>>
      %dma_start3A_85 = tpu.memref_squeeze %dma_start3A_84 : memref<1x128xf32, #tpu.memory_space<vmem>> -> memref<128xf32, #tpu.memory_space<vmem>>
      %dma_start3A_86 = arith.constant 0 : i32
      %dma_start3A_87 = tpu.memref_slice %arg7[%add3A_72, %dma_start3A_86] : memref<104x128xi32, #tpu.memory_space<vmem>> -> memref<1x128xi32, #tpu.memory_space<vmem>>
      %dma_start3A_88 = tpu.memref_squeeze %dma_start3A_87 : memref<1x128xi32, #tpu.memory_space<vmem>> -> memref<128xi32, #tpu.memory_space<vmem>>
      %dma_start3A_89 = arith.constant 0 : i32
      %dma_start3A_90 = tpu.memref_slice %arg4[%dma_start3A_89] : memref<1040000xf32, #tpu.memory_space<hbm>> -> memref<1040000xf32, #tpu.memory_space<hbm>>
      tpu.enqueue_indirect_dma source(%dma_start3A_90 : memref<1040000xf32, #tpu.memory_space<hbm>>) target(%dma_start3A_85 : memref<128xf32, #tpu.memory_space<vmem>>) offsets(%dma_start3A_88 : memref<128xi32, #tpu.memory_space<vmem>>) semaphore(%arg12 : memref<!tpu.dma_semaphore, #tpu.memory_space<semaphore_mem>>)
      %add3A_91 = arith.constant 16 : i32
      %add3A_92 = arith.addi %add3A_91, %add3A_11 : i32
      %dma_start3A_93 = arith.constant 512 : i32
      %dma_start3A_94 = arith.constant 0 : i32
      %dma_start3A_95 = tpu.memref_slice %arg8[%dma_start3A_93, %dma_start3A_94] : memref<3328x16xf32, #tpu.memory_space<vmem>> -> memref<128x16xf32, #tpu.memory_space<vmem>>
      %dma_start3A_96 = arith.constant 0 : i32
      %dma_start3A_97 = tpu.memref_slice %arg7[%add3A_92, %dma_start3A_96] : memref<104x128xi32, #tpu.memory_space<vmem>> -> memref<1x128xi32, #tpu.memory_space<vmem>>
      %dma_start3A_98 = tpu.memref_squeeze %dma_start3A_97 : memref<1x128xi32, #tpu.memory_space<vmem>> -> memref<128xi32, #tpu.memory_space<vmem>>
      %dma_start3A_99 = arith.constant 0 : i32
      %dma_start3A_100 = arith.constant 0 : i32
      %dma_start3A_101 = tpu.memref_slice %arg3[%dma_start3A_99, %dma_start3A_100] : memref<1040000x16xf32, #tpu.memory_space<hbm>> -> memref<1040000x16xf32, #tpu.memory_space<hbm>>
      tpu.enqueue_indirect_dma source(%dma_start3A_101 : memref<1040000x16xf32, #tpu.memory_space<hbm>>) target(%dma_start3A_95 : memref<128x16xf32, #tpu.memory_space<vmem>>) offsets(%dma_start3A_98 : memref<128xi32, #tpu.memory_space<vmem>>) semaphore(%arg12 : memref<!tpu.dma_semaphore, #tpu.memory_space<semaphore_mem>>)
      %dma_start3A_102 = arith.constant 4 : i32
      %dma_start3A_103 = arith.constant 0 : i32
      %dma_start3A_104 = tpu.memref_slice %arg9[%dma_start3A_102, %dma_start3A_103] : memref<26x128xf32, #tpu.memory_space<vmem>> -> memref<1x128xf32, #tpu.memory_space<vmem>>
      %dma_start3A_105 = tpu.memref_squeeze %dma_start3A_104 : memref<1x128xf32, #tpu.memory_space<vmem>> -> memref<128xf32, #tpu.memory_space<vmem>>
      %dma_start3A_106 = arith.constant 0 : i32
      %dma_start3A_107 = tpu.memref_slice %arg7[%add3A_92, %dma_start3A_106] : memref<104x128xi32, #tpu.memory_space<vmem>> -> memref<1x128xi32, #tpu.memory_space<vmem>>
      %dma_start3A_108 = tpu.memref_squeeze %dma_start3A_107 : memref<1x128xi32, #tpu.memory_space<vmem>> -> memref<128xi32, #tpu.memory_space<vmem>>
      %dma_start3A_109 = arith.constant 0 : i32
      %dma_start3A_110 = tpu.memref_slice %arg4[%dma_start3A_109] : memref<1040000xf32, #tpu.memory_space<hbm>> -> memref<1040000xf32, #tpu.memory_space<hbm>>
      tpu.enqueue_indirect_dma source(%dma_start3A_110 : memref<1040000xf32, #tpu.memory_space<hbm>>) target(%dma_start3A_105 : memref<128xf32, #tpu.memory_space<vmem>>) offsets(%dma_start3A_108 : memref<128xi32, #tpu.memory_space<vmem>>) semaphore(%arg12 : memref<!tpu.dma_semaphore, #tpu.memory_space<semaphore_mem>>)
      %add3A_111 = arith.constant 20 : i32
      %add3A_112 = arith.addi %add3A_111, %add3A_11 : i32
      %dma_start3A_113 = arith.constant 640 : i32
      %dma_start3A_114 = arith.constant 0 : i32
      %dma_start3A_115 = tpu.memref_slice %arg8[%dma_start3A_113, %dma_start3A_114] : memref<3328x16xf32, #tpu.memory_space<vmem>> -> memref<128x16xf32, #tpu.memory_space<vmem>>
      %dma_start3A_116 = arith.constant 0 : i32
      %dma_start3A_117 = tpu.memref_slice %arg7[%add3A_112, %dma_start3A_116] : memref<104x128xi32, #tpu.memory_space<vmem>> -> memref<1x128xi32, #tpu.memory_space<vmem>>
      %dma_start3A_118 = tpu.memref_squeeze %dma_start3A_117 : memref<1x128xi32, #tpu.memory_space<vmem>> -> memref<128xi32, #tpu.memory_space<vmem>>
      %dma_start3A_119 = arith.constant 0 : i32
      %dma_start3A_120 = arith.constant 0 : i32
      %dma_start3A_121 = tpu.memref_slice %arg3[%dma_start3A_119, %dma_start3A_120] : memref<1040000x16xf32, #tpu.memory_space<hbm>> -> memref<1040000x16xf32, #tpu.memory_space<hbm>>
      tpu.enqueue_indirect_dma source(%dma_start3A_121 : memref<1040000x16xf32, #tpu.memory_space<hbm>>) target(%dma_start3A_115 : memref<128x16xf32, #tpu.memory_space<vmem>>) offsets(%dma_start3A_118 : memref<128xi32, #tpu.memory_space<vmem>>) semaphore(%arg12 : memref<!tpu.dma_semaphore, #tpu.memory_space<semaphore_mem>>)
      %dma_start3A_122 = arith.constant 5 : i32
      %dma_start3A_123 = arith.constant 0 : i32
      %dma_start3A_124 = tpu.memref_slice %arg9[%dma_start3A_122, %dma_start3A_123] : memref<26x128xf32, #tpu.memory_space<vmem>> -> memref<1x128xf32, #tpu.memory_space<vmem>>
      %dma_start3A_125 = tpu.memref_squeeze %dma_start3A_124 : memref<1x128xf32, #tpu.memory_space<vmem>> -> memref<128xf32, #tpu.memory_space<vmem>>
      %dma_start3A_126 = arith.constant 0 : i32
      %dma_start3A_127 = tpu.memref_slice %arg7[%add3A_112, %dma_start3A_126] : memref<104x128xi32, #tpu.memory_space<vmem>> -> memref<1x128xi32, #tpu.memory_space<vmem>>
      %dma_start3A_128 = tpu.memref_squeeze %dma_start3A_127 : memref<1x128xi32, #tpu.memory_space<vmem>> -> memref<128xi32, #tpu.memory_space<vmem>>
      %dma_start3A_129 = arith.constant 0 : i32
      %dma_start3A_130 = tpu.memref_slice %arg4[%dma_start3A_129] : memref<1040000xf32, #tpu.memory_space<hbm>> -> memref<1040000xf32, #tpu.memory_space<hbm>>
      tpu.enqueue_indirect_dma source(%dma_start3A_130 : memref<1040000xf32, #tpu.memory_space<hbm>>) target(%dma_start3A_125 : memref<128xf32, #tpu.memory_space<vmem>>) offsets(%dma_start3A_128 : memref<128xi32, #tpu.memory_space<vmem>>) semaphore(%arg12 : memref<!tpu.dma_semaphore, #tpu.memory_space<semaphore_mem>>)
      %add3A_131 = arith.constant 24 : i32
      %add3A_132 = arith.addi %add3A_131, %add3A_11 : i32
      %dma_start3A_133 = arith.constant 768 : i32
      %dma_start3A_134 = arith.constant 0 : i32
      %dma_start3A_135 = tpu.memref_slice %arg8[%dma_start3A_133, %dma_start3A_134] : memref<3328x16xf32, #tpu.memory_space<vmem>> -> memref<128x16xf32, #tpu.memory_space<vmem>>
      %dma_start3A_136 = arith.constant 0 : i32
      %dma_start3A_137 = tpu.memref_slice %arg7[%add3A_132, %dma_start3A_136] : memref<104x128xi32, #tpu.memory_space<vmem>> -> memref<1x128xi32, #tpu.memory_space<vmem>>
      %dma_start3A_138 = tpu.memref_squeeze %dma_start3A_137 : memref<1x128xi32, #tpu.memory_space<vmem>> -> memref<128xi32, #tpu.memory_space<vmem>>
      %dma_start3A_139 = arith.constant 0 : i32
      %dma_start3A_140 = arith.constant 0 : i32
      %dma_start3A_141 = tpu.memref_slice %arg3[%dma_start3A_139, %dma_start3A_140] : memref<1040000x16xf32, #tpu.memory_space<hbm>> -> memref<1040000x16xf32, #tpu.memory_space<hbm>>
      tpu.enqueue_indirect_dma source(%dma_start3A_141 : memref<1040000x16xf32, #tpu.memory_space<hbm>>) target(%dma_start3A_135 : memref<128x16xf32, #tpu.memory_space<vmem>>) offsets(%dma_start3A_138 : memref<128xi32, #tpu.memory_space<vmem>>) semaphore(%arg12 : memref<!tpu.dma_semaphore, #tpu.memory_space<semaphore_mem>>)
      %dma_start3A_142 = arith.constant 6 : i32
      %dma_start3A_143 = arith.constant 0 : i32
      %dma_start3A_144 = tpu.memref_slice %arg9[%dma_start3A_142, %dma_start3A_143] : memref<26x128xf32, #tpu.memory_space<vmem>> -> memref<1x128xf32, #tpu.memory_space<vmem>>
      %dma_start3A_145 = tpu.memref_squeeze %dma_start3A_144 : memref<1x128xf32, #tpu.memory_space<vmem>> -> memref<128xf32, #tpu.memory_space<vmem>>
      %dma_start3A_146 = arith.constant 0 : i32
      %dma_start3A_147 = tpu.memref_slice %arg7[%add3A_132, %dma_start3A_146] : memref<104x128xi32, #tpu.memory_space<vmem>> -> memref<1x128xi32, #tpu.memory_space<vmem>>
      %dma_start3A_148 = tpu.memref_squeeze %dma_start3A_147 : memref<1x128xi32, #tpu.memory_space<vmem>> -> memref<128xi32, #tpu.memory_space<vmem>>
      %dma_start3A_149 = arith.constant 0 : i32
      %dma_start3A_150 = tpu.memref_slice %arg4[%dma_start3A_149] : memref<1040000xf32, #tpu.memory_space<hbm>> -> memref<1040000xf32, #tpu.memory_space<hbm>>
      tpu.enqueue_indirect_dma source(%dma_start3A_150 : memref<1040000xf32, #tpu.memory_space<hbm>>) target(%dma_start3A_145 : memref<128xf32, #tpu.memory_space<vmem>>) offsets(%dma_start3A_148 : memref<128xi32, #tpu.memory_space<vmem>>) semaphore(%arg12 : memref<!tpu.dma_semaphore, #tpu.memory_space<semaphore_mem>>)
      %add3A_151 = arith.constant 28 : i32
      %add3A_152 = arith.addi %add3A_151, %add3A_11 : i32
      %dma_start3A_153 = arith.constant 896 : i32
      %dma_start3A_154 = arith.constant 0 : i32
      %dma_start3A_155 = tpu.memref_slice %arg8[%dma_start3A_153, %dma_start3A_154] : memref<3328x16xf32, #tpu.memory_space<vmem>> -> memref<128x16xf32, #tpu.memory_space<vmem>>
      %dma_start3A_156 = arith.constant 0 : i32
      %dma_start3A_157 = tpu.memref_slice %arg7[%add3A_152, %dma_start3A_156] : memref<104x128xi32, #tpu.memory_space<vmem>> -> memref<1x128xi32, #tpu.memory_space<vmem>>
      %dma_start3A_158 = tpu.memref_squeeze %dma_start3A_157 : memref<1x128xi32, #tpu.memory_space<vmem>> -> memref<128xi32, #tpu.memory_space<vmem>>
      %dma_start3A_159 = arith.constant 0 : i32
      %dma_start3A_160 = arith.constant 0 : i32
      %dma_start3A_161 = tpu.memref_slice %arg3[%dma_start3A_159, %dma_start3A_160] : memref<1040000x16xf32, #tpu.memory_space<hbm>> -> memref<1040000x16xf32, #tpu.memory_space<hbm>>
      tpu.enqueue_indirect_dma source(%dma_start3A_161 : memref<1040000x16xf32, #tpu.memory_space<hbm>>) target(%dma_start3A_155 : memref<128x16xf32, #tpu.memory_space<vmem>>) offsets(%dma_start3A_158 : memref<128xi32, #tpu.memory_space<vmem>>) semaphore(%arg12 : memref<!tpu.dma_semaphore, #tpu.memory_space<semaphore_mem>>)
      %dma_start3A_162 = arith.constant 7 : i32
      %dma_start3A_163 = arith.constant 0 : i32
      %dma_start3A_164 = tpu.memref_slice %arg9[%dma_start3A_162, %dma_start3A_163] : memref<26x128xf32, #tpu.memory_space<vmem>> -> memref<1x128xf32, #tpu.memory_space<vmem>>
      %dma_start3A_165 = tpu.memref_squeeze %dma_start3A_164 : memref<1x128xf32, #tpu.memory_space<vmem>> -> memref<128xf32, #tpu.memory_space<vmem>>
      %dma_start3A_166 = arith.constant 0 : i32
      %dma_start3A_167 = tpu.memref_slice %arg7[%add3A_152, %dma_start3A_166] : memref<104x128xi32, #tpu.memory_space<vmem>> -> memref<1x128xi32, #tpu.memory_space<vmem>>
      %dma_start3A_168 = tpu.memref_squeeze %dma_start3A_167 : memref<1x128xi32, #tpu.memory_space<vmem>> -> memref<128xi32, #tpu.memory_space<vmem>>
      %dma_start3A_169 = arith.constant 0 : i32
      %dma_start3A_170 = tpu.memref_slice %arg4[%dma_start3A_169] : memref<1040000xf32, #tpu.memory_space<hbm>> -> memref<1040000xf32, #tpu.memory_space<hbm>>
      tpu.enqueue_indirect_dma source(%dma_start3A_170 : memref<1040000xf32, #tpu.memory_space<hbm>>) target(%dma_start3A_165 : memref<128xf32, #tpu.memory_space<vmem>>) offsets(%dma_start3A_168 : memref<128xi32, #tpu.memory_space<vmem>>) semaphore(%arg12 : memref<!tpu.dma_semaphore, #tpu.memory_space<semaphore_mem>>)
      %add3A_171 = arith.constant 32 : i32
      %add3A_172 = arith.addi %add3A_171, %add3A_11 : i32
      %dma_start3A_173 = arith.constant 1024 : i32
      %dma_start3A_174 = arith.constant 0 : i32
      %dma_start3A_175 = tpu.memref_slice %arg8[%dma_start3A_173, %dma_start3A_174] : memref<3328x16xf32, #tpu.memory_space<vmem>> -> memref<128x16xf32, #tpu.memory_space<vmem>>
      %dma_start3A_176 = arith.constant 0 : i32
      %dma_start3A_177 = tpu.memref_slice %arg7[%add3A_172, %dma_start3A_176] : memref<104x128xi32, #tpu.memory_space<vmem>> -> memref<1x128xi32, #tpu.memory_space<vmem>>
      %dma_start3A_178 = tpu.memref_squeeze %dma_start3A_177 : memref<1x128xi32, #tpu.memory_space<vmem>> -> memref<128xi32, #tpu.memory_space<vmem>>
      %dma_start3A_179 = arith.constant 0 : i32
      %dma_start3A_180 = arith.constant 0 : i32
      %dma_start3A_181 = tpu.memref_slice %arg3[%dma_start3A_179, %dma_start3A_180] : memref<1040000x16xf32, #tpu.memory_space<hbm>> -> memref<1040000x16xf32, #tpu.memory_space<hbm>>
      tpu.enqueue_indirect_dma source(%dma_start3A_181 : memref<1040000x16xf32, #tpu.memory_space<hbm>>) target(%dma_start3A_175 : memref<128x16xf32, #tpu.memory_space<vmem>>) offsets(%dma_start3A_178 : memref<128xi32, #tpu.memory_space<vmem>>) semaphore(%arg12 : memref<!tpu.dma_semaphore, #tpu.memory_space<semaphore_mem>>)
      %dma_start3A_182 = arith.constant 8 : i32
      %dma_start3A_183 = arith.constant 0 : i32
      %dma_start3A_184 = tpu.memref_slice %arg9[%dma_start3A_182, %dma_start3A_183] : memref<26x128xf32, #tpu.memory_space<vmem>> -> memref<1x128xf32, #tpu.memory_space<vmem>>
      %dma_start3A_185 = tpu.memref_squeeze %dma_start3A_184 : memref<1x128xf32, #tpu.memory_space<vmem>> -> memref<128xf32, #tpu.memory_space<vmem>>
      %dma_start3A_186 = arith.constant 0 : i32
      %dma_start3A_187 = tpu.memref_slice %arg7[%add3A_172, %dma_start3A_186] : memref<104x128xi32, #tpu.memory_space<vmem>> -> memref<1x128xi32, #tpu.memory_space<vmem>>
      %dma_start3A_188 = tpu.memref_squeeze %dma_start3A_187 : memref<1x128xi32, #tpu.memory_space<vmem>> -> memref<128xi32, #tpu.memory_space<vmem>>
      %dma_start3A_189 = arith.constant 0 : i32
      %dma_start3A_190 = tpu.memref_slice %arg4[%dma_start3A_189] : memref<1040000xf32, #tpu.memory_space<hbm>> -> memref<1040000xf32, #tpu.memory_space<hbm>>
      tpu.enqueue_indirect_dma source(%dma_start3A_190 : memref<1040000xf32, #tpu.memory_space<hbm>>) target(%dma_start3A_185 : memref<128xf32, #tpu.memory_space<vmem>>) offsets(%dma_start3A_188 : memref<128xi32, #tpu.memory_space<vmem>>) semaphore(%arg12 : memref<!tpu.dma_semaphore, #tpu.memory_space<semaphore_mem>>)
      %add3A_191 = arith.constant 36 : i32
      %add3A_192 = arith.addi %add3A_191, %add3A_11 : i32
      %dma_start3A_193 = arith.constant 1152 : i32
      %dma_start3A_194 = arith.constant 0 : i32
      %dma_start3A_195 = tpu.memref_slice %arg8[%dma_start3A_193, %dma_start3A_194] : memref<3328x16xf32, #tpu.memory_space<vmem>> -> memref<128x16xf32, #tpu.memory_space<vmem>>
      %dma_start3A_196 = arith.constant 0 : i32
      %dma_start3A_197 = tpu.memref_slice %arg7[%add3A_192, %dma_start3A_196] : memref<104x128xi32, #tpu.memory_space<vmem>> -> memref<1x128xi32, #tpu.memory_space<vmem>>
      %dma_start3A_198 = tpu.memref_squeeze %dma_start3A_197 : memref<1x128xi32, #tpu.memory_space<vmem>> -> memref<128xi32, #tpu.memory_space<vmem>>
      %dma_start3A_199 = arith.constant 0 : i32
      %dma_start3A_200 = arith.constant 0 : i32
      %dma_start3A_201 = tpu.memref_slice %arg3[%dma_start3A_199, %dma_start3A_200] : memref<1040000x16xf32, #tpu.memory_space<hbm>> -> memref<1040000x16xf32, #tpu.memory_space<hbm>>
      tpu.enqueue_indirect_dma source(%dma_start3A_201 : memref<1040000x16xf32, #tpu.memory_space<hbm>>) target(%dma_start3A_195 : memref<128x16xf32, #tpu.memory_space<vmem>>) offsets(%dma_start3A_198 : memref<128xi32, #tpu.memory_space<vmem>>) semaphore(%arg12 : memref<!tpu.dma_semaphore, #tpu.memory_space<semaphore_mem>>)
      %dma_start3A_202 = arith.constant 9 : i32
      %dma_start3A_203 = arith.constant 0 : i32
      %dma_start3A_204 = tpu.memref_slice %arg9[%dma_start3A_202, %dma_start3A_203] : memref<26x128xf32, #tpu.memory_space<vmem>> -> memref<1x128xf32, #tpu.memory_space<vmem>>
      %dma_start3A_205 = tpu.memref_squeeze %dma_start3A_204 : memref<1x128xf32, #tpu.memory_space<vmem>> -> memref<128xf32, #tpu.memory_space<vmem>>
      %dma_start3A_206 = arith.constant 0 : i32
      %dma_start3A_207 = tpu.memref_slice %arg7[%add3A_192, %dma_start3A_206] : memref<104x128xi32, #tpu.memory_space<vmem>> -> memref<1x128xi32, #tpu.memory_space<vmem>>
      %dma_start3A_208 = tpu.memref_squeeze %dma_start3A_207 : memref<1x128xi32, #tpu.memory_space<vmem>> -> memref<128xi32, #tpu.memory_space<vmem>>
      %dma_start3A_209 = arith.constant 0 : i32
      %dma_start3A_210 = tpu.memref_slice %arg4[%dma_start3A_209] : memref<1040000xf32, #tpu.memory_space<hbm>> -> memref<1040000xf32, #tpu.memory_space<hbm>>
      tpu.enqueue_indirect_dma source(%dma_start3A_210 : memref<1040000xf32, #tpu.memory_space<hbm>>) target(%dma_start3A_205 : memref<128xf32, #tpu.memory_space<vmem>>) offsets(%dma_start3A_208 : memref<128xi32, #tpu.memory_space<vmem>>) semaphore(%arg12 : memref<!tpu.dma_semaphore, #tpu.memory_space<semaphore_mem>>)
      %add3A_211 = arith.constant 40 : i32
      %add3A_212 = arith.addi %add3A_211, %add3A_11 : i32
      %dma_start3A_213 = arith.constant 1280 : i32
      %dma_start3A_214 = arith.constant 0 : i32
      %dma_start3A_215 = tpu.memref_slice %arg8[%dma_start3A_213, %dma_start3A_214] : memref<3328x16xf32, #tpu.memory_space<vmem>> -> memref<128x16xf32, #tpu.memory_space<vmem>>
      %dma_start3A_216 = arith.constant 0 : i32
      %dma_start3A_217 = tpu.memref_slice %arg7[%add3A_212, %dma_start3A_216] : memref<104x128xi32, #tpu.memory_space<vmem>> -> memref<1x128xi32, #tpu.memory_space<vmem>>
      %dma_start3A_218 = tpu.memref_squeeze %dma_start3A_217 : memref<1x128xi32, #tpu.memory_space<vmem>> -> memref<128xi32, #tpu.memory_space<vmem>>
      %dma_start3A_219 = arith.constant 0 : i32
      %dma_start3A_220 = arith.constant 0 : i32
      %dma_start3A_221 = tpu.memref_slice %arg3[%dma_start3A_219, %dma_start3A_220] : memref<1040000x16xf32, #tpu.memory_space<hbm>> -> memref<1040000x16xf32, #tpu.memory_space<hbm>>
      tpu.enqueue_indirect_dma source(%dma_start3A_221 : memref<1040000x16xf32, #tpu.memory_space<hbm>>) target(%dma_start3A_215 : memref<128x16xf32, #tpu.memory_space<vmem>>) offsets(%dma_start3A_218 : memref<128xi32, #tpu.memory_space<vmem>>) semaphore(%arg12 : memref<!tpu.dma_semaphore, #tpu.memory_space<semaphore_mem>>)
      %dma_start3A_222 = arith.constant 10 : i32
      %dma_start3A_223 = arith.constant 0 : i32
      %dma_start3A_224 = tpu.memref_slice %arg9[%dma_start3A_222, %dma_start3A_223] : memref<26x128xf32, #tpu.memory_space<vmem>> -> memref<1x128xf32, #tpu.memory_space<vmem>>
      %dma_start3A_225 = tpu.memref_squeeze %dma_start3A_224 : memref<1x128xf32, #tpu.memory_space<vmem>> -> memref<128xf32, #tpu.memory_space<vmem>>
      %dma_start3A_226 = arith.constant 0 : i32
      %dma_start3A_227 = tpu.memref_slice %arg7[%add3A_212, %dma_start3A_226] : memref<104x128xi32, #tpu.memory_space<vmem>> -> memref<1x128xi32, #tpu.memory_space<vmem>>
      %dma_start3A_228 = tpu.memref_squeeze %dma_start3A_227 : memref<1x128xi32, #tpu.memory_space<vmem>> -> memref<128xi32, #tpu.memory_space<vmem>>
      %dma_start3A_229 = arith.constant 0 : i32
      %dma_start3A_230 = tpu.memref_slice %arg4[%dma_start3A_229] : memref<1040000xf32, #tpu.memory_space<hbm>> -> memref<1040000xf32, #tpu.memory_space<hbm>>
      tpu.enqueue_indirect_dma source(%dma_start3A_230 : memref<1040000xf32, #tpu.memory_space<hbm>>) target(%dma_start3A_225 : memref<128xf32, #tpu.memory_space<vmem>>) offsets(%dma_start3A_228 : memref<128xi32, #tpu.memory_space<vmem>>) semaphore(%arg12 : memref<!tpu.dma_semaphore, #tpu.memory_space<semaphore_mem>>)
      %add3A_231 = arith.constant 44 : i32
      %add3A_232 = arith.addi %add3A_231, %add3A_11 : i32
      %dma_start3A_233 = arith.constant 1408 : i32
      %dma_start3A_234 = arith.constant 0 : i32
      %dma_start3A_235 = tpu.memref_slice %arg8[%dma_start3A_233, %dma_start3A_234] : memref<3328x16xf32, #tpu.memory_space<vmem>> -> memref<128x16xf32, #tpu.memory_space<vmem>>
      %dma_start3A_236 = arith.constant 0 : i32
      %dma_start3A_237 = tpu.memref_slice %arg7[%add3A_232, %dma_start3A_236] : memref<104x128xi32, #tpu.memory_space<vmem>> -> memref<1x128xi32, #tpu.memory_space<vmem>>
      %dma_start3A_238 = tpu.memref_squeeze %dma_start3A_237 : memref<1x128xi32, #tpu.memory_space<vmem>> -> memref<128xi32, #tpu.memory_space<vmem>>
      %dma_start3A_239 = arith.constant 0 : i32
      %dma_start3A_240 = arith.constant 0 : i32
      %dma_start3A_241 = tpu.memref_slice %arg3[%dma_start3A_239, %dma_start3A_240] : memref<1040000x16xf32, #tpu.memory_space<hbm>> -> memref<1040000x16xf32, #tpu.memory_space<hbm>>
      tpu.enqueue_indirect_dma source(%dma_start3A_241 : memref<1040000x16xf32, #tpu.memory_space<hbm>>) target(%dma_start3A_235 : memref<128x16xf32, #tpu.memory_space<vmem>>) offsets(%dma_start3A_238 : memref<128xi32, #tpu.memory_space<vmem>>) semaphore(%arg12 : memref<!tpu.dma_semaphore, #tpu.memory_space<semaphore_mem>>)
      %dma_start3A_242 = arith.constant 11 : i32
      %dma_start3A_243 = arith.constant 0 : i32
      %dma_start3A_244 = tpu.memref_slice %arg9[%dma_start3A_242, %dma_start3A_243] : memref<26x128xf32, #tpu.memory_space<vmem>> -> memref<1x128xf32, #tpu.memory_space<vmem>>
      %dma_start3A_245 = tpu.memref_squeeze %dma_start3A_244 : memref<1x128xf32, #tpu.memory_space<vmem>> -> memref<128xf32, #tpu.memory_space<vmem>>
      %dma_start3A_246 = arith.constant 0 : i32
      %dma_start3A_247 = tpu.memref_slice %arg7[%add3A_232, %dma_start3A_246] : memref<104x128xi32, #tpu.memory_space<vmem>> -> memref<1x128xi32, #tpu.memory_space<vmem>>
      %dma_start3A_248 = tpu.memref_squeeze %dma_start3A_247 : memref<1x128xi32, #tpu.memory_space<vmem>> -> memref<128xi32, #tpu.memory_space<vmem>>
      %dma_start3A_249 = arith.constant 0 : i32
      %dma_start3A_250 = tpu.memref_slice %arg4[%dma_start3A_249] : memref<1040000xf32, #tpu.memory_space<hbm>> -> memref<1040000xf32, #tpu.memory_space<hbm>>
      tpu.enqueue_indirect_dma source(%dma_start3A_250 : memref<1040000xf32, #tpu.memory_space<hbm>>) target(%dma_start3A_245 : memref<128xf32, #tpu.memory_space<vmem>>) offsets(%dma_start3A_248 : memref<128xi32, #tpu.memory_space<vmem>>) semaphore(%arg12 : memref<!tpu.dma_semaphore, #tpu.memory_space<semaphore_mem>>)
      %add3A_251 = arith.constant 48 : i32
      %add3A_252 = arith.addi %add3A_251, %add3A_11 : i32
      %dma_start3A_253 = arith.constant 1536 : i32
      %dma_start3A_254 = arith.constant 0 : i32
      %dma_start3A_255 = tpu.memref_slice %arg8[%dma_start3A_253, %dma_start3A_254] : memref<3328x16xf32, #tpu.memory_space<vmem>> -> memref<128x16xf32, #tpu.memory_space<vmem>>
      %dma_start3A_256 = arith.constant 0 : i32
      %dma_start3A_257 = tpu.memref_slice %arg7[%add3A_252, %dma_start3A_256] : memref<104x128xi32, #tpu.memory_space<vmem>> -> memref<1x128xi32, #tpu.memory_space<vmem>>
      %dma_start3A_258 = tpu.memref_squeeze %dma_start3A_257 : memref<1x128xi32, #tpu.memory_space<vmem>> -> memref<128xi32, #tpu.memory_space<vmem>>
      %dma_start3A_259 = arith.constant 0 : i32
      %dma_start3A_260 = arith.constant 0 : i32
      %dma_start3A_261 = tpu.memref_slice %arg3[%dma_start3A_259, %dma_start3A_260] : memref<1040000x16xf32, #tpu.memory_space<hbm>> -> memref<1040000x16xf32, #tpu.memory_space<hbm>>
      tpu.enqueue_indirect_dma source(%dma_start3A_261 : memref<1040000x16xf32, #tpu.memory_space<hbm>>) target(%dma_start3A_255 : memref<128x16xf32, #tpu.memory_space<vmem>>) offsets(%dma_start3A_258 : memref<128xi32, #tpu.memory_space<vmem>>) semaphore(%arg12 : memref<!tpu.dma_semaphore, #tpu.memory_space<semaphore_mem>>)
      %dma_start3A_262 = arith.constant 12 : i32
      %dma_start3A_263 = arith.constant 0 : i32
      %dma_start3A_264 = tpu.memref_slice %arg9[%dma_start3A_262, %dma_start3A_263] : memref<26x128xf32, #tpu.memory_space<vmem>> -> memref<1x128xf32, #tpu.memory_space<vmem>>
      %dma_start3A_265 = tpu.memref_squeeze %dma_start3A_264 : memref<1x128xf32, #tpu.memory_space<vmem>> -> memref<128xf32, #tpu.memory_space<vmem>>
      %dma_start3A_266 = arith.constant 0 : i32
      %dma_start3A_267 = tpu.memref_slice %arg7[%add3A_252, %dma_start3A_266] : memref<104x128xi32, #tpu.memory_space<vmem>> -> memref<1x128xi32, #tpu.memory_space<vmem>>
      %dma_start3A_268 = tpu.memref_squeeze %dma_start3A_267 : memref<1x128xi32, #tpu.memory_space<vmem>> -> memref<128xi32, #tpu.memory_space<vmem>>
      %dma_start3A_269 = arith.constant 0 : i32
      %dma_start3A_270 = tpu.memref_slice %arg4[%dma_start3A_269] : memref<1040000xf32, #tpu.memory_space<hbm>> -> memref<1040000xf32, #tpu.memory_space<hbm>>
      tpu.enqueue_indirect_dma source(%dma_start3A_270 : memref<1040000xf32, #tpu.memory_space<hbm>>) target(%dma_start3A_265 : memref<128xf32, #tpu.memory_space<vmem>>) offsets(%dma_start3A_268 : memref<128xi32, #tpu.memory_space<vmem>>) semaphore(%arg12 : memref<!tpu.dma_semaphore, #tpu.memory_space<semaphore_mem>>)
      %add3A_271 = arith.constant 52 : i32
      %add3A_272 = arith.addi %add3A_271, %add3A_11 : i32
      %dma_start3A_273 = arith.constant 1664 : i32
      %dma_start3A_274 = arith.constant 0 : i32
      %dma_start3A_275 = tpu.memref_slice %arg8[%dma_start3A_273, %dma_start3A_274] : memref<3328x16xf32, #tpu.memory_space<vmem>> -> memref<128x16xf32, #tpu.memory_space<vmem>>
      %dma_start3A_276 = arith.constant 0 : i32
      %dma_start3A_277 = tpu.memref_slice %arg7[%add3A_272, %dma_start3A_276] : memref<104x128xi32, #tpu.memory_space<vmem>> -> memref<1x128xi32, #tpu.memory_space<vmem>>
      %dma_start3A_278 = tpu.memref_squeeze %dma_start3A_277 : memref<1x128xi32, #tpu.memory_space<vmem>> -> memref<128xi32, #tpu.memory_space<vmem>>
      %dma_start3A_279 = arith.constant 0 : i32
      %dma_start3A_280 = arith.constant 0 : i32
      %dma_start3A_281 = tpu.memref_slice %arg3[%dma_start3A_279, %dma_start3A_280] : memref<1040000x16xf32, #tpu.memory_space<hbm>> -> memref<1040000x16xf32, #tpu.memory_space<hbm>>
      tpu.enqueue_indirect_dma source(%dma_start3A_281 : memref<1040000x16xf32, #tpu.memory_space<hbm>>) target(%dma_start3A_275 : memref<128x16xf32, #tpu.memory_space<vmem>>) offsets(%dma_start3A_278 : memref<128xi32, #tpu.memory_space<vmem>>) semaphore(%arg12 : memref<!tpu.dma_semaphore, #tpu.memory_space<semaphore_mem>>)
      %dma_start3A_282 = arith.constant 13 : i32
      %dma_start3A_283 = arith.constant 0 : i32
      %dma_start3A_284 = tpu.memref_slice %arg9[%dma_start3A_282, %dma_start3A_283] : memref<26x128xf32, #tpu.memory_space<vmem>> -> memref<1x128xf32, #tpu.memory_space<vmem>>
      %dma_start3A_285 = tpu.memref_squeeze %dma_start3A_284 : memref<1x128xf32, #tpu.memory_space<vmem>> -> memref<128xf32, #tpu.memory_space<vmem>>
      %dma_start3A_286 = arith.constant 0 : i32
      %dma_start3A_287 = tpu.memref_slice %arg7[%add3A_272, %dma_start3A_286] : memref<104x128xi32, #tpu.memory_space<vmem>> -> memref<1x128xi32, #tpu.memory_space<vmem>>
      %dma_start3A_288 = tpu.memref_squeeze %dma_start3A_287 : memref<1x128xi32, #tpu.memory_space<vmem>> -> memref<128xi32, #tpu.memory_space<vmem>>
      %dma_start3A_289 = arith.constant 0 : i32
      %dma_start3A_290 = tpu.memref_slice %arg4[%dma_start3A_289] : memref<1040000xf32, #tpu.memory_space<hbm>> -> memref<1040000xf32, #tpu.memory_space<hbm>>
      tpu.enqueue_indirect_dma source(%dma_start3A_290 : memref<1040000xf32, #tpu.memory_space<hbm>>) target(%dma_start3A_285 : memref<128xf32, #tpu.memory_space<vmem>>) offsets(%dma_start3A_288 : memref<128xi32, #tpu.memory_space<vmem>>) semaphore(%arg12 : memref<!tpu.dma_semaphore, #tpu.memory_space<semaphore_mem>>)
      %add3A_291 = arith.constant 56 : i32
      %add3A_292 = arith.addi %add3A_291, %add3A_11 : i32
      %dma_start3A_293 = arith.constant 1792 : i32
      %dma_start3A_294 = arith.constant 0 : i32
      %dma_start3A_295 = tpu.memref_slice %arg8[%dma_start3A_293, %dma_start3A_294] : memref<3328x16xf32, #tpu.memory_space<vmem>> -> memref<128x16xf32, #tpu.memory_space<vmem>>
      %dma_start3A_296 = arith.constant 0 : i32
      %dma_start3A_297 = tpu.memref_slice %arg7[%add3A_292, %dma_start3A_296] : memref<104x128xi32, #tpu.memory_space<vmem>> -> memref<1x128xi32, #tpu.memory_space<vmem>>
      %dma_start3A_298 = tpu.memref_squeeze %dma_start3A_297 : memref<1x128xi32, #tpu.memory_space<vmem>> -> memref<128xi32, #tpu.memory_space<vmem>>
      %dma_start3A_299 = arith.constant 0 : i32
      %dma_start3A_300 = arith.constant 0 : i32
      %dma_start3A_301 = tpu.memref_slice %arg3[%dma_start3A_299, %dma_start3A_300] : memref<1040000x16xf32, #tpu.memory_space<hbm>> -> memref<1040000x16xf32, #tpu.memory_space<hbm>>
      tpu.enqueue_indirect_dma source(%dma_start3A_301 : memref<1040000x16xf32, #tpu.memory_space<hbm>>) target(%dma_start3A_295 : memref<128x16xf32, #tpu.memory_space<vmem>>) offsets(%dma_start3A_298 : memref<128xi32, #tpu.memory_space<vmem>>) semaphore(%arg12 : memref<!tpu.dma_semaphore, #tpu.memory_space<semaphore_mem>>)
      %dma_start3A_302 = arith.constant 14 : i32
      %dma_start3A_303 = arith.constant 0 : i32
      %dma_start3A_304 = tpu.memref_slice %arg9[%dma_start3A_302, %dma_start3A_303] : memref<26x128xf32, #tpu.memory_space<vmem>> -> memref<1x128xf32, #tpu.memory_space<vmem>>
      %dma_start3A_305 = tpu.memref_squeeze %dma_start3A_304 : memref<1x128xf32, #tpu.memory_space<vmem>> -> memref<128xf32, #tpu.memory_space<vmem>>
      %dma_start3A_306 = arith.constant 0 : i32
      %dma_start3A_307 = tpu.memref_slice %arg7[%add3A_292, %dma_start3A_306] : memref<104x128xi32, #tpu.memory_space<vmem>> -> memref<1x128xi32, #tpu.memory_space<vmem>>
      %dma_start3A_308 = tpu.memref_squeeze %dma_start3A_307 : memref<1x128xi32, #tpu.memory_space<vmem>> -> memref<128xi32, #tpu.memory_space<vmem>>
      %dma_start3A_309 = arith.constant 0 : i32
      %dma_start3A_310 = tpu.memref_slice %arg4[%dma_start3A_309] : memref<1040000xf32, #tpu.memory_space<hbm>> -> memref<1040000xf32, #tpu.memory_space<hbm>>
      tpu.enqueue_indirect_dma source(%dma_start3A_310 : memref<1040000xf32, #tpu.memory_space<hbm>>) target(%dma_start3A_305 : memref<128xf32, #tpu.memory_space<vmem>>) offsets(%dma_start3A_308 : memref<128xi32, #tpu.memory_space<vmem>>) semaphore(%arg12 : memref<!tpu.dma_semaphore, #tpu.memory_space<semaphore_mem>>)
      %add3A_311 = arith.constant 60 : i32
      %add3A_312 = arith.addi %add3A_311, %add3A_11 : i32
      %dma_start3A_313 = arith.constant 1920 : i32
      %dma_start3A_314 = arith.constant 0 : i32
      %dma_start3A_315 = tpu.memref_slice %arg8[%dma_start3A_313, %dma_start3A_314] : memref<3328x16xf32, #tpu.memory_space<vmem>> -> memref<128x16xf32, #tpu.memory_space<vmem>>
      %dma_start3A_316 = arith.constant 0 : i32
      %dma_start3A_317 = tpu.memref_slice %arg7[%add3A_312, %dma_start3A_316] : memref<104x128xi32, #tpu.memory_space<vmem>> -> memref<1x128xi32, #tpu.memory_space<vmem>>
      %dma_start3A_318 = tpu.memref_squeeze %dma_start3A_317 : memref<1x128xi32, #tpu.memory_space<vmem>> -> memref<128xi32, #tpu.memory_space<vmem>>
      %dma_start3A_319 = arith.constant 0 : i32
      %dma_start3A_320 = arith.constant 0 : i32
      %dma_start3A_321 = tpu.memref_slice %arg3[%dma_start3A_319, %dma_start3A_320] : memref<1040000x16xf32, #tpu.memory_space<hbm>> -> memref<1040000x16xf32, #tpu.memory_space<hbm>>
      tpu.enqueue_indirect_dma source(%dma_start3A_321 : memref<1040000x16xf32, #tpu.memory_space<hbm>>) target(%dma_start3A_315 : memref<128x16xf32, #tpu.memory_space<vmem>>) offsets(%dma_start3A_318 : memref<128xi32, #tpu.memory_space<vmem>>) semaphore(%arg12 : memref<!tpu.dma_semaphore, #tpu.memory_space<semaphore_mem>>)
      %dma_start3A_322 = arith.constant 15 : i32
      %dma_start3A_323 = arith.constant 0 : i32
      %dma_start3A_324 = tpu.memref_slice %arg9[%dma_start3A_322, %dma_start3A_323] : memref<26x128xf32, #tpu.memory_space<vmem>> -> memref<1x128xf32, #tpu.memory_space<vmem>>
      %dma_start3A_325 = tpu.memref_squeeze %dma_start3A_324 : memref<1x128xf32, #tpu.memory_space<vmem>> -> memref<128xf32, #tpu.memory_space<vmem>>
      %dma_start3A_326 = arith.constant 0 : i32
      %dma_start3A_327 = tpu.memref_slice %arg7[%add3A_312, %dma_start3A_326] : memref<104x128xi32, #tpu.memory_space<vmem>> -> memref<1x128xi32, #tpu.memory_space<vmem>>
      %dma_start3A_328 = tpu.memref_squeeze %dma_start3A_327 : memref<1x128xi32, #tpu.memory_space<vmem>> -> memref<128xi32, #tpu.memory_space<vmem>>
      %dma_start3A_329 = arith.constant 0 : i32
      %dma_start3A_330 = tpu.memref_slice %arg4[%dma_start3A_329] : memref<1040000xf32, #tpu.memory_space<hbm>> -> memref<1040000xf32, #tpu.memory_space<hbm>>
      tpu.enqueue_indirect_dma source(%dma_start3A_330 : memref<1040000xf32, #tpu.memory_space<hbm>>) target(%dma_start3A_325 : memref<128xf32, #tpu.memory_space<vmem>>) offsets(%dma_start3A_328 : memref<128xi32, #tpu.memory_space<vmem>>) semaphore(%arg12 : memref<!tpu.dma_semaphore, #tpu.memory_space<semaphore_mem>>)
      %add3A_331 = arith.constant 64 : i32
      %add3A_332 = arith.addi %add3A_331, %add3A_11 : i32
      %dma_start3A_333 = arith.constant 2048 : i32
      %dma_start3A_334 = arith.constant 0 : i32
      %dma_start3A_335 = tpu.memref_slice %arg8[%dma_start3A_333, %dma_start3A_334] : memref<3328x16xf32, #tpu.memory_space<vmem>> -> memref<128x16xf32, #tpu.memory_space<vmem>>
      %dma_start3A_336 = arith.constant 0 : i32
      %dma_start3A_337 = tpu.memref_slice %arg7[%add3A_332, %dma_start3A_336] : memref<104x128xi32, #tpu.memory_space<vmem>> -> memref<1x128xi32, #tpu.memory_space<vmem>>
      %dma_start3A_338 = tpu.memref_squeeze %dma_start3A_337 : memref<1x128xi32, #tpu.memory_space<vmem>> -> memref<128xi32, #tpu.memory_space<vmem>>
      %dma_start3A_339 = arith.constant 0 : i32
      %dma_start3A_340 = arith.constant 0 : i32
      %dma_start3A_341 = tpu.memref_slice %arg3[%dma_start3A_339, %dma_start3A_340] : memref<1040000x16xf32, #tpu.memory_space<hbm>> -> memref<1040000x16xf32, #tpu.memory_space<hbm>>
      tpu.enqueue_indirect_dma source(%dma_start3A_341 : memref<1040000x16xf32, #tpu.memory_space<hbm>>) target(%dma_start3A_335 : memref<128x16xf32, #tpu.memory_space<vmem>>) offsets(%dma_start3A_338 : memref<128xi32, #tpu.memory_space<vmem>>) semaphore(%arg12 : memref<!tpu.dma_semaphore, #tpu.memory_space<semaphore_mem>>)
      %dma_start3A_342 = arith.constant 16 : i32
      %dma_start3A_343 = arith.constant 0 : i32
      %dma_start3A_344 = tpu.memref_slice %arg9[%dma_start3A_342, %dma_start3A_343] : memref<26x128xf32, #tpu.memory_space<vmem>> -> memref<1x128xf32, #tpu.memory_space<vmem>>
      %dma_start3A_345 = tpu.memref_squeeze %dma_start3A_344 : memref<1x128xf32, #tpu.memory_space<vmem>> -> memref<128xf32, #tpu.memory_space<vmem>>
      %dma_start3A_346 = arith.constant 0 : i32
      %dma_start3A_347 = tpu.memref_slice %arg7[%add3A_332, %dma_start3A_346] : memref<104x128xi32, #tpu.memory_space<vmem>> -> memref<1x128xi32, #tpu.memory_space<vmem>>
      %dma_start3A_348 = tpu.memref_squeeze %dma_start3A_347 : memref<1x128xi32, #tpu.memory_space<vmem>> -> memref<128xi32, #tpu.memory_space<vmem>>
      %dma_start3A_349 = arith.constant 0 : i32
      %dma_start3A_350 = tpu.memref_slice %arg4[%dma_start3A_349] : memref<1040000xf32, #tpu.memory_space<hbm>> -> memref<1040000xf32, #tpu.memory_space<hbm>>
      tpu.enqueue_indirect_dma source(%dma_start3A_350 : memref<1040000xf32, #tpu.memory_space<hbm>>) target(%dma_start3A_345 : memref<128xf32, #tpu.memory_space<vmem>>) offsets(%dma_start3A_348 : memref<128xi32, #tpu.memory_space<vmem>>) semaphore(%arg12 : memref<!tpu.dma_semaphore, #tpu.memory_space<semaphore_mem>>)
      %add3A_351 = arith.constant 68 : i32
      %add3A_352 = arith.addi %add3A_351, %add3A_11 : i32
      %dma_start3A_353 = arith.constant 2176 : i32
      %dma_start3A_354 = arith.constant 0 : i32
      %dma_start3A_355 = tpu.memref_slice %arg8[%dma_start3A_353, %dma_start3A_354] : memref<3328x16xf32, #tpu.memory_space<vmem>> -> memref<128x16xf32, #tpu.memory_space<vmem>>
      %dma_start3A_356 = arith.constant 0 : i32
      %dma_start3A_357 = tpu.memref_slice %arg7[%add3A_352, %dma_start3A_356] : memref<104x128xi32, #tpu.memory_space<vmem>> -> memref<1x128xi32, #tpu.memory_space<vmem>>
      %dma_start3A_358 = tpu.memref_squeeze %dma_start3A_357 : memref<1x128xi32, #tpu.memory_space<vmem>> -> memref<128xi32, #tpu.memory_space<vmem>>
      %dma_start3A_359 = arith.constant 0 : i32
      %dma_start3A_360 = arith.constant 0 : i32
      %dma_start3A_361 = tpu.memref_slice %arg3[%dma_start3A_359, %dma_start3A_360] : memref<1040000x16xf32, #tpu.memory_space<hbm>> -> memref<1040000x16xf32, #tpu.memory_space<hbm>>
      tpu.enqueue_indirect_dma source(%dma_start3A_361 : memref<1040000x16xf32, #tpu.memory_space<hbm>>) target(%dma_start3A_355 : memref<128x16xf32, #tpu.memory_space<vmem>>) offsets(%dma_start3A_358 : memref<128xi32, #tpu.memory_space<vmem>>) semaphore(%arg12 : memref<!tpu.dma_semaphore, #tpu.memory_space<semaphore_mem>>)
      %dma_start3A_362 = arith.constant 17 : i32
      %dma_start3A_363 = arith.constant 0 : i32
      %dma_start3A_364 = tpu.memref_slice %arg9[%dma_start3A_362, %dma_start3A_363] : memref<26x128xf32, #tpu.memory_space<vmem>> -> memref<1x128xf32, #tpu.memory_space<vmem>>
      %dma_start3A_365 = tpu.memref_squeeze %dma_start3A_364 : memref<1x128xf32, #tpu.memory_space<vmem>> -> memref<128xf32, #tpu.memory_space<vmem>>
      %dma_start3A_366 = arith.constant 0 : i32
      %dma_start3A_367 = tpu.memref_slice %arg7[%add3A_352, %dma_start3A_366] : memref<104x128xi32, #tpu.memory_space<vmem>> -> memref<1x128xi32, #tpu.memory_space<vmem>>
      %dma_start3A_368 = tpu.memref_squeeze %dma_start3A_367 : memref<1x128xi32, #tpu.memory_space<vmem>> -> memref<128xi32, #tpu.memory_space<vmem>>
      %dma_start3A_369 = arith.constant 0 : i32
      %dma_start3A_370 = tpu.memref_slice %arg4[%dma_start3A_369] : memref<1040000xf32, #tpu.memory_space<hbm>> -> memref<1040000xf32, #tpu.memory_space<hbm>>
      tpu.enqueue_indirect_dma source(%dma_start3A_370 : memref<1040000xf32, #tpu.memory_space<hbm>>) target(%dma_start3A_365 : memref<128xf32, #tpu.memory_space<vmem>>) offsets(%dma_start3A_368 : memref<128xi32, #tpu.memory_space<vmem>>) semaphore(%arg12 : memref<!tpu.dma_semaphore, #tpu.memory_space<semaphore_mem>>)
      %add3A_371 = arith.constant 72 : i32
      %add3A_372 = arith.addi %add3A_371, %add3A_11 : i32
      %dma_start3A_373 = arith.constant 2304 : i32
      %dma_start3A_374 = arith.constant 0 : i32
      %dma_start3A_375 = tpu.memref_slice %arg8[%dma_start3A_373, %dma_start3A_374] : memref<3328x16xf32, #tpu.memory_space<vmem>> -> memref<128x16xf32, #tpu.memory_space<vmem>>
      %dma_start3A_376 = arith.constant 0 : i32
      %dma_start3A_377 = tpu.memref_slice %arg7[%add3A_372, %dma_start3A_376] : memref<104x128xi32, #tpu.memory_space<vmem>> -> memref<1x128xi32, #tpu.memory_space<vmem>>
      %dma_start3A_378 = tpu.memref_squeeze %dma_start3A_377 : memref<1x128xi32, #tpu.memory_space<vmem>> -> memref<128xi32, #tpu.memory_space<vmem>>
      %dma_start3A_379 = arith.constant 0 : i32
      %dma_start3A_380 = arith.constant 0 : i32
      %dma_start3A_381 = tpu.memref_slice %arg3[%dma_start3A_379, %dma_start3A_380] : memref<1040000x16xf32, #tpu.memory_space<hbm>> -> memref<1040000x16xf32, #tpu.memory_space<hbm>>
      tpu.enqueue_indirect_dma source(%dma_start3A_381 : memref<1040000x16xf32, #tpu.memory_space<hbm>>) target(%dma_start3A_375 : memref<128x16xf32, #tpu.memory_space<vmem>>) offsets(%dma_start3A_378 : memref<128xi32, #tpu.memory_space<vmem>>) semaphore(%arg12 : memref<!tpu.dma_semaphore, #tpu.memory_space<semaphore_mem>>)
      %dma_start3A_382 = arith.constant 18 : i32
      %dma_start3A_383 = arith.constant 0 : i32
      %dma_start3A_384 = tpu.memref_slice %arg9[%dma_start3A_382, %dma_start3A_383] : memref<26x128xf32, #tpu.memory_space<vmem>> -> memref<1x128xf32, #tpu.memory_space<vmem>>
      %dma_start3A_385 = tpu.memref_squeeze %dma_start3A_384 : memref<1x128xf32, #tpu.memory_space<vmem>> -> memref<128xf32, #tpu.memory_space<vmem>>
      %dma_start3A_386 = arith.constant 0 : i32
      %dma_start3A_387 = tpu.memref_slice %arg7[%add3A_372, %dma_start3A_386] : memref<104x128xi32, #tpu.memory_space<vmem>> -> memref<1x128xi32, #tpu.memory_space<vmem>>
      %dma_start3A_388 = tpu.memref_squeeze %dma_start3A_387 : memref<1x128xi32, #tpu.memory_space<vmem>> -> memref<128xi32, #tpu.memory_space<vmem>>
      %dma_start3A_389 = arith.constant 0 : i32
      %dma_start3A_390 = tpu.memref_slice %arg4[%dma_start3A_389] : memref<1040000xf32, #tpu.memory_space<hbm>> -> memref<1040000xf32, #tpu.memory_space<hbm>>
      tpu.enqueue_indirect_dma source(%dma_start3A_390 : memref<1040000xf32, #tpu.memory_space<hbm>>) target(%dma_start3A_385 : memref<128xf32, #tpu.memory_space<vmem>>) offsets(%dma_start3A_388 : memref<128xi32, #tpu.memory_space<vmem>>) semaphore(%arg12 : memref<!tpu.dma_semaphore, #tpu.memory_space<semaphore_mem>>)
      %add3A_391 = arith.constant 76 : i32
      %add3A_392 = arith.addi %add3A_391, %add3A_11 : i32
      %dma_start3A_393 = arith.constant 2432 : i32
      %dma_start3A_394 = arith.constant 0 : i32
      %dma_start3A_395 = tpu.memref_slice %arg8[%dma_start3A_393, %dma_start3A_394] : memref<3328x16xf32, #tpu.memory_space<vmem>> -> memref<128x16xf32, #tpu.memory_space<vmem>>
      %dma_start3A_396 = arith.constant 0 : i32
      %dma_start3A_397 = tpu.memref_slice %arg7[%add3A_392, %dma_start3A_396] : memref<104x128xi32, #tpu.memory_space<vmem>> -> memref<1x128xi32, #tpu.memory_space<vmem>>
      %dma_start3A_398 = tpu.memref_squeeze %dma_start3A_397 : memref<1x128xi32, #tpu.memory_space<vmem>> -> memref<128xi32, #tpu.memory_space<vmem>>
      %dma_start3A_399 = arith.constant 0 : i32
      %dma_start3A_400 = arith.constant 0 : i32
      %dma_start3A_401 = tpu.memref_slice %arg3[%dma_start3A_399, %dma_start3A_400] : memref<1040000x16xf32, #tpu.memory_space<hbm>> -> memref<1040000x16xf32, #tpu.memory_space<hbm>>
      tpu.enqueue_indirect_dma source(%dma_start3A_401 : memref<1040000x16xf32, #tpu.memory_space<hbm>>) target(%dma_start3A_395 : memref<128x16xf32, #tpu.memory_space<vmem>>) offsets(%dma_start3A_398 : memref<128xi32, #tpu.memory_space<vmem>>) semaphore(%arg12 : memref<!tpu.dma_semaphore, #tpu.memory_space<semaphore_mem>>)
      %dma_start3A_402 = arith.constant 19 : i32
      %dma_start3A_403 = arith.constant 0 : i32
      %dma_start3A_404 = tpu.memref_slice %arg9[%dma_start3A_402, %dma_start3A_403] : memref<26x128xf32, #tpu.memory_space<vmem>> -> memref<1x128xf32, #tpu.memory_space<vmem>>
      %dma_start3A_405 = tpu.memref_squeeze %dma_start3A_404 : memref<1x128xf32, #tpu.memory_space<vmem>> -> memref<128xf32, #tpu.memory_space<vmem>>
      %dma_start3A_406 = arith.constant 0 : i32
      %dma_start3A_407 = tpu.memref_slice %arg7[%add3A_392, %dma_start3A_406] : memref<104x128xi32, #tpu.memory_space<vmem>> -> memref<1x128xi32, #tpu.memory_space<vmem>>
      %dma_start3A_408 = tpu.memref_squeeze %dma_start3A_407 : memref<1x128xi32, #tpu.memory_space<vmem>> -> memref<128xi32, #tpu.memory_space<vmem>>
      %dma_start3A_409 = arith.constant 0 : i32
      %dma_start3A_410 = tpu.memref_slice %arg4[%dma_start3A_409] : memref<1040000xf32, #tpu.memory_space<hbm>> -> memref<1040000xf32, #tpu.memory_space<hbm>>
      tpu.enqueue_indirect_dma source(%dma_start3A_410 : memref<1040000xf32, #tpu.memory_space<hbm>>) target(%dma_start3A_405 : memref<128xf32, #tpu.memory_space<vmem>>) offsets(%dma_start3A_408 : memref<128xi32, #tpu.memory_space<vmem>>) semaphore(%arg12 : memref<!tpu.dma_semaphore, #tpu.memory_space<semaphore_mem>>)
      %add3A_411 = arith.constant 80 : i32
      %add3A_412 = arith.addi %add3A_411, %add3A_11 : i32
      %dma_start3A_413 = arith.constant 2560 : i32
      %dma_start3A_414 = arith.constant 0 : i32
      %dma_start3A_415 = tpu.memref_slice %arg8[%dma_start3A_413, %dma_start3A_414] : memref<3328x16xf32, #tpu.memory_space<vmem>> -> memref<128x16xf32, #tpu.memory_space<vmem>>
      %dma_start3A_416 = arith.constant 0 : i32
      %dma_start3A_417 = tpu.memref_slice %arg7[%add3A_412, %dma_start3A_416] : memref<104x128xi32, #tpu.memory_space<vmem>> -> memref<1x128xi32, #tpu.memory_space<vmem>>
      %dma_start3A_418 = tpu.memref_squeeze %dma_start3A_417 : memref<1x128xi32, #tpu.memory_space<vmem>> -> memref<128xi32, #tpu.memory_space<vmem>>
      %dma_start3A_419 = arith.constant 0 : i32
      %dma_start3A_420 = arith.constant 0 : i32
      %dma_start3A_421 = tpu.memref_slice %arg3[%dma_start3A_419, %dma_start3A_420] : memref<1040000x16xf32, #tpu.memory_space<hbm>> -> memref<1040000x16xf32, #tpu.memory_space<hbm>>
      tpu.enqueue_indirect_dma source(%dma_start3A_421 : memref<1040000x16xf32, #tpu.memory_space<hbm>>) target(%dma_start3A_415 : memref<128x16xf32, #tpu.memory_space<vmem>>) offsets(%dma_start3A_418 : memref<128xi32, #tpu.memory_space<vmem>>) semaphore(%arg12 : memref<!tpu.dma_semaphore, #tpu.memory_space<semaphore_mem>>)
      %dma_start3A_422 = arith.constant 20 : i32
      %dma_start3A_423 = arith.constant 0 : i32
      %dma_start3A_424 = tpu.memref_slice %arg9[%dma_start3A_422, %dma_start3A_423] : memref<26x128xf32, #tpu.memory_space<vmem>> -> memref<1x128xf32, #tpu.memory_space<vmem>>
      %dma_start3A_425 = tpu.memref_squeeze %dma_start3A_424 : memref<1x128xf32, #tpu.memory_space<vmem>> -> memref<128xf32, #tpu.memory_space<vmem>>
      %dma_start3A_426 = arith.constant 0 : i32
      %dma_start3A_427 = tpu.memref_slice %arg7[%add3A_412, %dma_start3A_426] : memref<104x128xi32, #tpu.memory_space<vmem>> -> memref<1x128xi32, #tpu.memory_space<vmem>>
      %dma_start3A_428 = tpu.memref_squeeze %dma_start3A_427 : memref<1x128xi32, #tpu.memory_space<vmem>> -> memref<128xi32, #tpu.memory_space<vmem>>
      %dma_start3A_429 = arith.constant 0 : i32
      %dma_start3A_430 = tpu.memref_slice %arg4[%dma_start3A_429] : memref<1040000xf32, #tpu.memory_space<hbm>> -> memref<1040000xf32, #tpu.memory_space<hbm>>
      tpu.enqueue_indirect_dma source(%dma_start3A_430 : memref<1040000xf32, #tpu.memory_space<hbm>>) target(%dma_start3A_425 : memref<128xf32, #tpu.memory_space<vmem>>) offsets(%dma_start3A_428 : memref<128xi32, #tpu.memory_space<vmem>>) semaphore(%arg12 : memref<!tpu.dma_semaphore, #tpu.memory_space<semaphore_mem>>)
      %add3A_431 = arith.constant 84 : i32
      %add3A_432 = arith.addi %add3A_431, %add3A_11 : i32
      %dma_start3A_433 = arith.constant 2688 : i32
      %dma_start3A_434 = arith.constant 0 : i32
      %dma_start3A_435 = tpu.memref_slice %arg8[%dma_start3A_433, %dma_start3A_434] : memref<3328x16xf32, #tpu.memory_space<vmem>> -> memref<128x16xf32, #tpu.memory_space<vmem>>
      %dma_start3A_436 = arith.constant 0 : i32
      %dma_start3A_437 = tpu.memref_slice %arg7[%add3A_432, %dma_start3A_436] : memref<104x128xi32, #tpu.memory_space<vmem>> -> memref<1x128xi32, #tpu.memory_space<vmem>>
      %dma_start3A_438 = tpu.memref_squeeze %dma_start3A_437 : memref<1x128xi32, #tpu.memory_space<vmem>> -> memref<128xi32, #tpu.memory_space<vmem>>
      %dma_start3A_439 = arith.constant 0 : i32
      %dma_start3A_440 = arith.constant 0 : i32
      %dma_start3A_441 = tpu.memref_slice %arg3[%dma_start3A_439, %dma_start3A_440] : memref<1040000x16xf32, #tpu.memory_space<hbm>> -> memref<1040000x16xf32, #tpu.memory_space<hbm>>
      tpu.enqueue_indirect_dma source(%dma_start3A_441 : memref<1040000x16xf32, #tpu.memory_space<hbm>>) target(%dma_start3A_435 : memref<128x16xf32, #tpu.memory_space<vmem>>) offsets(%dma_start3A_438 : memref<128xi32, #tpu.memory_space<vmem>>) semaphore(%arg12 : memref<!tpu.dma_semaphore, #tpu.memory_space<semaphore_mem>>)
      %dma_start3A_442 = arith.constant 21 : i32
      %dma_start3A_443 = arith.constant 0 : i32
      %dma_start3A_444 = tpu.memref_slice %arg9[%dma_start3A_442, %dma_start3A_443] : memref<26x128xf32, #tpu.memory_space<vmem>> -> memref<1x128xf32, #tpu.memory_space<vmem>>
      %dma_start3A_445 = tpu.memref_squeeze %dma_start3A_444 : memref<1x128xf32, #tpu.memory_space<vmem>> -> memref<128xf32, #tpu.memory_space<vmem>>
      %dma_start3A_446 = arith.constant 0 : i32
      %dma_start3A_447 = tpu.memref_slice %arg7[%add3A_432, %dma_start3A_446] : memref<104x128xi32, #tpu.memory_space<vmem>> -> memref<1x128xi32, #tpu.memory_space<vmem>>
      %dma_start3A_448 = tpu.memref_squeeze %dma_start3A_447 : memref<1x128xi32, #tpu.memory_space<vmem>> -> memref<128xi32, #tpu.memory_space<vmem>>
      %dma_start3A_449 = arith.constant 0 : i32
      %dma_start3A_450 = tpu.memref_slice %arg4[%dma_start3A_449] : memref<1040000xf32, #tpu.memory_space<hbm>> -> memref<1040000xf32, #tpu.memory_space<hbm>>
      tpu.enqueue_indirect_dma source(%dma_start3A_450 : memref<1040000xf32, #tpu.memory_space<hbm>>) target(%dma_start3A_445 : memref<128xf32, #tpu.memory_space<vmem>>) offsets(%dma_start3A_448 : memref<128xi32, #tpu.memory_space<vmem>>) semaphore(%arg12 : memref<!tpu.dma_semaphore, #tpu.memory_space<semaphore_mem>>)
      %add3A_451 = arith.constant 88 : i32
      %add3A_452 = arith.addi %add3A_451, %add3A_11 : i32
      %dma_start3A_453 = arith.constant 2816 : i32
      %dma_start3A_454 = arith.constant 0 : i32
      %dma_start3A_455 = tpu.memref_slice %arg8[%dma_start3A_453, %dma_start3A_454] : memref<3328x16xf32, #tpu.memory_space<vmem>> -> memref<128x16xf32, #tpu.memory_space<vmem>>
      %dma_start3A_456 = arith.constant 0 : i32
      %dma_start3A_457 = tpu.memref_slice %arg7[%add3A_452, %dma_start3A_456] : memref<104x128xi32, #tpu.memory_space<vmem>> -> memref<1x128xi32, #tpu.memory_space<vmem>>
      %dma_start3A_458 = tpu.memref_squeeze %dma_start3A_457 : memref<1x128xi32, #tpu.memory_space<vmem>> -> memref<128xi32, #tpu.memory_space<vmem>>
      %dma_start3A_459 = arith.constant 0 : i32
      %dma_start3A_460 = arith.constant 0 : i32
      %dma_start3A_461 = tpu.memref_slice %arg3[%dma_start3A_459, %dma_start3A_460] : memref<1040000x16xf32, #tpu.memory_space<hbm>> -> memref<1040000x16xf32, #tpu.memory_space<hbm>>
      tpu.enqueue_indirect_dma source(%dma_start3A_461 : memref<1040000x16xf32, #tpu.memory_space<hbm>>) target(%dma_start3A_455 : memref<128x16xf32, #tpu.memory_space<vmem>>) offsets(%dma_start3A_458 : memref<128xi32, #tpu.memory_space<vmem>>) semaphore(%arg12 : memref<!tpu.dma_semaphore, #tpu.memory_space<semaphore_mem>>)
      %dma_start3A_462 = arith.constant 22 : i32
      %dma_start3A_463 = arith.constant 0 : i32
      %dma_start3A_464 = tpu.memref_slice %arg9[%dma_start3A_462, %dma_start3A_463] : memref<26x128xf32, #tpu.memory_space<vmem>> -> memref<1x128xf32, #tpu.memory_space<vmem>>
      %dma_start3A_465 = tpu.memref_squeeze %dma_start3A_464 : memref<1x128xf32, #tpu.memory_space<vmem>> -> memref<128xf32, #tpu.memory_space<vmem>>
      %dma_start3A_466 = arith.constant 0 : i32
      %dma_start3A_467 = tpu.memref_slice %arg7[%add3A_452, %dma_start3A_466] : memref<104x128xi32, #tpu.memory_space<vmem>> -> memref<1x128xi32, #tpu.memory_space<vmem>>
      %dma_start3A_468 = tpu.memref_squeeze %dma_start3A_467 : memref<1x128xi32, #tpu.memory_space<vmem>> -> memref<128xi32, #tpu.memory_space<vmem>>
      %dma_start3A_469 = arith.constant 0 : i32
      %dma_start3A_470 = tpu.memref_slice %arg4[%dma_start3A_469] : memref<1040000xf32, #tpu.memory_space<hbm>> -> memref<1040000xf32, #tpu.memory_space<hbm>>
      tpu.enqueue_indirect_dma source(%dma_start3A_470 : memref<1040000xf32, #tpu.memory_space<hbm>>) target(%dma_start3A_465 : memref<128xf32, #tpu.memory_space<vmem>>) offsets(%dma_start3A_468 : memref<128xi32, #tpu.memory_space<vmem>>) semaphore(%arg12 : memref<!tpu.dma_semaphore, #tpu.memory_space<semaphore_mem>>)
      %add3A_471 = arith.constant 92 : i32
      %add3A_472 = arith.addi %add3A_471, %add3A_11 : i32
      %dma_start3A_473 = arith.constant 2944 : i32
      %dma_start3A_474 = arith.constant 0 : i32
      %dma_start3A_475 = tpu.memref_slice %arg8[%dma_start3A_473, %dma_start3A_474] : memref<3328x16xf32, #tpu.memory_space<vmem>> -> memref<128x16xf32, #tpu.memory_space<vmem>>
      %dma_start3A_476 = arith.constant 0 : i32
      %dma_start3A_477 = tpu.memref_slice %arg7[%add3A_472, %dma_start3A_476] : memref<104x128xi32, #tpu.memory_space<vmem>> -> memref<1x128xi32, #tpu.memory_space<vmem>>
      %dma_start3A_478 = tpu.memref_squeeze %dma_start3A_477 : memref<1x128xi32, #tpu.memory_space<vmem>> -> memref<128xi32, #tpu.memory_space<vmem>>
      %dma_start3A_479 = arith.constant 0 : i32
      %dma_start3A_480 = arith.constant 0 : i32
      %dma_start3A_481 = tpu.memref_slice %arg3[%dma_start3A_479, %dma_start3A_480] : memref<1040000x16xf32, #tpu.memory_space<hbm>> -> memref<1040000x16xf32, #tpu.memory_space<hbm>>
      tpu.enqueue_indirect_dma source(%dma_start3A_481 : memref<1040000x16xf32, #tpu.memory_space<hbm>>) target(%dma_start3A_475 : memref<128x16xf32, #tpu.memory_space<vmem>>) offsets(%dma_start3A_478 : memref<128xi32, #tpu.memory_space<vmem>>) semaphore(%arg12 : memref<!tpu.dma_semaphore, #tpu.memory_space<semaphore_mem>>)
      %dma_start3A_482 = arith.constant 23 : i32
      %dma_start3A_483 = arith.constant 0 : i32
      %dma_start3A_484 = tpu.memref_slice %arg9[%dma_start3A_482, %dma_start3A_483] : memref<26x128xf32, #tpu.memory_space<vmem>> -> memref<1x128xf32, #tpu.memory_space<vmem>>
      %dma_start3A_485 = tpu.memref_squeeze %dma_start3A_484 : memref<1x128xf32, #tpu.memory_space<vmem>> -> memref<128xf32, #tpu.memory_space<vmem>>
      %dma_start3A_486 = arith.constant 0 : i32
      %dma_start3A_487 = tpu.memref_slice %arg7[%add3A_472, %dma_start3A_486] : memref<104x128xi32, #tpu.memory_space<vmem>> -> memref<1x128xi32, #tpu.memory_space<vmem>>
      %dma_start3A_488 = tpu.memref_squeeze %dma_start3A_487 : memref<1x128xi32, #tpu.memory_space<vmem>> -> memref<128xi32, #tpu.memory_space<vmem>>
      %dma_start3A_489 = arith.constant 0 : i32
      %dma_start3A_490 = tpu.memref_slice %arg4[%dma_start3A_489] : memref<1040000xf32, #tpu.memory_space<hbm>> -> memref<1040000xf32, #tpu.memory_space<hbm>>
      tpu.enqueue_indirect_dma source(%dma_start3A_490 : memref<1040000xf32, #tpu.memory_space<hbm>>) target(%dma_start3A_485 : memref<128xf32, #tpu.memory_space<vmem>>) offsets(%dma_start3A_488 : memref<128xi32, #tpu.memory_space<vmem>>) semaphore(%arg12 : memref<!tpu.dma_semaphore, #tpu.memory_space<semaphore_mem>>)
      %add3A_491 = arith.constant 96 : i32
      %add3A_492 = arith.addi %add3A_491, %add3A_11 : i32
      %dma_start3A_493 = arith.constant 3072 : i32
      %dma_start3A_494 = arith.constant 0 : i32
      %dma_start3A_495 = tpu.memref_slice %arg8[%dma_start3A_493, %dma_start3A_494] : memref<3328x16xf32, #tpu.memory_space<vmem>> -> memref<128x16xf32, #tpu.memory_space<vmem>>
      %dma_start3A_496 = arith.constant 0 : i32
      %dma_start3A_497 = tpu.memref_slice %arg7[%add3A_492, %dma_start3A_496] : memref<104x128xi32, #tpu.memory_space<vmem>> -> memref<1x128xi32, #tpu.memory_space<vmem>>
      %dma_start3A_498 = tpu.memref_squeeze %dma_start3A_497 : memref<1x128xi32, #tpu.memory_space<vmem>> -> memref<128xi32, #tpu.memory_space<vmem>>
      %dma_start3A_499 = arith.constant 0 : i32
      %dma_start3A_500 = arith.constant 0 : i32
      %dma_start3A_501 = tpu.memref_slice %arg3[%dma_start3A_499, %dma_start3A_500] : memref<1040000x16xf32, #tpu.memory_space<hbm>> -> memref<1040000x16xf32, #tpu.memory_space<hbm>>
      tpu.enqueue_indirect_dma source(%dma_start3A_501 : memref<1040000x16xf32, #tpu.memory_space<hbm>>) target(%dma_start3A_495 : memref<128x16xf32, #tpu.memory_space<vmem>>) offsets(%dma_start3A_498 : memref<128xi32, #tpu.memory_space<vmem>>) semaphore(%arg12 : memref<!tpu.dma_semaphore, #tpu.memory_space<semaphore_mem>>)
      %dma_start3A_502 = arith.constant 24 : i32
      %dma_start3A_503 = arith.constant 0 : i32
      %dma_start3A_504 = tpu.memref_slice %arg9[%dma_start3A_502, %dma_start3A_503] : memref<26x128xf32, #tpu.memory_space<vmem>> -> memref<1x128xf32, #tpu.memory_space<vmem>>
      %dma_start3A_505 = tpu.memref_squeeze %dma_start3A_504 : memref<1x128xf32, #tpu.memory_space<vmem>> -> memref<128xf32, #tpu.memory_space<vmem>>
      %dma_start3A_506 = arith.constant 0 : i32
      %dma_start3A_507 = tpu.memref_slice %arg7[%add3A_492, %dma_start3A_506] : memref<104x128xi32, #tpu.memory_space<vmem>> -> memref<1x128xi32, #tpu.memory_space<vmem>>
      %dma_start3A_508 = tpu.memref_squeeze %dma_start3A_507 : memref<1x128xi32, #tpu.memory_space<vmem>> -> memref<128xi32, #tpu.memory_space<vmem>>
      %dma_start3A_509 = arith.constant 0 : i32
      %dma_start3A_510 = tpu.memref_slice %arg4[%dma_start3A_509] : memref<1040000xf32, #tpu.memory_space<hbm>> -> memref<1040000xf32, #tpu.memory_space<hbm>>
      tpu.enqueue_indirect_dma source(%dma_start3A_510 : memref<1040000xf32, #tpu.memory_space<hbm>>) target(%dma_start3A_505 : memref<128xf32, #tpu.memory_space<vmem>>) offsets(%dma_start3A_508 : memref<128xi32, #tpu.memory_space<vmem>>) semaphore(%arg12 : memref<!tpu.dma_semaphore, #tpu.memory_space<semaphore_mem>>)
      %add3A_511 = arith.constant 100 : i32
      %add3A_512 = arith.addi %add3A_511, %add3A_11 : i32
      %dma_start3A_513 = arith.constant 3200 : i32
      %dma_start3A_514 = arith.constant 0 : i32
      %dma_start3A_515 = tpu.memref_slice %arg8[%dma_start3A_513, %dma_start3A_514] : memref<3328x16xf32, #tpu.memory_space<vmem>> -> memref<128x16xf32, #tpu.memory_space<vmem>>
      %dma_start3A_516 = arith.constant 0 : i32
      %dma_start3A_517 = tpu.memref_slice %arg7[%add3A_512, %dma_start3A_516] : memref<104x128xi32, #tpu.memory_space<vmem>> -> memref<1x128xi32, #tpu.memory_space<vmem>>
      %dma_start3A_518 = tpu.memref_squeeze %dma_start3A_517 : memref<1x128xi32, #tpu.memory_space<vmem>> -> memref<128xi32, #tpu.memory_space<vmem>>
      %dma_start3A_519 = arith.constant 0 : i32
      %dma_start3A_520 = arith.constant 0 : i32
      %dma_start3A_521 = tpu.memref_slice %arg3[%dma_start3A_519, %dma_start3A_520] : memref<1040000x16xf32, #tpu.memory_space<hbm>> -> memref<1040000x16xf32, #tpu.memory_space<hbm>>
      tpu.enqueue_indirect_dma source(%dma_start3A_521 : memref<1040000x16xf32, #tpu.memory_space<hbm>>) target(%dma_start3A_515 : memref<128x16xf32, #tpu.memory_space<vmem>>) offsets(%dma_start3A_518 : memref<128xi32, #tpu.memory_space<vmem>>) semaphore(%arg12 : memref<!tpu.dma_semaphore, #tpu.memory_space<semaphore_mem>>)
      %dma_start3A_522 = arith.constant 25 : i32
      %dma_start3A_523 = arith.constant 0 : i32
      %dma_start3A_524 = tpu.memref_slice %arg9[%dma_start3A_522, %dma_start3A_523] : memref<26x128xf32, #tpu.memory_space<vmem>> -> memref<1x128xf32, #tpu.memory_space<vmem>>
      %dma_start3A_525 = tpu.memref_squeeze %dma_start3A_524 : memref<1x128xf32, #tpu.memory_space<vmem>> -> memref<128xf32, #tpu.memory_space<vmem>>
      %dma_start3A_526 = arith.constant 0 : i32
      %dma_start3A_527 = tpu.memref_slice %arg7[%add3A_512, %dma_start3A_526] : memref<104x128xi32, #tpu.memory_space<vmem>> -> memref<1x128xi32, #tpu.memory_space<vmem>>
      %dma_start3A_528 = tpu.memref_squeeze %dma_start3A_527 : memref<1x128xi32, #tpu.memory_space<vmem>> -> memref<128xi32, #tpu.memory_space<vmem>>
      %dma_start3A_529 = arith.constant 0 : i32
      %dma_start3A_530 = tpu.memref_slice %arg4[%dma_start3A_529] : memref<1040000xf32, #tpu.memory_space<hbm>> -> memref<1040000xf32, #tpu.memory_space<hbm>>
      tpu.enqueue_indirect_dma source(%dma_start3A_530 : memref<1040000xf32, #tpu.memory_space<hbm>>) target(%dma_start3A_525 : memref<128xf32, #tpu.memory_space<vmem>>) offsets(%dma_start3A_528 : memref<128xi32, #tpu.memory_space<vmem>>) semaphore(%arg12 : memref<!tpu.dma_semaphore, #tpu.memory_space<semaphore_mem>>)
      %dma_wait3A = arith.constant 0 : i32
      %dma_wait3A_531 = arith.constant 0 : i32
      %dma_wait3A_532 = tpu.memref_slice %arg8[%dma_wait3A, %dma_wait3A_531] : memref<3328x16xf32, #tpu.memory_space<vmem>> -> memref<128x16xf32, #tpu.memory_space<vmem>>
      %dma_wait3A_533 = arith.constant 0 : i32
      %dma_wait3A_534 = tpu.memref_slice %arg7[%add3A_13, %dma_wait3A_533] : memref<104x128xi32, #tpu.memory_space<vmem>> -> memref<1x128xi32, #tpu.memory_space<vmem>>
      %dma_wait3A_535 = tpu.memref_squeeze %dma_wait3A_534 : memref<1x128xi32, #tpu.memory_space<vmem>> -> memref<128xi32, #tpu.memory_space<vmem>>
      %dma_wait3A_536 = arith.constant 0 : i32
      %dma_wait3A_537 = arith.constant 0 : i32
      %dma_wait3A_538 = tpu.memref_slice %arg3[%dma_wait3A_536, %dma_wait3A_537] : memref<1040000x16xf32, #tpu.memory_space<hbm>> -> memref<1040000x16xf32, #tpu.memory_space<hbm>>
      tpu.wait_indirect_dma semaphore(%arg12 : memref<!tpu.dma_semaphore, #tpu.memory_space<semaphore_mem>>) src(%dma_wait3A_538 : memref<1040000x16xf32, #tpu.memory_space<hbm>>) dst(%dma_wait3A_532 : memref<128x16xf32, #tpu.memory_space<vmem>>)
      %dma_wait3A_539 = arith.constant 0 : i32
      %dma_wait3A_540 = arith.constant 0 : i32
      %dma_wait3A_541 = tpu.memref_slice %arg9[%dma_wait3A_539, %dma_wait3A_540] : memref<26x128xf32, #tpu.memory_space<vmem>> -> memref<1x128xf32, #tpu.memory_space<vmem>>
      %dma_wait3A_542 = tpu.memref_squeeze %dma_wait3A_541 : memref<1x128xf32, #tpu.memory_space<vmem>> -> memref<128xf32, #tpu.memory_space<vmem>>
      %dma_wait3A_543 = arith.constant 0 : i32
      %dma_wait3A_544 = tpu.memref_slice %arg7[%add3A_13, %dma_wait3A_543] : memref<104x128xi32, #tpu.memory_space<vmem>> -> memref<1x128xi32, #tpu.memory_space<vmem>>
      %dma_wait3A_545 = tpu.memref_squeeze %dma_wait3A_544 : memref<1x128xi32, #tpu.memory_space<vmem>> -> memref<128xi32, #tpu.memory_space<vmem>>
      %dma_wait3A_546 = arith.constant 0 : i32
      %dma_wait3A_547 = tpu.memref_slice %arg4[%dma_wait3A_546] : memref<1040000xf32, #tpu.memory_space<hbm>> -> memref<1040000xf32, #tpu.memory_space<hbm>>
      tpu.wait_indirect_dma semaphore(%arg12 : memref<!tpu.dma_semaphore, #tpu.memory_space<semaphore_mem>>) src(%dma_wait3A_547 : memref<1040000xf32, #tpu.memory_space<hbm>>) dst(%dma_wait3A_542 : memref<128xf32, #tpu.memory_space<vmem>>)
      %dma_wait3A_548 = arith.constant 128 : i32
      %dma_wait3A_549 = arith.constant 0 : i32
      %dma_wait3A_550 = tpu.memref_slice %arg8[%dma_wait3A_548, %dma_wait3A_549] : memref<3328x16xf32, #tpu.memory_space<vmem>> -> memref<128x16xf32, #tpu.memory_space<vmem>>
      %dma_wait3A_551 = arith.constant 0 : i32
      %dma_wait3A_552 = tpu.memref_slice %arg7[%add3A_32, %dma_wait3A_551] : memref<104x128xi32, #tpu.memory_space<vmem>> -> memref<1x128xi32, #tpu.memory_space<vmem>>
      %dma_wait3A_553 = tpu.memref_squeeze %dma_wait3A_552 : memref<1x128xi32, #tpu.memory_space<vmem>> -> memref<128xi32, #tpu.memory_space<vmem>>
      %dma_wait3A_554 = arith.constant 0 : i32
      %dma_wait3A_555 = arith.constant 0 : i32
      %dma_wait3A_556 = tpu.memref_slice %arg3[%dma_wait3A_554, %dma_wait3A_555] : memref<1040000x16xf32, #tpu.memory_space<hbm>> -> memref<1040000x16xf32, #tpu.memory_space<hbm>>
      tpu.wait_indirect_dma semaphore(%arg12 : memref<!tpu.dma_semaphore, #tpu.memory_space<semaphore_mem>>) src(%dma_wait3A_556 : memref<1040000x16xf32, #tpu.memory_space<hbm>>) dst(%dma_wait3A_550 : memref<128x16xf32, #tpu.memory_space<vmem>>)
      %dma_wait3A_557 = arith.constant 1 : i32
      %dma_wait3A_558 = arith.constant 0 : i32
      %dma_wait3A_559 = tpu.memref_slice %arg9[%dma_wait3A_557, %dma_wait3A_558] : memref<26x128xf32, #tpu.memory_space<vmem>> -> memref<1x128xf32, #tpu.memory_space<vmem>>
      %dma_wait3A_560 = tpu.memref_squeeze %dma_wait3A_559 : memref<1x128xf32, #tpu.memory_space<vmem>> -> memref<128xf32, #tpu.memory_space<vmem>>
      %dma_wait3A_561 = arith.constant 0 : i32
      %dma_wait3A_562 = tpu.memref_slice %arg7[%add3A_32, %dma_wait3A_561] : memref<104x128xi32, #tpu.memory_space<vmem>> -> memref<1x128xi32, #tpu.memory_space<vmem>>
      %dma_wait3A_563 = tpu.memref_squeeze %dma_wait3A_562 : memref<1x128xi32, #tpu.memory_space<vmem>> -> memref<128xi32, #tpu.memory_space<vmem>>
      %dma_wait3A_564 = arith.constant 0 : i32
      %dma_wait3A_565 = tpu.memref_slice %arg4[%dma_wait3A_564] : memref<1040000xf32, #tpu.memory_space<hbm>> -> memref<1040000xf32, #tpu.memory_space<hbm>>
      tpu.wait_indirect_dma semaphore(%arg12 : memref<!tpu.dma_semaphore, #tpu.memory_space<semaphore_mem>>) src(%dma_wait3A_565 : memref<1040000xf32, #tpu.memory_space<hbm>>) dst(%dma_wait3A_560 : memref<128xf32, #tpu.memory_space<vmem>>)
      %dma_wait3A_566 = arith.constant 256 : i32
      %dma_wait3A_567 = arith.constant 0 : i32
      %dma_wait3A_568 = tpu.memref_slice %arg8[%dma_wait3A_566, %dma_wait3A_567] : memref<3328x16xf32, #tpu.memory_space<vmem>> -> memref<128x16xf32, #tpu.memory_space<vmem>>
      %dma_wait3A_569 = arith.constant 0 : i32
      %dma_wait3A_570 = tpu.memref_slice %arg7[%add3A_52, %dma_wait3A_569] : memref<104x128xi32, #tpu.memory_space<vmem>> -> memref<1x128xi32, #tpu.memory_space<vmem>>
      %dma_wait3A_571 = tpu.memref_squeeze %dma_wait3A_570 : memref<1x128xi32, #tpu.memory_space<vmem>> -> memref<128xi32, #tpu.memory_space<vmem>>
      %dma_wait3A_572 = arith.constant 0 : i32
      %dma_wait3A_573 = arith.constant 0 : i32
      %dma_wait3A_574 = tpu.memref_slice %arg3[%dma_wait3A_572, %dma_wait3A_573] : memref<1040000x16xf32, #tpu.memory_space<hbm>> -> memref<1040000x16xf32, #tpu.memory_space<hbm>>
      tpu.wait_indirect_dma semaphore(%arg12 : memref<!tpu.dma_semaphore, #tpu.memory_space<semaphore_mem>>) src(%dma_wait3A_574 : memref<1040000x16xf32, #tpu.memory_space<hbm>>) dst(%dma_wait3A_568 : memref<128x16xf32, #tpu.memory_space<vmem>>)
      %dma_wait3A_575 = arith.constant 2 : i32
      %dma_wait3A_576 = arith.constant 0 : i32
      %dma_wait3A_577 = tpu.memref_slice %arg9[%dma_wait3A_575, %dma_wait3A_576] : memref<26x128xf32, #tpu.memory_space<vmem>> -> memref<1x128xf32, #tpu.memory_space<vmem>>
      %dma_wait3A_578 = tpu.memref_squeeze %dma_wait3A_577 : memref<1x128xf32, #tpu.memory_space<vmem>> -> memref<128xf32, #tpu.memory_space<vmem>>
      %dma_wait3A_579 = arith.constant 0 : i32
      %dma_wait3A_580 = tpu.memref_slice %arg7[%add3A_52, %dma_wait3A_579] : memref<104x128xi32, #tpu.memory_space<vmem>> -> memref<1x128xi32, #tpu.memory_space<vmem>>
      %dma_wait3A_581 = tpu.memref_squeeze %dma_wait3A_580 : memref<1x128xi32, #tpu.memory_space<vmem>> -> memref<128xi32, #tpu.memory_space<vmem>>
      %dma_wait3A_582 = arith.constant 0 : i32
      %dma_wait3A_583 = tpu.memref_slice %arg4[%dma_wait3A_582] : memref<1040000xf32, #tpu.memory_space<hbm>> -> memref<1040000xf32, #tpu.memory_space<hbm>>
      tpu.wait_indirect_dma semaphore(%arg12 : memref<!tpu.dma_semaphore, #tpu.memory_space<semaphore_mem>>) src(%dma_wait3A_583 : memref<1040000xf32, #tpu.memory_space<hbm>>) dst(%dma_wait3A_578 : memref<128xf32, #tpu.memory_space<vmem>>)
      %dma_wait3A_584 = arith.constant 384 : i32
      %dma_wait3A_585 = arith.constant 0 : i32
      %dma_wait3A_586 = tpu.memref_slice %arg8[%dma_wait3A_584, %dma_wait3A_585] : memref<3328x16xf32, #tpu.memory_space<vmem>> -> memref<128x16xf32, #tpu.memory_space<vmem>>
      %dma_wait3A_587 = arith.constant 0 : i32
      %dma_wait3A_588 = tpu.memref_slice %arg7[%add3A_72, %dma_wait3A_587] : memref<104x128xi32, #tpu.memory_space<vmem>> -> memref<1x128xi32, #tpu.memory_space<vmem>>
      %dma_wait3A_589 = tpu.memref_squeeze %dma_wait3A_588 : memref<1x128xi32, #tpu.memory_space<vmem>> -> memref<128xi32, #tpu.memory_space<vmem>>
      %dma_wait3A_590 = arith.constant 0 : i32
      %dma_wait3A_591 = arith.constant 0 : i32
      %dma_wait3A_592 = tpu.memref_slice %arg3[%dma_wait3A_590, %dma_wait3A_591] : memref<1040000x16xf32, #tpu.memory_space<hbm>> -> memref<1040000x16xf32, #tpu.memory_space<hbm>>
      tpu.wait_indirect_dma semaphore(%arg12 : memref<!tpu.dma_semaphore, #tpu.memory_space<semaphore_mem>>) src(%dma_wait3A_592 : memref<1040000x16xf32, #tpu.memory_space<hbm>>) dst(%dma_wait3A_586 : memref<128x16xf32, #tpu.memory_space<vmem>>)
      %dma_wait3A_593 = arith.constant 3 : i32
      %dma_wait3A_594 = arith.constant 0 : i32
      %dma_wait3A_595 = tpu.memref_slice %arg9[%dma_wait3A_593, %dma_wait3A_594] : memref<26x128xf32, #tpu.memory_space<vmem>> -> memref<1x128xf32, #tpu.memory_space<vmem>>
      %dma_wait3A_596 = tpu.memref_squeeze %dma_wait3A_595 : memref<1x128xf32, #tpu.memory_space<vmem>> -> memref<128xf32, #tpu.memory_space<vmem>>
      %dma_wait3A_597 = arith.constant 0 : i32
      %dma_wait3A_598 = tpu.memref_slice %arg7[%add3A_72, %dma_wait3A_597] : memref<104x128xi32, #tpu.memory_space<vmem>> -> memref<1x128xi32, #tpu.memory_space<vmem>>
      %dma_wait3A_599 = tpu.memref_squeeze %dma_wait3A_598 : memref<1x128xi32, #tpu.memory_space<vmem>> -> memref<128xi32, #tpu.memory_space<vmem>>
      %dma_wait3A_600 = arith.constant 0 : i32
      %dma_wait3A_601 = tpu.memref_slice %arg4[%dma_wait3A_600] : memref<1040000xf32, #tpu.memory_space<hbm>> -> memref<1040000xf32, #tpu.memory_space<hbm>>
      tpu.wait_indirect_dma semaphore(%arg12 : memref<!tpu.dma_semaphore, #tpu.memory_space<semaphore_mem>>) src(%dma_wait3A_601 : memref<1040000xf32, #tpu.memory_space<hbm>>) dst(%dma_wait3A_596 : memref<128xf32, #tpu.memory_space<vmem>>)
      %dma_wait3A_602 = arith.constant 512 : i32
      %dma_wait3A_603 = arith.constant 0 : i32
      %dma_wait3A_604 = tpu.memref_slice %arg8[%dma_wait3A_602, %dma_wait3A_603] : memref<3328x16xf32, #tpu.memory_space<vmem>> -> memref<128x16xf32, #tpu.memory_space<vmem>>
      %dma_wait3A_605 = arith.constant 0 : i32
      %dma_wait3A_606 = tpu.memref_slice %arg7[%add3A_92, %dma_wait3A_605] : memref<104x128xi32, #tpu.memory_space<vmem>> -> memref<1x128xi32, #tpu.memory_space<vmem>>
      %dma_wait3A_607 = tpu.memref_squeeze %dma_wait3A_606 : memref<1x128xi32, #tpu.memory_space<vmem>> -> memref<128xi32, #tpu.memory_space<vmem>>
      %dma_wait3A_608 = arith.constant 0 : i32
      %dma_wait3A_609 = arith.constant 0 : i32
      %dma_wait3A_610 = tpu.memref_slice %arg3[%dma_wait3A_608, %dma_wait3A_609] : memref<1040000x16xf32, #tpu.memory_space<hbm>> -> memref<1040000x16xf32, #tpu.memory_space<hbm>>
      tpu.wait_indirect_dma semaphore(%arg12 : memref<!tpu.dma_semaphore, #tpu.memory_space<semaphore_mem>>) src(%dma_wait3A_610 : memref<1040000x16xf32, #tpu.memory_space<hbm>>) dst(%dma_wait3A_604 : memref<128x16xf32, #tpu.memory_space<vmem>>)
      %dma_wait3A_611 = arith.constant 4 : i32
      %dma_wait3A_612 = arith.constant 0 : i32
      %dma_wait3A_613 = tpu.memref_slice %arg9[%dma_wait3A_611, %dma_wait3A_612] : memref<26x128xf32, #tpu.memory_space<vmem>> -> memref<1x128xf32, #tpu.memory_space<vmem>>
      %dma_wait3A_614 = tpu.memref_squeeze %dma_wait3A_613 : memref<1x128xf32, #tpu.memory_space<vmem>> -> memref<128xf32, #tpu.memory_space<vmem>>
      %dma_wait3A_615 = arith.constant 0 : i32
      %dma_wait3A_616 = tpu.memref_slice %arg7[%add3A_92, %dma_wait3A_615] : memref<104x128xi32, #tpu.memory_space<vmem>> -> memref<1x128xi32, #tpu.memory_space<vmem>>
      %dma_wait3A_617 = tpu.memref_squeeze %dma_wait3A_616 : memref<1x128xi32, #tpu.memory_space<vmem>> -> memref<128xi32, #tpu.memory_space<vmem>>
      %dma_wait3A_618 = arith.constant 0 : i32
      %dma_wait3A_619 = tpu.memref_slice %arg4[%dma_wait3A_618] : memref<1040000xf32, #tpu.memory_space<hbm>> -> memref<1040000xf32, #tpu.memory_space<hbm>>
      tpu.wait_indirect_dma semaphore(%arg12 : memref<!tpu.dma_semaphore, #tpu.memory_space<semaphore_mem>>) src(%dma_wait3A_619 : memref<1040000xf32, #tpu.memory_space<hbm>>) dst(%dma_wait3A_614 : memref<128xf32, #tpu.memory_space<vmem>>)
      %dma_wait3A_620 = arith.constant 640 : i32
      %dma_wait3A_621 = arith.constant 0 : i32
      %dma_wait3A_622 = tpu.memref_slice %arg8[%dma_wait3A_620, %dma_wait3A_621] : memref<3328x16xf32, #tpu.memory_space<vmem>> -> memref<128x16xf32, #tpu.memory_space<vmem>>
      %dma_wait3A_623 = arith.constant 0 : i32
      %dma_wait3A_624 = tpu.memref_slice %arg7[%add3A_112, %dma_wait3A_623] : memref<104x128xi32, #tpu.memory_space<vmem>> -> memref<1x128xi32, #tpu.memory_space<vmem>>
      %dma_wait3A_625 = tpu.memref_squeeze %dma_wait3A_624 : memref<1x128xi32, #tpu.memory_space<vmem>> -> memref<128xi32, #tpu.memory_space<vmem>>
      %dma_wait3A_626 = arith.constant 0 : i32
      %dma_wait3A_627 = arith.constant 0 : i32
      %dma_wait3A_628 = tpu.memref_slice %arg3[%dma_wait3A_626, %dma_wait3A_627] : memref<1040000x16xf32, #tpu.memory_space<hbm>> -> memref<1040000x16xf32, #tpu.memory_space<hbm>>
      tpu.wait_indirect_dma semaphore(%arg12 : memref<!tpu.dma_semaphore, #tpu.memory_space<semaphore_mem>>) src(%dma_wait3A_628 : memref<1040000x16xf32, #tpu.memory_space<hbm>>) dst(%dma_wait3A_622 : memref<128x16xf32, #tpu.memory_space<vmem>>)
      %dma_wait3A_629 = arith.constant 5 : i32
      %dma_wait3A_630 = arith.constant 0 : i32
      %dma_wait3A_631 = tpu.memref_slice %arg9[%dma_wait3A_629, %dma_wait3A_630] : memref<26x128xf32, #tpu.memory_space<vmem>> -> memref<1x128xf32, #tpu.memory_space<vmem>>
      %dma_wait3A_632 = tpu.memref_squeeze %dma_wait3A_631 : memref<1x128xf32, #tpu.memory_space<vmem>> -> memref<128xf32, #tpu.memory_space<vmem>>
      %dma_wait3A_633 = arith.constant 0 : i32
      %dma_wait3A_634 = tpu.memref_slice %arg7[%add3A_112, %dma_wait3A_633] : memref<104x128xi32, #tpu.memory_space<vmem>> -> memref<1x128xi32, #tpu.memory_space<vmem>>
      %dma_wait3A_635 = tpu.memref_squeeze %dma_wait3A_634 : memref<1x128xi32, #tpu.memory_space<vmem>> -> memref<128xi32, #tpu.memory_space<vmem>>
      %dma_wait3A_636 = arith.constant 0 : i32
      %dma_wait3A_637 = tpu.memref_slice %arg4[%dma_wait3A_636] : memref<1040000xf32, #tpu.memory_space<hbm>> -> memref<1040000xf32, #tpu.memory_space<hbm>>
      tpu.wait_indirect_dma semaphore(%arg12 : memref<!tpu.dma_semaphore, #tpu.memory_space<semaphore_mem>>) src(%dma_wait3A_637 : memref<1040000xf32, #tpu.memory_space<hbm>>) dst(%dma_wait3A_632 : memref<128xf32, #tpu.memory_space<vmem>>)
      %dma_wait3A_638 = arith.constant 768 : i32
      %dma_wait3A_639 = arith.constant 0 : i32
      %dma_wait3A_640 = tpu.memref_slice %arg8[%dma_wait3A_638, %dma_wait3A_639] : memref<3328x16xf32, #tpu.memory_space<vmem>> -> memref<128x16xf32, #tpu.memory_space<vmem>>
      %dma_wait3A_641 = arith.constant 0 : i32
      %dma_wait3A_642 = tpu.memref_slice %arg7[%add3A_132, %dma_wait3A_641] : memref<104x128xi32, #tpu.memory_space<vmem>> -> memref<1x128xi32, #tpu.memory_space<vmem>>
      %dma_wait3A_643 = tpu.memref_squeeze %dma_wait3A_642 : memref<1x128xi32, #tpu.memory_space<vmem>> -> memref<128xi32, #tpu.memory_space<vmem>>
      %dma_wait3A_644 = arith.constant 0 : i32
      %dma_wait3A_645 = arith.constant 0 : i32
      %dma_wait3A_646 = tpu.memref_slice %arg3[%dma_wait3A_644, %dma_wait3A_645] : memref<1040000x16xf32, #tpu.memory_space<hbm>> -> memref<1040000x16xf32, #tpu.memory_space<hbm>>
      tpu.wait_indirect_dma semaphore(%arg12 : memref<!tpu.dma_semaphore, #tpu.memory_space<semaphore_mem>>) src(%dma_wait3A_646 : memref<1040000x16xf32, #tpu.memory_space<hbm>>) dst(%dma_wait3A_640 : memref<128x16xf32, #tpu.memory_space<vmem>>)
      %dma_wait3A_647 = arith.constant 6 : i32
      %dma_wait3A_648 = arith.constant 0 : i32
      %dma_wait3A_649 = tpu.memref_slice %arg9[%dma_wait3A_647, %dma_wait3A_648] : memref<26x128xf32, #tpu.memory_space<vmem>> -> memref<1x128xf32, #tpu.memory_space<vmem>>
      %dma_wait3A_650 = tpu.memref_squeeze %dma_wait3A_649 : memref<1x128xf32, #tpu.memory_space<vmem>> -> memref<128xf32, #tpu.memory_space<vmem>>
      %dma_wait3A_651 = arith.constant 0 : i32
      %dma_wait3A_652 = tpu.memref_slice %arg7[%add3A_132, %dma_wait3A_651] : memref<104x128xi32, #tpu.memory_space<vmem>> -> memref<1x128xi32, #tpu.memory_space<vmem>>
      %dma_wait3A_653 = tpu.memref_squeeze %dma_wait3A_652 : memref<1x128xi32, #tpu.memory_space<vmem>> -> memref<128xi32, #tpu.memory_space<vmem>>
      %dma_wait3A_654 = arith.constant 0 : i32
      %dma_wait3A_655 = tpu.memref_slice %arg4[%dma_wait3A_654] : memref<1040000xf32, #tpu.memory_space<hbm>> -> memref<1040000xf32, #tpu.memory_space<hbm>>
      tpu.wait_indirect_dma semaphore(%arg12 : memref<!tpu.dma_semaphore, #tpu.memory_space<semaphore_mem>>) src(%dma_wait3A_655 : memref<1040000xf32, #tpu.memory_space<hbm>>) dst(%dma_wait3A_650 : memref<128xf32, #tpu.memory_space<vmem>>)
      %dma_wait3A_656 = arith.constant 896 : i32
      %dma_wait3A_657 = arith.constant 0 : i32
      %dma_wait3A_658 = tpu.memref_slice %arg8[%dma_wait3A_656, %dma_wait3A_657] : memref<3328x16xf32, #tpu.memory_space<vmem>> -> memref<128x16xf32, #tpu.memory_space<vmem>>
      %dma_wait3A_659 = arith.constant 0 : i32
      %dma_wait3A_660 = tpu.memref_slice %arg7[%add3A_152, %dma_wait3A_659] : memref<104x128xi32, #tpu.memory_space<vmem>> -> memref<1x128xi32, #tpu.memory_space<vmem>>
      %dma_wait3A_661 = tpu.memref_squeeze %dma_wait3A_660 : memref<1x128xi32, #tpu.memory_space<vmem>> -> memref<128xi32, #tpu.memory_space<vmem>>
      %dma_wait3A_662 = arith.constant 0 : i32
      %dma_wait3A_663 = arith.constant 0 : i32
      %dma_wait3A_664 = tpu.memref_slice %arg3[%dma_wait3A_662, %dma_wait3A_663] : memref<1040000x16xf32, #tpu.memory_space<hbm>> -> memref<1040000x16xf32, #tpu.memory_space<hbm>>
      tpu.wait_indirect_dma semaphore(%arg12 : memref<!tpu.dma_semaphore, #tpu.memory_space<semaphore_mem>>) src(%dma_wait3A_664 : memref<1040000x16xf32, #tpu.memory_space<hbm>>) dst(%dma_wait3A_658 : memref<128x16xf32, #tpu.memory_space<vmem>>)
      %dma_wait3A_665 = arith.constant 7 : i32
      %dma_wait3A_666 = arith.constant 0 : i32
      %dma_wait3A_667 = tpu.memref_slice %arg9[%dma_wait3A_665, %dma_wait3A_666] : memref<26x128xf32, #tpu.memory_space<vmem>> -> memref<1x128xf32, #tpu.memory_space<vmem>>
      %dma_wait3A_668 = tpu.memref_squeeze %dma_wait3A_667 : memref<1x128xf32, #tpu.memory_space<vmem>> -> memref<128xf32, #tpu.memory_space<vmem>>
      %dma_wait3A_669 = arith.constant 0 : i32
      %dma_wait3A_670 = tpu.memref_slice %arg7[%add3A_152, %dma_wait3A_669] : memref<104x128xi32, #tpu.memory_space<vmem>> -> memref<1x128xi32, #tpu.memory_space<vmem>>
      %dma_wait3A_671 = tpu.memref_squeeze %dma_wait3A_670 : memref<1x128xi32, #tpu.memory_space<vmem>> -> memref<128xi32, #tpu.memory_space<vmem>>
      %dma_wait3A_672 = arith.constant 0 : i32
      %dma_wait3A_673 = tpu.memref_slice %arg4[%dma_wait3A_672] : memref<1040000xf32, #tpu.memory_space<hbm>> -> memref<1040000xf32, #tpu.memory_space<hbm>>
      tpu.wait_indirect_dma semaphore(%arg12 : memref<!tpu.dma_semaphore, #tpu.memory_space<semaphore_mem>>) src(%dma_wait3A_673 : memref<1040000xf32, #tpu.memory_space<hbm>>) dst(%dma_wait3A_668 : memref<128xf32, #tpu.memory_space<vmem>>)
      %dma_wait3A_674 = arith.constant 1024 : i32
      %dma_wait3A_675 = arith.constant 0 : i32
      %dma_wait3A_676 = tpu.memref_slice %arg8[%dma_wait3A_674, %dma_wait3A_675] : memref<3328x16xf32, #tpu.memory_space<vmem>> -> memref<128x16xf32, #tpu.memory_space<vmem>>
      %dma_wait3A_677 = arith.constant 0 : i32
      %dma_wait3A_678 = tpu.memref_slice %arg7[%add3A_172, %dma_wait3A_677] : memref<104x128xi32, #tpu.memory_space<vmem>> -> memref<1x128xi32, #tpu.memory_space<vmem>>
      %dma_wait3A_679 = tpu.memref_squeeze %dma_wait3A_678 : memref<1x128xi32, #tpu.memory_space<vmem>> -> memref<128xi32, #tpu.memory_space<vmem>>
      %dma_wait3A_680 = arith.constant 0 : i32
      %dma_wait3A_681 = arith.constant 0 : i32
      %dma_wait3A_682 = tpu.memref_slice %arg3[%dma_wait3A_680, %dma_wait3A_681] : memref<1040000x16xf32, #tpu.memory_space<hbm>> -> memref<1040000x16xf32, #tpu.memory_space<hbm>>
      tpu.wait_indirect_dma semaphore(%arg12 : memref<!tpu.dma_semaphore, #tpu.memory_space<semaphore_mem>>) src(%dma_wait3A_682 : memref<1040000x16xf32, #tpu.memory_space<hbm>>) dst(%dma_wait3A_676 : memref<128x16xf32, #tpu.memory_space<vmem>>)
      %dma_wait3A_683 = arith.constant 8 : i32
      %dma_wait3A_684 = arith.constant 0 : i32
      %dma_wait3A_685 = tpu.memref_slice %arg9[%dma_wait3A_683, %dma_wait3A_684] : memref<26x128xf32, #tpu.memory_space<vmem>> -> memref<1x128xf32, #tpu.memory_space<vmem>>
      %dma_wait3A_686 = tpu.memref_squeeze %dma_wait3A_685 : memref<1x128xf32, #tpu.memory_space<vmem>> -> memref<128xf32, #tpu.memory_space<vmem>>
      %dma_wait3A_687 = arith.constant 0 : i32
      %dma_wait3A_688 = tpu.memref_slice %arg7[%add3A_172, %dma_wait3A_687] : memref<104x128xi32, #tpu.memory_space<vmem>> -> memref<1x128xi32, #tpu.memory_space<vmem>>
      %dma_wait3A_689 = tpu.memref_squeeze %dma_wait3A_688 : memref<1x128xi32, #tpu.memory_space<vmem>> -> memref<128xi32, #tpu.memory_space<vmem>>
      %dma_wait3A_690 = arith.constant 0 : i32
      %dma_wait3A_691 = tpu.memref_slice %arg4[%dma_wait3A_690] : memref<1040000xf32, #tpu.memory_space<hbm>> -> memref<1040000xf32, #tpu.memory_space<hbm>>
      tpu.wait_indirect_dma semaphore(%arg12 : memref<!tpu.dma_semaphore, #tpu.memory_space<semaphore_mem>>) src(%dma_wait3A_691 : memref<1040000xf32, #tpu.memory_space<hbm>>) dst(%dma_wait3A_686 : memref<128xf32, #tpu.memory_space<vmem>>)
      %dma_wait3A_692 = arith.constant 1152 : i32
      %dma_wait3A_693 = arith.constant 0 : i32
      %dma_wait3A_694 = tpu.memref_slice %arg8[%dma_wait3A_692, %dma_wait3A_693] : memref<3328x16xf32, #tpu.memory_space<vmem>> -> memref<128x16xf32, #tpu.memory_space<vmem>>
      %dma_wait3A_695 = arith.constant 0 : i32
      %dma_wait3A_696 = tpu.memref_slice %arg7[%add3A_192, %dma_wait3A_695] : memref<104x128xi32, #tpu.memory_space<vmem>> -> memref<1x128xi32, #tpu.memory_space<vmem>>
      %dma_wait3A_697 = tpu.memref_squeeze %dma_wait3A_696 : memref<1x128xi32, #tpu.memory_space<vmem>> -> memref<128xi32, #tpu.memory_space<vmem>>
      %dma_wait3A_698 = arith.constant 0 : i32
      %dma_wait3A_699 = arith.constant 0 : i32
      %dma_wait3A_700 = tpu.memref_slice %arg3[%dma_wait3A_698, %dma_wait3A_699] : memref<1040000x16xf32, #tpu.memory_space<hbm>> -> memref<1040000x16xf32, #tpu.memory_space<hbm>>
      tpu.wait_indirect_dma semaphore(%arg12 : memref<!tpu.dma_semaphore, #tpu.memory_space<semaphore_mem>>) src(%dma_wait3A_700 : memref<1040000x16xf32, #tpu.memory_space<hbm>>) dst(%dma_wait3A_694 : memref<128x16xf32, #tpu.memory_space<vmem>>)
      %dma_wait3A_701 = arith.constant 9 : i32
      %dma_wait3A_702 = arith.constant 0 : i32
      %dma_wait3A_703 = tpu.memref_slice %arg9[%dma_wait3A_701, %dma_wait3A_702] : memref<26x128xf32, #tpu.memory_space<vmem>> -> memref<1x128xf32, #tpu.memory_space<vmem>>
      %dma_wait3A_704 = tpu.memref_squeeze %dma_wait3A_703 : memref<1x128xf32, #tpu.memory_space<vmem>> -> memref<128xf32, #tpu.memory_space<vmem>>
      %dma_wait3A_705 = arith.constant 0 : i32
      %dma_wait3A_706 = tpu.memref_slice %arg7[%add3A_192, %dma_wait3A_705] : memref<104x128xi32, #tpu.memory_space<vmem>> -> memref<1x128xi32, #tpu.memory_space<vmem>>
      %dma_wait3A_707 = tpu.memref_squeeze %dma_wait3A_706 : memref<1x128xi32, #tpu.memory_space<vmem>> -> memref<128xi32, #tpu.memory_space<vmem>>
      %dma_wait3A_708 = arith.constant 0 : i32
      %dma_wait3A_709 = tpu.memref_slice %arg4[%dma_wait3A_708] : memref<1040000xf32, #tpu.memory_space<hbm>> -> memref<1040000xf32, #tpu.memory_space<hbm>>
      tpu.wait_indirect_dma semaphore(%arg12 : memref<!tpu.dma_semaphore, #tpu.memory_space<semaphore_mem>>) src(%dma_wait3A_709 : memref<1040000xf32, #tpu.memory_space<hbm>>) dst(%dma_wait3A_704 : memref<128xf32, #tpu.memory_space<vmem>>)
      %dma_wait3A_710 = arith.constant 1280 : i32
      %dma_wait3A_711 = arith.constant 0 : i32
      %dma_wait3A_712 = tpu.memref_slice %arg8[%dma_wait3A_710, %dma_wait3A_711] : memref<3328x16xf32, #tpu.memory_space<vmem>> -> memref<128x16xf32, #tpu.memory_space<vmem>>
      %dma_wait3A_713 = arith.constant 0 : i32
      %dma_wait3A_714 = tpu.memref_slice %arg7[%add3A_212, %dma_wait3A_713] : memref<104x128xi32, #tpu.memory_space<vmem>> -> memref<1x128xi32, #tpu.memory_space<vmem>>
      %dma_wait3A_715 = tpu.memref_squeeze %dma_wait3A_714 : memref<1x128xi32, #tpu.memory_space<vmem>> -> memref<128xi32, #tpu.memory_space<vmem>>
      %dma_wait3A_716 = arith.constant 0 : i32
      %dma_wait3A_717 = arith.constant 0 : i32
      %dma_wait3A_718 = tpu.memref_slice %arg3[%dma_wait3A_716, %dma_wait3A_717] : memref<1040000x16xf32, #tpu.memory_space<hbm>> -> memref<1040000x16xf32, #tpu.memory_space<hbm>>
      tpu.wait_indirect_dma semaphore(%arg12 : memref<!tpu.dma_semaphore, #tpu.memory_space<semaphore_mem>>) src(%dma_wait3A_718 : memref<1040000x16xf32, #tpu.memory_space<hbm>>) dst(%dma_wait3A_712 : memref<128x16xf32, #tpu.memory_space<vmem>>)
      %dma_wait3A_719 = arith.constant 10 : i32
      %dma_wait3A_720 = arith.constant 0 : i32
      %dma_wait3A_721 = tpu.memref_slice %arg9[%dma_wait3A_719, %dma_wait3A_720] : memref<26x128xf32, #tpu.memory_space<vmem>> -> memref<1x128xf32, #tpu.memory_space<vmem>>
      %dma_wait3A_722 = tpu.memref_squeeze %dma_wait3A_721 : memref<1x128xf32, #tpu.memory_space<vmem>> -> memref<128xf32, #tpu.memory_space<vmem>>
      %dma_wait3A_723 = arith.constant 0 : i32
      %dma_wait3A_724 = tpu.memref_slice %arg7[%add3A_212, %dma_wait3A_723] : memref<104x128xi32, #tpu.memory_space<vmem>> -> memref<1x128xi32, #tpu.memory_space<vmem>>
      %dma_wait3A_725 = tpu.memref_squeeze %dma_wait3A_724 : memref<1x128xi32, #tpu.memory_space<vmem>> -> memref<128xi32, #tpu.memory_space<vmem>>
      %dma_wait3A_726 = arith.constant 0 : i32
      %dma_wait3A_727 = tpu.memref_slice %arg4[%dma_wait3A_726] : memref<1040000xf32, #tpu.memory_space<hbm>> -> memref<1040000xf32, #tpu.memory_space<hbm>>
      tpu.wait_indirect_dma semaphore(%arg12 : memref<!tpu.dma_semaphore, #tpu.memory_space<semaphore_mem>>) src(%dma_wait3A_727 : memref<1040000xf32, #tpu.memory_space<hbm>>) dst(%dma_wait3A_722 : memref<128xf32, #tpu.memory_space<vmem>>)
      %dma_wait3A_728 = arith.constant 1408 : i32
      %dma_wait3A_729 = arith.constant 0 : i32
      %dma_wait3A_730 = tpu.memref_slice %arg8[%dma_wait3A_728, %dma_wait3A_729] : memref<3328x16xf32, #tpu.memory_space<vmem>> -> memref<128x16xf32, #tpu.memory_space<vmem>>
      %dma_wait3A_731 = arith.constant 0 : i32
      %dma_wait3A_732 = tpu.memref_slice %arg7[%add3A_232, %dma_wait3A_731] : memref<104x128xi32, #tpu.memory_space<vmem>> -> memref<1x128xi32, #tpu.memory_space<vmem>>
      %dma_wait3A_733 = tpu.memref_squeeze %dma_wait3A_732 : memref<1x128xi32, #tpu.memory_space<vmem>> -> memref<128xi32, #tpu.memory_space<vmem>>
      %dma_wait3A_734 = arith.constant 0 : i32
      %dma_wait3A_735 = arith.constant 0 : i32
      %dma_wait3A_736 = tpu.memref_slice %arg3[%dma_wait3A_734, %dma_wait3A_735] : memref<1040000x16xf32, #tpu.memory_space<hbm>> -> memref<1040000x16xf32, #tpu.memory_space<hbm>>
      tpu.wait_indirect_dma semaphore(%arg12 : memref<!tpu.dma_semaphore, #tpu.memory_space<semaphore_mem>>) src(%dma_wait3A_736 : memref<1040000x16xf32, #tpu.memory_space<hbm>>) dst(%dma_wait3A_730 : memref<128x16xf32, #tpu.memory_space<vmem>>)
      %dma_wait3A_737 = arith.constant 11 : i32
      %dma_wait3A_738 = arith.constant 0 : i32
      %dma_wait3A_739 = tpu.memref_slice %arg9[%dma_wait3A_737, %dma_wait3A_738] : memref<26x128xf32, #tpu.memory_space<vmem>> -> memref<1x128xf32, #tpu.memory_space<vmem>>
      %dma_wait3A_740 = tpu.memref_squeeze %dma_wait3A_739 : memref<1x128xf32, #tpu.memory_space<vmem>> -> memref<128xf32, #tpu.memory_space<vmem>>
      %dma_wait3A_741 = arith.constant 0 : i32
      %dma_wait3A_742 = tpu.memref_slice %arg7[%add3A_232, %dma_wait3A_741] : memref<104x128xi32, #tpu.memory_space<vmem>> -> memref<1x128xi32, #tpu.memory_space<vmem>>
      %dma_wait3A_743 = tpu.memref_squeeze %dma_wait3A_742 : memref<1x128xi32, #tpu.memory_space<vmem>> -> memref<128xi32, #tpu.memory_space<vmem>>
      %dma_wait3A_744 = arith.constant 0 : i32
      %dma_wait3A_745 = tpu.memref_slice %arg4[%dma_wait3A_744] : memref<1040000xf32, #tpu.memory_space<hbm>> -> memref<1040000xf32, #tpu.memory_space<hbm>>
      tpu.wait_indirect_dma semaphore(%arg12 : memref<!tpu.dma_semaphore, #tpu.memory_space<semaphore_mem>>) src(%dma_wait3A_745 : memref<1040000xf32, #tpu.memory_space<hbm>>) dst(%dma_wait3A_740 : memref<128xf32, #tpu.memory_space<vmem>>)
      %dma_wait3A_746 = arith.constant 1536 : i32
      %dma_wait3A_747 = arith.constant 0 : i32
      %dma_wait3A_748 = tpu.memref_slice %arg8[%dma_wait3A_746, %dma_wait3A_747] : memref<3328x16xf32, #tpu.memory_space<vmem>> -> memref<128x16xf32, #tpu.memory_space<vmem>>
      %dma_wait3A_749 = arith.constant 0 : i32
      %dma_wait3A_750 = tpu.memref_slice %arg7[%add3A_252, %dma_wait3A_749] : memref<104x128xi32, #tpu.memory_space<vmem>> -> memref<1x128xi32, #tpu.memory_space<vmem>>
      %dma_wait3A_751 = tpu.memref_squeeze %dma_wait3A_750 : memref<1x128xi32, #tpu.memory_space<vmem>> -> memref<128xi32, #tpu.memory_space<vmem>>
      %dma_wait3A_752 = arith.constant 0 : i32
      %dma_wait3A_753 = arith.constant 0 : i32
      %dma_wait3A_754 = tpu.memref_slice %arg3[%dma_wait3A_752, %dma_wait3A_753] : memref<1040000x16xf32, #tpu.memory_space<hbm>> -> memref<1040000x16xf32, #tpu.memory_space<hbm>>
      tpu.wait_indirect_dma semaphore(%arg12 : memref<!tpu.dma_semaphore, #tpu.memory_space<semaphore_mem>>) src(%dma_wait3A_754 : memref<1040000x16xf32, #tpu.memory_space<hbm>>) dst(%dma_wait3A_748 : memref<128x16xf32, #tpu.memory_space<vmem>>)
      %dma_wait3A_755 = arith.constant 12 : i32
      %dma_wait3A_756 = arith.constant 0 : i32
      %dma_wait3A_757 = tpu.memref_slice %arg9[%dma_wait3A_755, %dma_wait3A_756] : memref<26x128xf32, #tpu.memory_space<vmem>> -> memref<1x128xf32, #tpu.memory_space<vmem>>
      %dma_wait3A_758 = tpu.memref_squeeze %dma_wait3A_757 : memref<1x128xf32, #tpu.memory_space<vmem>> -> memref<128xf32, #tpu.memory_space<vmem>>
      %dma_wait3A_759 = arith.constant 0 : i32
      %dma_wait3A_760 = tpu.memref_slice %arg7[%add3A_252, %dma_wait3A_759] : memref<104x128xi32, #tpu.memory_space<vmem>> -> memref<1x128xi32, #tpu.memory_space<vmem>>
      %dma_wait3A_761 = tpu.memref_squeeze %dma_wait3A_760 : memref<1x128xi32, #tpu.memory_space<vmem>> -> memref<128xi32, #tpu.memory_space<vmem>>
      %dma_wait3A_762 = arith.constant 0 : i32
      %dma_wait3A_763 = tpu.memref_slice %arg4[%dma_wait3A_762] : memref<1040000xf32, #tpu.memory_space<hbm>> -> memref<1040000xf32, #tpu.memory_space<hbm>>
      tpu.wait_indirect_dma semaphore(%arg12 : memref<!tpu.dma_semaphore, #tpu.memory_space<semaphore_mem>>) src(%dma_wait3A_763 : memref<1040000xf32, #tpu.memory_space<hbm>>) dst(%dma_wait3A_758 : memref<128xf32, #tpu.memory_space<vmem>>)
      %dma_wait3A_764 = arith.constant 1664 : i32
      %dma_wait3A_765 = arith.constant 0 : i32
      %dma_wait3A_766 = tpu.memref_slice %arg8[%dma_wait3A_764, %dma_wait3A_765] : memref<3328x16xf32, #tpu.memory_space<vmem>> -> memref<128x16xf32, #tpu.memory_space<vmem>>
      %dma_wait3A_767 = arith.constant 0 : i32
      %dma_wait3A_768 = tpu.memref_slice %arg7[%add3A_272, %dma_wait3A_767] : memref<104x128xi32, #tpu.memory_space<vmem>> -> memref<1x128xi32, #tpu.memory_space<vmem>>
      %dma_wait3A_769 = tpu.memref_squeeze %dma_wait3A_768 : memref<1x128xi32, #tpu.memory_space<vmem>> -> memref<128xi32, #tpu.memory_space<vmem>>
      %dma_wait3A_770 = arith.constant 0 : i32
      %dma_wait3A_771 = arith.constant 0 : i32
      %dma_wait3A_772 = tpu.memref_slice %arg3[%dma_wait3A_770, %dma_wait3A_771] : memref<1040000x16xf32, #tpu.memory_space<hbm>> -> memref<1040000x16xf32, #tpu.memory_space<hbm>>
      tpu.wait_indirect_dma semaphore(%arg12 : memref<!tpu.dma_semaphore, #tpu.memory_space<semaphore_mem>>) src(%dma_wait3A_772 : memref<1040000x16xf32, #tpu.memory_space<hbm>>) dst(%dma_wait3A_766 : memref<128x16xf32, #tpu.memory_space<vmem>>)
      %dma_wait3A_773 = arith.constant 13 : i32
      %dma_wait3A_774 = arith.constant 0 : i32
      %dma_wait3A_775 = tpu.memref_slice %arg9[%dma_wait3A_773, %dma_wait3A_774] : memref<26x128xf32, #tpu.memory_space<vmem>> -> memref<1x128xf32, #tpu.memory_space<vmem>>
      %dma_wait3A_776 = tpu.memref_squeeze %dma_wait3A_775 : memref<1x128xf32, #tpu.memory_space<vmem>> -> memref<128xf32, #tpu.memory_space<vmem>>
      %dma_wait3A_777 = arith.constant 0 : i32
      %dma_wait3A_778 = tpu.memref_slice %arg7[%add3A_272, %dma_wait3A_777] : memref<104x128xi32, #tpu.memory_space<vmem>> -> memref<1x128xi32, #tpu.memory_space<vmem>>
      %dma_wait3A_779 = tpu.memref_squeeze %dma_wait3A_778 : memref<1x128xi32, #tpu.memory_space<vmem>> -> memref<128xi32, #tpu.memory_space<vmem>>
      %dma_wait3A_780 = arith.constant 0 : i32
      %dma_wait3A_781 = tpu.memref_slice %arg4[%dma_wait3A_780] : memref<1040000xf32, #tpu.memory_space<hbm>> -> memref<1040000xf32, #tpu.memory_space<hbm>>
      tpu.wait_indirect_dma semaphore(%arg12 : memref<!tpu.dma_semaphore, #tpu.memory_space<semaphore_mem>>) src(%dma_wait3A_781 : memref<1040000xf32, #tpu.memory_space<hbm>>) dst(%dma_wait3A_776 : memref<128xf32, #tpu.memory_space<vmem>>)
      %dma_wait3A_782 = arith.constant 1792 : i32
      %dma_wait3A_783 = arith.constant 0 : i32
      %dma_wait3A_784 = tpu.memref_slice %arg8[%dma_wait3A_782, %dma_wait3A_783] : memref<3328x16xf32, #tpu.memory_space<vmem>> -> memref<128x16xf32, #tpu.memory_space<vmem>>
      %dma_wait3A_785 = arith.constant 0 : i32
      %dma_wait3A_786 = tpu.memref_slice %arg7[%add3A_292, %dma_wait3A_785] : memref<104x128xi32, #tpu.memory_space<vmem>> -> memref<1x128xi32, #tpu.memory_space<vmem>>
      %dma_wait3A_787 = tpu.memref_squeeze %dma_wait3A_786 : memref<1x128xi32, #tpu.memory_space<vmem>> -> memref<128xi32, #tpu.memory_space<vmem>>
      %dma_wait3A_788 = arith.constant 0 : i32
      %dma_wait3A_789 = arith.constant 0 : i32
      %dma_wait3A_790 = tpu.memref_slice %arg3[%dma_wait3A_788, %dma_wait3A_789] : memref<1040000x16xf32, #tpu.memory_space<hbm>> -> memref<1040000x16xf32, #tpu.memory_space<hbm>>
      tpu.wait_indirect_dma semaphore(%arg12 : memref<!tpu.dma_semaphore, #tpu.memory_space<semaphore_mem>>) src(%dma_wait3A_790 : memref<1040000x16xf32, #tpu.memory_space<hbm>>) dst(%dma_wait3A_784 : memref<128x16xf32, #tpu.memory_space<vmem>>)
      %dma_wait3A_791 = arith.constant 14 : i32
      %dma_wait3A_792 = arith.constant 0 : i32
      %dma_wait3A_793 = tpu.memref_slice %arg9[%dma_wait3A_791, %dma_wait3A_792] : memref<26x128xf32, #tpu.memory_space<vmem>> -> memref<1x128xf32, #tpu.memory_space<vmem>>
      %dma_wait3A_794 = tpu.memref_squeeze %dma_wait3A_793 : memref<1x128xf32, #tpu.memory_space<vmem>> -> memref<128xf32, #tpu.memory_space<vmem>>
      %dma_wait3A_795 = arith.constant 0 : i32
      %dma_wait3A_796 = tpu.memref_slice %arg7[%add3A_292, %dma_wait3A_795] : memref<104x128xi32, #tpu.memory_space<vmem>> -> memref<1x128xi32, #tpu.memory_space<vmem>>
      %dma_wait3A_797 = tpu.memref_squeeze %dma_wait3A_796 : memref<1x128xi32, #tpu.memory_space<vmem>> -> memref<128xi32, #tpu.memory_space<vmem>>
      %dma_wait3A_798 = arith.constant 0 : i32
      %dma_wait3A_799 = tpu.memref_slice %arg4[%dma_wait3A_798] : memref<1040000xf32, #tpu.memory_space<hbm>> -> memref<1040000xf32, #tpu.memory_space<hbm>>
      tpu.wait_indirect_dma semaphore(%arg12 : memref<!tpu.dma_semaphore, #tpu.memory_space<semaphore_mem>>) src(%dma_wait3A_799 : memref<1040000xf32, #tpu.memory_space<hbm>>) dst(%dma_wait3A_794 : memref<128xf32, #tpu.memory_space<vmem>>)
      %dma_wait3A_800 = arith.constant 1920 : i32
      %dma_wait3A_801 = arith.constant 0 : i32
      %dma_wait3A_802 = tpu.memref_slice %arg8[%dma_wait3A_800, %dma_wait3A_801] : memref<3328x16xf32, #tpu.memory_space<vmem>> -> memref<128x16xf32, #tpu.memory_space<vmem>>
      %dma_wait3A_803 = arith.constant 0 : i32
      %dma_wait3A_804 = tpu.memref_slice %arg7[%add3A_312, %dma_wait3A_803] : memref<104x128xi32, #tpu.memory_space<vmem>> -> memref<1x128xi32, #tpu.memory_space<vmem>>
      %dma_wait3A_805 = tpu.memref_squeeze %dma_wait3A_804 : memref<1x128xi32, #tpu.memory_space<vmem>> -> memref<128xi32, #tpu.memory_space<vmem>>
      %dma_wait3A_806 = arith.constant 0 : i32
      %dma_wait3A_807 = arith.constant 0 : i32
      %dma_wait3A_808 = tpu.memref_slice %arg3[%dma_wait3A_806, %dma_wait3A_807] : memref<1040000x16xf32, #tpu.memory_space<hbm>> -> memref<1040000x16xf32, #tpu.memory_space<hbm>>
      tpu.wait_indirect_dma semaphore(%arg12 : memref<!tpu.dma_semaphore, #tpu.memory_space<semaphore_mem>>) src(%dma_wait3A_808 : memref<1040000x16xf32, #tpu.memory_space<hbm>>) dst(%dma_wait3A_802 : memref<128x16xf32, #tpu.memory_space<vmem>>)
      %dma_wait3A_809 = arith.constant 15 : i32
      %dma_wait3A_810 = arith.constant 0 : i32
      %dma_wait3A_811 = tpu.memref_slice %arg9[%dma_wait3A_809, %dma_wait3A_810] : memref<26x128xf32, #tpu.memory_space<vmem>> -> memref<1x128xf32, #tpu.memory_space<vmem>>
      %dma_wait3A_812 = tpu.memref_squeeze %dma_wait3A_811 : memref<1x128xf32, #tpu.memory_space<vmem>> -> memref<128xf32, #tpu.memory_space<vmem>>
      %dma_wait3A_813 = arith.constant 0 : i32
      %dma_wait3A_814 = tpu.memref_slice %arg7[%add3A_312, %dma_wait3A_813] : memref<104x128xi32, #tpu.memory_space<vmem>> -> memref<1x128xi32, #tpu.memory_space<vmem>>
      %dma_wait3A_815 = tpu.memref_squeeze %dma_wait3A_814 : memref<1x128xi32, #tpu.memory_space<vmem>> -> memref<128xi32, #tpu.memory_space<vmem>>
      %dma_wait3A_816 = arith.constant 0 : i32
      %dma_wait3A_817 = tpu.memref_slice %arg4[%dma_wait3A_816] : memref<1040000xf32, #tpu.memory_space<hbm>> -> memref<1040000xf32, #tpu.memory_space<hbm>>
      tpu.wait_indirect_dma semaphore(%arg12 : memref<!tpu.dma_semaphore, #tpu.memory_space<semaphore_mem>>) src(%dma_wait3A_817 : memref<1040000xf32, #tpu.memory_space<hbm>>) dst(%dma_wait3A_812 : memref<128xf32, #tpu.memory_space<vmem>>)
      %dma_wait3A_818 = arith.constant 2048 : i32
      %dma_wait3A_819 = arith.constant 0 : i32
      %dma_wait3A_820 = tpu.memref_slice %arg8[%dma_wait3A_818, %dma_wait3A_819] : memref<3328x16xf32, #tpu.memory_space<vmem>> -> memref<128x16xf32, #tpu.memory_space<vmem>>
      %dma_wait3A_821 = arith.constant 0 : i32
      %dma_wait3A_822 = tpu.memref_slice %arg7[%add3A_332, %dma_wait3A_821] : memref<104x128xi32, #tpu.memory_space<vmem>> -> memref<1x128xi32, #tpu.memory_space<vmem>>
      %dma_wait3A_823 = tpu.memref_squeeze %dma_wait3A_822 : memref<1x128xi32, #tpu.memory_space<vmem>> -> memref<128xi32, #tpu.memory_space<vmem>>
      %dma_wait3A_824 = arith.constant 0 : i32
      %dma_wait3A_825 = arith.constant 0 : i32
      %dma_wait3A_826 = tpu.memref_slice %arg3[%dma_wait3A_824, %dma_wait3A_825] : memref<1040000x16xf32, #tpu.memory_space<hbm>> -> memref<1040000x16xf32, #tpu.memory_space<hbm>>
      tpu.wait_indirect_dma semaphore(%arg12 : memref<!tpu.dma_semaphore, #tpu.memory_space<semaphore_mem>>) src(%dma_wait3A_826 : memref<1040000x16xf32, #tpu.memory_space<hbm>>) dst(%dma_wait3A_820 : memref<128x16xf32, #tpu.memory_space<vmem>>)
      %dma_wait3A_827 = arith.constant 16 : i32
      %dma_wait3A_828 = arith.constant 0 : i32
      %dma_wait3A_829 = tpu.memref_slice %arg9[%dma_wait3A_827, %dma_wait3A_828] : memref<26x128xf32, #tpu.memory_space<vmem>> -> memref<1x128xf32, #tpu.memory_space<vmem>>
      %dma_wait3A_830 = tpu.memref_squeeze %dma_wait3A_829 : memref<1x128xf32, #tpu.memory_space<vmem>> -> memref<128xf32, #tpu.memory_space<vmem>>
      %dma_wait3A_831 = arith.constant 0 : i32
      %dma_wait3A_832 = tpu.memref_slice %arg7[%add3A_332, %dma_wait3A_831] : memref<104x128xi32, #tpu.memory_space<vmem>> -> memref<1x128xi32, #tpu.memory_space<vmem>>
      %dma_wait3A_833 = tpu.memref_squeeze %dma_wait3A_832 : memref<1x128xi32, #tpu.memory_space<vmem>> -> memref<128xi32, #tpu.memory_space<vmem>>
      %dma_wait3A_834 = arith.constant 0 : i32
      %dma_wait3A_835 = tpu.memref_slice %arg4[%dma_wait3A_834] : memref<1040000xf32, #tpu.memory_space<hbm>> -> memref<1040000xf32, #tpu.memory_space<hbm>>
      tpu.wait_indirect_dma semaphore(%arg12 : memref<!tpu.dma_semaphore, #tpu.memory_space<semaphore_mem>>) src(%dma_wait3A_835 : memref<1040000xf32, #tpu.memory_space<hbm>>) dst(%dma_wait3A_830 : memref<128xf32, #tpu.memory_space<vmem>>)
      %dma_wait3A_836 = arith.constant 2176 : i32
      %dma_wait3A_837 = arith.constant 0 : i32
      %dma_wait3A_838 = tpu.memref_slice %arg8[%dma_wait3A_836, %dma_wait3A_837] : memref<3328x16xf32, #tpu.memory_space<vmem>> -> memref<128x16xf32, #tpu.memory_space<vmem>>
      %dma_wait3A_839 = arith.constant 0 : i32
      %dma_wait3A_840 = tpu.memref_slice %arg7[%add3A_352, %dma_wait3A_839] : memref<104x128xi32, #tpu.memory_space<vmem>> -> memref<1x128xi32, #tpu.memory_space<vmem>>
      %dma_wait3A_841 = tpu.memref_squeeze %dma_wait3A_840 : memref<1x128xi32, #tpu.memory_space<vmem>> -> memref<128xi32, #tpu.memory_space<vmem>>
      %dma_wait3A_842 = arith.constant 0 : i32
      %dma_wait3A_843 = arith.constant 0 : i32
      %dma_wait3A_844 = tpu.memref_slice %arg3[%dma_wait3A_842, %dma_wait3A_843] : memref<1040000x16xf32, #tpu.memory_space<hbm>> -> memref<1040000x16xf32, #tpu.memory_space<hbm>>
      tpu.wait_indirect_dma semaphore(%arg12 : memref<!tpu.dma_semaphore, #tpu.memory_space<semaphore_mem>>) src(%dma_wait3A_844 : memref<1040000x16xf32, #tpu.memory_space<hbm>>) dst(%dma_wait3A_838 : memref<128x16xf32, #tpu.memory_space<vmem>>)
      %dma_wait3A_845 = arith.constant 17 : i32
      %dma_wait3A_846 = arith.constant 0 : i32
      %dma_wait3A_847 = tpu.memref_slice %arg9[%dma_wait3A_845, %dma_wait3A_846] : memref<26x128xf32, #tpu.memory_space<vmem>> -> memref<1x128xf32, #tpu.memory_space<vmem>>
      %dma_wait3A_848 = tpu.memref_squeeze %dma_wait3A_847 : memref<1x128xf32, #tpu.memory_space<vmem>> -> memref<128xf32, #tpu.memory_space<vmem>>
      %dma_wait3A_849 = arith.constant 0 : i32
      %dma_wait3A_850 = tpu.memref_slice %arg7[%add3A_352, %dma_wait3A_849] : memref<104x128xi32, #tpu.memory_space<vmem>> -> memref<1x128xi32, #tpu.memory_space<vmem>>
      %dma_wait3A_851 = tpu.memref_squeeze %dma_wait3A_850 : memref<1x128xi32, #tpu.memory_space<vmem>> -> memref<128xi32, #tpu.memory_space<vmem>>
      %dma_wait3A_852 = arith.constant 0 : i32
      %dma_wait3A_853 = tpu.memref_slice %arg4[%dma_wait3A_852] : memref<1040000xf32, #tpu.memory_space<hbm>> -> memref<1040000xf32, #tpu.memory_space<hbm>>
      tpu.wait_indirect_dma semaphore(%arg12 : memref<!tpu.dma_semaphore, #tpu.memory_space<semaphore_mem>>) src(%dma_wait3A_853 : memref<1040000xf32, #tpu.memory_space<hbm>>) dst(%dma_wait3A_848 : memref<128xf32, #tpu.memory_space<vmem>>)
      %dma_wait3A_854 = arith.constant 2304 : i32
      %dma_wait3A_855 = arith.constant 0 : i32
      %dma_wait3A_856 = tpu.memref_slice %arg8[%dma_wait3A_854, %dma_wait3A_855] : memref<3328x16xf32, #tpu.memory_space<vmem>> -> memref<128x16xf32, #tpu.memory_space<vmem>>
      %dma_wait3A_857 = arith.constant 0 : i32
      %dma_wait3A_858 = tpu.memref_slice %arg7[%add3A_372, %dma_wait3A_857] : memref<104x128xi32, #tpu.memory_space<vmem>> -> memref<1x128xi32, #tpu.memory_space<vmem>>
      %dma_wait3A_859 = tpu.memref_squeeze %dma_wait3A_858 : memref<1x128xi32, #tpu.memory_space<vmem>> -> memref<128xi32, #tpu.memory_space<vmem>>
      %dma_wait3A_860 = arith.constant 0 : i32
      %dma_wait3A_861 = arith.constant 0 : i32
      %dma_wait3A_862 = tpu.memref_slice %arg3[%dma_wait3A_860, %dma_wait3A_861] : memref<1040000x16xf32, #tpu.memory_space<hbm>> -> memref<1040000x16xf32, #tpu.memory_space<hbm>>
      tpu.wait_indirect_dma semaphore(%arg12 : memref<!tpu.dma_semaphore, #tpu.memory_space<semaphore_mem>>) src(%dma_wait3A_862 : memref<1040000x16xf32, #tpu.memory_space<hbm>>) dst(%dma_wait3A_856 : memref<128x16xf32, #tpu.memory_space<vmem>>)
      %dma_wait3A_863 = arith.constant 18 : i32
      %dma_wait3A_864 = arith.constant 0 : i32
      %dma_wait3A_865 = tpu.memref_slice %arg9[%dma_wait3A_863, %dma_wait3A_864] : memref<26x128xf32, #tpu.memory_space<vmem>> -> memref<1x128xf32, #tpu.memory_space<vmem>>
      %dma_wait3A_866 = tpu.memref_squeeze %dma_wait3A_865 : memref<1x128xf32, #tpu.memory_space<vmem>> -> memref<128xf32, #tpu.memory_space<vmem>>
      %dma_wait3A_867 = arith.constant 0 : i32
      %dma_wait3A_868 = tpu.memref_slice %arg7[%add3A_372, %dma_wait3A_867] : memref<104x128xi32, #tpu.memory_space<vmem>> -> memref<1x128xi32, #tpu.memory_space<vmem>>
      %dma_wait3A_869 = tpu.memref_squeeze %dma_wait3A_868 : memref<1x128xi32, #tpu.memory_space<vmem>> -> memref<128xi32, #tpu.memory_space<vmem>>
      %dma_wait3A_870 = arith.constant 0 : i32
      %dma_wait3A_871 = tpu.memref_slice %arg4[%dma_wait3A_870] : memref<1040000xf32, #tpu.memory_space<hbm>> -> memref<1040000xf32, #tpu.memory_space<hbm>>
      tpu.wait_indirect_dma semaphore(%arg12 : memref<!tpu.dma_semaphore, #tpu.memory_space<semaphore_mem>>) src(%dma_wait3A_871 : memref<1040000xf32, #tpu.memory_space<hbm>>) dst(%dma_wait3A_866 : memref<128xf32, #tpu.memory_space<vmem>>)
      %dma_wait3A_872 = arith.constant 2432 : i32
      %dma_wait3A_873 = arith.constant 0 : i32
      %dma_wait3A_874 = tpu.memref_slice %arg8[%dma_wait3A_872, %dma_wait3A_873] : memref<3328x16xf32, #tpu.memory_space<vmem>> -> memref<128x16xf32, #tpu.memory_space<vmem>>
      %dma_wait3A_875 = arith.constant 0 : i32
      %dma_wait3A_876 = tpu.memref_slice %arg7[%add3A_392, %dma_wait3A_875] : memref<104x128xi32, #tpu.memory_space<vmem>> -> memref<1x128xi32, #tpu.memory_space<vmem>>
      %dma_wait3A_877 = tpu.memref_squeeze %dma_wait3A_876 : memref<1x128xi32, #tpu.memory_space<vmem>> -> memref<128xi32, #tpu.memory_space<vmem>>
      %dma_wait3A_878 = arith.constant 0 : i32
      %dma_wait3A_879 = arith.constant 0 : i32
      %dma_wait3A_880 = tpu.memref_slice %arg3[%dma_wait3A_878, %dma_wait3A_879] : memref<1040000x16xf32, #tpu.memory_space<hbm>> -> memref<1040000x16xf32, #tpu.memory_space<hbm>>
      tpu.wait_indirect_dma semaphore(%arg12 : memref<!tpu.dma_semaphore, #tpu.memory_space<semaphore_mem>>) src(%dma_wait3A_880 : memref<1040000x16xf32, #tpu.memory_space<hbm>>) dst(%dma_wait3A_874 : memref<128x16xf32, #tpu.memory_space<vmem>>)
      %dma_wait3A_881 = arith.constant 19 : i32
      %dma_wait3A_882 = arith.constant 0 : i32
      %dma_wait3A_883 = tpu.memref_slice %arg9[%dma_wait3A_881, %dma_wait3A_882] : memref<26x128xf32, #tpu.memory_space<vmem>> -> memref<1x128xf32, #tpu.memory_space<vmem>>
      %dma_wait3A_884 = tpu.memref_squeeze %dma_wait3A_883 : memref<1x128xf32, #tpu.memory_space<vmem>> -> memref<128xf32, #tpu.memory_space<vmem>>
      %dma_wait3A_885 = arith.constant 0 : i32
      %dma_wait3A_886 = tpu.memref_slice %arg7[%add3A_392, %dma_wait3A_885] : memref<104x128xi32, #tpu.memory_space<vmem>> -> memref<1x128xi32, #tpu.memory_space<vmem>>
      %dma_wait3A_887 = tpu.memref_squeeze %dma_wait3A_886 : memref<1x128xi32, #tpu.memory_space<vmem>> -> memref<128xi32, #tpu.memory_space<vmem>>
      %dma_wait3A_888 = arith.constant 0 : i32
      %dma_wait3A_889 = tpu.memref_slice %arg4[%dma_wait3A_888] : memref<1040000xf32, #tpu.memory_space<hbm>> -> memref<1040000xf32, #tpu.memory_space<hbm>>
      tpu.wait_indirect_dma semaphore(%arg12 : memref<!tpu.dma_semaphore, #tpu.memory_space<semaphore_mem>>) src(%dma_wait3A_889 : memref<1040000xf32, #tpu.memory_space<hbm>>) dst(%dma_wait3A_884 : memref<128xf32, #tpu.memory_space<vmem>>)
      %dma_wait3A_890 = arith.constant 2560 : i32
      %dma_wait3A_891 = arith.constant 0 : i32
      %dma_wait3A_892 = tpu.memref_slice %arg8[%dma_wait3A_890, %dma_wait3A_891] : memref<3328x16xf32, #tpu.memory_space<vmem>> -> memref<128x16xf32, #tpu.memory_space<vmem>>
      %dma_wait3A_893 = arith.constant 0 : i32
      %dma_wait3A_894 = tpu.memref_slice %arg7[%add3A_412, %dma_wait3A_893] : memref<104x128xi32, #tpu.memory_space<vmem>> -> memref<1x128xi32, #tpu.memory_space<vmem>>
      %dma_wait3A_895 = tpu.memref_squeeze %dma_wait3A_894 : memref<1x128xi32, #tpu.memory_space<vmem>> -> memref<128xi32, #tpu.memory_space<vmem>>
      %dma_wait3A_896 = arith.constant 0 : i32
      %dma_wait3A_897 = arith.constant 0 : i32
      %dma_wait3A_898 = tpu.memref_slice %arg3[%dma_wait3A_896, %dma_wait3A_897] : memref<1040000x16xf32, #tpu.memory_space<hbm>> -> memref<1040000x16xf32, #tpu.memory_space<hbm>>
      tpu.wait_indirect_dma semaphore(%arg12 : memref<!tpu.dma_semaphore, #tpu.memory_space<semaphore_mem>>) src(%dma_wait3A_898 : memref<1040000x16xf32, #tpu.memory_space<hbm>>) dst(%dma_wait3A_892 : memref<128x16xf32, #tpu.memory_space<vmem>>)
      %dma_wait3A_899 = arith.constant 20 : i32
      %dma_wait3A_900 = arith.constant 0 : i32
      %dma_wait3A_901 = tpu.memref_slice %arg9[%dma_wait3A_899, %dma_wait3A_900] : memref<26x128xf32, #tpu.memory_space<vmem>> -> memref<1x128xf32, #tpu.memory_space<vmem>>
      %dma_wait3A_902 = tpu.memref_squeeze %dma_wait3A_901 : memref<1x128xf32, #tpu.memory_space<vmem>> -> memref<128xf32, #tpu.memory_space<vmem>>
      %dma_wait3A_903 = arith.constant 0 : i32
      %dma_wait3A_904 = tpu.memref_slice %arg7[%add3A_412, %dma_wait3A_903] : memref<104x128xi32, #tpu.memory_space<vmem>> -> memref<1x128xi32, #tpu.memory_space<vmem>>
      %dma_wait3A_905 = tpu.memref_squeeze %dma_wait3A_904 : memref<1x128xi32, #tpu.memory_space<vmem>> -> memref<128xi32, #tpu.memory_space<vmem>>
      %dma_wait3A_906 = arith.constant 0 : i32
      %dma_wait3A_907 = tpu.memref_slice %arg4[%dma_wait3A_906] : memref<1040000xf32, #tpu.memory_space<hbm>> -> memref<1040000xf32, #tpu.memory_space<hbm>>
      tpu.wait_indirect_dma semaphore(%arg12 : memref<!tpu.dma_semaphore, #tpu.memory_space<semaphore_mem>>) src(%dma_wait3A_907 : memref<1040000xf32, #tpu.memory_space<hbm>>) dst(%dma_wait3A_902 : memref<128xf32, #tpu.memory_space<vmem>>)
      %dma_wait3A_908 = arith.constant 2688 : i32
      %dma_wait3A_909 = arith.constant 0 : i32
      %dma_wait3A_910 = tpu.memref_slice %arg8[%dma_wait3A_908, %dma_wait3A_909] : memref<3328x16xf32, #tpu.memory_space<vmem>> -> memref<128x16xf32, #tpu.memory_space<vmem>>
      %dma_wait3A_911 = arith.constant 0 : i32
      %dma_wait3A_912 = tpu.memref_slice %arg7[%add3A_432, %dma_wait3A_911] : memref<104x128xi32, #tpu.memory_space<vmem>> -> memref<1x128xi32, #tpu.memory_space<vmem>>
      %dma_wait3A_913 = tpu.memref_squeeze %dma_wait3A_912 : memref<1x128xi32, #tpu.memory_space<vmem>> -> memref<128xi32, #tpu.memory_space<vmem>>
      %dma_wait3A_914 = arith.constant 0 : i32
      %dma_wait3A_915 = arith.constant 0 : i32
      %dma_wait3A_916 = tpu.memref_slice %arg3[%dma_wait3A_914, %dma_wait3A_915] : memref<1040000x16xf32, #tpu.memory_space<hbm>> -> memref<1040000x16xf32, #tpu.memory_space<hbm>>
      tpu.wait_indirect_dma semaphore(%arg12 : memref<!tpu.dma_semaphore, #tpu.memory_space<semaphore_mem>>) src(%dma_wait3A_916 : memref<1040000x16xf32, #tpu.memory_space<hbm>>) dst(%dma_wait3A_910 : memref<128x16xf32, #tpu.memory_space<vmem>>)
      %dma_wait3A_917 = arith.constant 21 : i32
      %dma_wait3A_918 = arith.constant 0 : i32
      %dma_wait3A_919 = tpu.memref_slice %arg9[%dma_wait3A_917, %dma_wait3A_918] : memref<26x128xf32, #tpu.memory_space<vmem>> -> memref<1x128xf32, #tpu.memory_space<vmem>>
      %dma_wait3A_920 = tpu.memref_squeeze %dma_wait3A_919 : memref<1x128xf32, #tpu.memory_space<vmem>> -> memref<128xf32, #tpu.memory_space<vmem>>
      %dma_wait3A_921 = arith.constant 0 : i32
      %dma_wait3A_922 = tpu.memref_slice %arg7[%add3A_432, %dma_wait3A_921] : memref<104x128xi32, #tpu.memory_space<vmem>> -> memref<1x128xi32, #tpu.memory_space<vmem>>
      %dma_wait3A_923 = tpu.memref_squeeze %dma_wait3A_922 : memref<1x128xi32, #tpu.memory_space<vmem>> -> memref<128xi32, #tpu.memory_space<vmem>>
      %dma_wait3A_924 = arith.constant 0 : i32
      %dma_wait3A_925 = tpu.memref_slice %arg4[%dma_wait3A_924] : memref<1040000xf32, #tpu.memory_space<hbm>> -> memref<1040000xf32, #tpu.memory_space<hbm>>
      tpu.wait_indirect_dma semaphore(%arg12 : memref<!tpu.dma_semaphore, #tpu.memory_space<semaphore_mem>>) src(%dma_wait3A_925 : memref<1040000xf32, #tpu.memory_space<hbm>>) dst(%dma_wait3A_920 : memref<128xf32, #tpu.memory_space<vmem>>)
      %dma_wait3A_926 = arith.constant 2816 : i32
      %dma_wait3A_927 = arith.constant 0 : i32
      %dma_wait3A_928 = tpu.memref_slice %arg8[%dma_wait3A_926, %dma_wait3A_927] : memref<3328x16xf32, #tpu.memory_space<vmem>> -> memref<128x16xf32, #tpu.memory_space<vmem>>
      %dma_wait3A_929 = arith.constant 0 : i32
      %dma_wait3A_930 = tpu.memref_slice %arg7[%add3A_452, %dma_wait3A_929] : memref<104x128xi32, #tpu.memory_space<vmem>> -> memref<1x128xi32, #tpu.memory_space<vmem>>
      %dma_wait3A_931 = tpu.memref_squeeze %dma_wait3A_930 : memref<1x128xi32, #tpu.memory_space<vmem>> -> memref<128xi32, #tpu.memory_space<vmem>>
      %dma_wait3A_932 = arith.constant 0 : i32
      %dma_wait3A_933 = arith.constant 0 : i32
      %dma_wait3A_934 = tpu.memref_slice %arg3[%dma_wait3A_932, %dma_wait3A_933] : memref<1040000x16xf32, #tpu.memory_space<hbm>> -> memref<1040000x16xf32, #tpu.memory_space<hbm>>
      tpu.wait_indirect_dma semaphore(%arg12 : memref<!tpu.dma_semaphore, #tpu.memory_space<semaphore_mem>>) src(%dma_wait3A_934 : memref<1040000x16xf32, #tpu.memory_space<hbm>>) dst(%dma_wait3A_928 : memref<128x16xf32, #tpu.memory_space<vmem>>)
      %dma_wait3A_935 = arith.constant 22 : i32
      %dma_wait3A_936 = arith.constant 0 : i32
      %dma_wait3A_937 = tpu.memref_slice %arg9[%dma_wait3A_935, %dma_wait3A_936] : memref<26x128xf32, #tpu.memory_space<vmem>> -> memref<1x128xf32, #tpu.memory_space<vmem>>
      %dma_wait3A_938 = tpu.memref_squeeze %dma_wait3A_937 : memref<1x128xf32, #tpu.memory_space<vmem>> -> memref<128xf32, #tpu.memory_space<vmem>>
      %dma_wait3A_939 = arith.constant 0 : i32
      %dma_wait3A_940 = tpu.memref_slice %arg7[%add3A_452, %dma_wait3A_939] : memref<104x128xi32, #tpu.memory_space<vmem>> -> memref<1x128xi32, #tpu.memory_space<vmem>>
      %dma_wait3A_941 = tpu.memref_squeeze %dma_wait3A_940 : memref<1x128xi32, #tpu.memory_space<vmem>> -> memref<128xi32, #tpu.memory_space<vmem>>
      %dma_wait3A_942 = arith.constant 0 : i32
      %dma_wait3A_943 = tpu.memref_slice %arg4[%dma_wait3A_942] : memref<1040000xf32, #tpu.memory_space<hbm>> -> memref<1040000xf32, #tpu.memory_space<hbm>>
      tpu.wait_indirect_dma semaphore(%arg12 : memref<!tpu.dma_semaphore, #tpu.memory_space<semaphore_mem>>) src(%dma_wait3A_943 : memref<1040000xf32, #tpu.memory_space<hbm>>) dst(%dma_wait3A_938 : memref<128xf32, #tpu.memory_space<vmem>>)
      %dma_wait3A_944 = arith.constant 2944 : i32
      %dma_wait3A_945 = arith.constant 0 : i32
      %dma_wait3A_946 = tpu.memref_slice %arg8[%dma_wait3A_944, %dma_wait3A_945] : memref<3328x16xf32, #tpu.memory_space<vmem>> -> memref<128x16xf32, #tpu.memory_space<vmem>>
      %dma_wait3A_947 = arith.constant 0 : i32
      %dma_wait3A_948 = tpu.memref_slice %arg7[%add3A_472, %dma_wait3A_947] : memref<104x128xi32, #tpu.memory_space<vmem>> -> memref<1x128xi32, #tpu.memory_space<vmem>>
      %dma_wait3A_949 = tpu.memref_squeeze %dma_wait3A_948 : memref<1x128xi32, #tpu.memory_space<vmem>> -> memref<128xi32, #tpu.memory_space<vmem>>
      %dma_wait3A_950 = arith.constant 0 : i32
      %dma_wait3A_951 = arith.constant 0 : i32
      %dma_wait3A_952 = tpu.memref_slice %arg3[%dma_wait3A_950, %dma_wait3A_951] : memref<1040000x16xf32, #tpu.memory_space<hbm>> -> memref<1040000x16xf32, #tpu.memory_space<hbm>>
      tpu.wait_indirect_dma semaphore(%arg12 : memref<!tpu.dma_semaphore, #tpu.memory_space<semaphore_mem>>) src(%dma_wait3A_952 : memref<1040000x16xf32, #tpu.memory_space<hbm>>) dst(%dma_wait3A_946 : memref<128x16xf32, #tpu.memory_space<vmem>>)
      %dma_wait3A_953 = arith.constant 23 : i32
      %dma_wait3A_954 = arith.constant 0 : i32
      %dma_wait3A_955 = tpu.memref_slice %arg9[%dma_wait3A_953, %dma_wait3A_954] : memref<26x128xf32, #tpu.memory_space<vmem>> -> memref<1x128xf32, #tpu.memory_space<vmem>>
      %dma_wait3A_956 = tpu.memref_squeeze %dma_wait3A_955 : memref<1x128xf32, #tpu.memory_space<vmem>> -> memref<128xf32, #tpu.memory_space<vmem>>
      %dma_wait3A_957 = arith.constant 0 : i32
      %dma_wait3A_958 = tpu.memref_slice %arg7[%add3A_472, %dma_wait3A_957] : memref<104x128xi32, #tpu.memory_space<vmem>> -> memref<1x128xi32, #tpu.memory_space<vmem>>
      %dma_wait3A_959 = tpu.memref_squeeze %dma_wait3A_958 : memref<1x128xi32, #tpu.memory_space<vmem>> -> memref<128xi32, #tpu.memory_space<vmem>>
      %dma_wait3A_960 = arith.constant 0 : i32
      %dma_wait3A_961 = tpu.memref_slice %arg4[%dma_wait3A_960] : memref<1040000xf32, #tpu.memory_space<hbm>> -> memref<1040000xf32, #tpu.memory_space<hbm>>
      tpu.wait_indirect_dma semaphore(%arg12 : memref<!tpu.dma_semaphore, #tpu.memory_space<semaphore_mem>>) src(%dma_wait3A_961 : memref<1040000xf32, #tpu.memory_space<hbm>>) dst(%dma_wait3A_956 : memref<128xf32, #tpu.memory_space<vmem>>)
      %dma_wait3A_962 = arith.constant 3072 : i32
      %dma_wait3A_963 = arith.constant 0 : i32
      %dma_wait3A_964 = tpu.memref_slice %arg8[%dma_wait3A_962, %dma_wait3A_963] : memref<3328x16xf32, #tpu.memory_space<vmem>> -> memref<128x16xf32, #tpu.memory_space<vmem>>
      %dma_wait3A_965 = arith.constant 0 : i32
      %dma_wait3A_966 = tpu.memref_slice %arg7[%add3A_492, %dma_wait3A_965] : memref<104x128xi32, #tpu.memory_space<vmem>> -> memref<1x128xi32, #tpu.memory_space<vmem>>
      %dma_wait3A_967 = tpu.memref_squeeze %dma_wait3A_966 : memref<1x128xi32, #tpu.memory_space<vmem>> -> memref<128xi32, #tpu.memory_space<vmem>>
      %dma_wait3A_968 = arith.constant 0 : i32
      %dma_wait3A_969 = arith.constant 0 : i32
      %dma_wait3A_970 = tpu.memref_slice %arg3[%dma_wait3A_968, %dma_wait3A_969] : memref<1040000x16xf32, #tpu.memory_space<hbm>> -> memref<1040000x16xf32, #tpu.memory_space<hbm>>
      tpu.wait_indirect_dma semaphore(%arg12 : memref<!tpu.dma_semaphore, #tpu.memory_space<semaphore_mem>>) src(%dma_wait3A_970 : memref<1040000x16xf32, #tpu.memory_space<hbm>>) dst(%dma_wait3A_964 : memref<128x16xf32, #tpu.memory_space<vmem>>)
      %dma_wait3A_971 = arith.constant 24 : i32
      %dma_wait3A_972 = arith.constant 0 : i32
      %dma_wait3A_973 = tpu.memref_slice %arg9[%dma_wait3A_971, %dma_wait3A_972] : memref<26x128xf32, #tpu.memory_space<vmem>> -> memref<1x128xf32, #tpu.memory_space<vmem>>
      %dma_wait3A_974 = tpu.memref_squeeze %dma_wait3A_973 : memref<1x128xf32, #tpu.memory_space<vmem>> -> memref<128xf32, #tpu.memory_space<vmem>>
      %dma_wait3A_975 = arith.constant 0 : i32
      %dma_wait3A_976 = tpu.memref_slice %arg7[%add3A_492, %dma_wait3A_975] : memref<104x128xi32, #tpu.memory_space<vmem>> -> memref<1x128xi32, #tpu.memory_space<vmem>>
      %dma_wait3A_977 = tpu.memref_squeeze %dma_wait3A_976 : memref<1x128xi32, #tpu.memory_space<vmem>> -> memref<128xi32, #tpu.memory_space<vmem>>
      %dma_wait3A_978 = arith.constant 0 : i32
      %dma_wait3A_979 = tpu.memref_slice %arg4[%dma_wait3A_978] : memref<1040000xf32, #tpu.memory_space<hbm>> -> memref<1040000xf32, #tpu.memory_space<hbm>>
      tpu.wait_indirect_dma semaphore(%arg12 : memref<!tpu.dma_semaphore, #tpu.memory_space<semaphore_mem>>) src(%dma_wait3A_979 : memref<1040000xf32, #tpu.memory_space<hbm>>) dst(%dma_wait3A_974 : memref<128xf32, #tpu.memory_space<vmem>>)
      %dma_wait3A_980 = arith.constant 3200 : i32
      %dma_wait3A_981 = arith.constant 0 : i32
      %dma_wait3A_982 = tpu.memref_slice %arg8[%dma_wait3A_980, %dma_wait3A_981] : memref<3328x16xf32, #tpu.memory_space<vmem>> -> memref<128x16xf32, #tpu.memory_space<vmem>>
      %dma_wait3A_983 = arith.constant 0 : i32
      %dma_wait3A_984 = tpu.memref_slice %arg7[%add3A_512, %dma_wait3A_983] : memref<104x128xi32, #tpu.memory_space<vmem>> -> memref<1x128xi32, #tpu.memory_space<vmem>>
      %dma_wait3A_985 = tpu.memref_squeeze %dma_wait3A_984 : memref<1x128xi32, #tpu.memory_space<vmem>> -> memref<128xi32, #tpu.memory_space<vmem>>
      %dma_wait3A_986 = arith.constant 0 : i32
      %dma_wait3A_987 = arith.constant 0 : i32
      %dma_wait3A_988 = tpu.memref_slice %arg3[%dma_wait3A_986, %dma_wait3A_987] : memref<1040000x16xf32, #tpu.memory_space<hbm>> -> memref<1040000x16xf32, #tpu.memory_space<hbm>>
      tpu.wait_indirect_dma semaphore(%arg12 : memref<!tpu.dma_semaphore, #tpu.memory_space<semaphore_mem>>) src(%dma_wait3A_988 : memref<1040000x16xf32, #tpu.memory_space<hbm>>) dst(%dma_wait3A_982 : memref<128x16xf32, #tpu.memory_space<vmem>>)
      %dma_wait3A_989 = arith.constant 25 : i32
      %dma_wait3A_990 = arith.constant 0 : i32
      %dma_wait3A_991 = tpu.memref_slice %arg9[%dma_wait3A_989, %dma_wait3A_990] : memref<26x128xf32, #tpu.memory_space<vmem>> -> memref<1x128xf32, #tpu.memory_space<vmem>>
      %dma_wait3A_992 = tpu.memref_squeeze %dma_wait3A_991 : memref<1x128xf32, #tpu.memory_space<vmem>> -> memref<128xf32, #tpu.memory_space<vmem>>
      %dma_wait3A_993 = arith.constant 0 : i32
      %dma_wait3A_994 = tpu.memref_slice %arg7[%add3A_512, %dma_wait3A_993] : memref<104x128xi32, #tpu.memory_space<vmem>> -> memref<1x128xi32, #tpu.memory_space<vmem>>
      %dma_wait3A_995 = tpu.memref_squeeze %dma_wait3A_994 : memref<1x128xi32, #tpu.memory_space<vmem>> -> memref<128xi32, #tpu.memory_space<vmem>>
      %dma_wait3A_996 = arith.constant 0 : i32
      %dma_wait3A_997 = tpu.memref_slice %arg4[%dma_wait3A_996] : memref<1040000xf32, #tpu.memory_space<hbm>> -> memref<1040000xf32, #tpu.memory_space<hbm>>
      tpu.wait_indirect_dma semaphore(%arg12 : memref<!tpu.dma_semaphore, #tpu.memory_space<semaphore_mem>>) src(%dma_wait3A_997 : memref<1040000xf32, #tpu.memory_space<hbm>>) dst(%dma_wait3A_992 : memref<128xf32, #tpu.memory_space<vmem>>)
      %scan3A_998 = arith.constant 0 : i32
      %scan3A_999 = arith.constant 8 : i32
      %scan3A_1000 = arith.addi %scan3A_998, %scan3A_999 : i32
      %scan3A_1001 = arith.constant 1 : i32
      scf.for %scan3A_1003 = %scan3A_998 to %scan3A_1000 step %scan3A_1001  : i32 {
        %mul3A_1004 = arith.constant 1 : i32
        %mul3A_1005 = arith.muli %scan3A_1003, %mul3A_1004 : i32
        %add3A_1006 = arith.constant 0 : i32
        %add3A_1007 = arith.addi %add3A_1006, %mul3A_1005 : i32
        %mul3A_1008 = arith.constant 16 : i32
        %mul3A_1009 = arith.muli %add3A_1007, %mul3A_1008 : i32
        %add3A_1010 = vector.broadcast %mul3A_1009 : i32 to vector<16xi32>
        %add3A_1011 = arith.addi %iota3A, %add3A_1010 : vector<16xi32>
        %get3A = arith.constant 0 : index
        %get3A_1012 = tpu.vector_load %arg10[%get3A] {strides = array<i32>} : memref<16xf32, #tpu.memory_space<vmem>>, vector<16xf32>,
        %get3A_1013 = arith.constant 0 : i32
        %get3A_1014 = arith.index_cast %get3A_1013 : i32 to index
        %get3A_1015 = arith.index_cast %mul3A_1009 : i32 to index
        %get3A_1016 = tpu.vector_load %arg9[%get3A_1014, %get3A_1015] {strides = array<i32>} : memref<26x128xf32, #tpu.memory_space<vmem>>, vector<16xf32>,
        %add3A_1017 = arith.addf %get3A_1012, %get3A_1016 : vector<16xf32>
        %get3A_1018 = arith.constant 1 : i32
        %get3A_1019 = arith.index_cast %get3A_1018 : i32 to index
        %get3A_1020 = arith.index_cast %mul3A_1009 : i32 to index
        %get3A_1021 = tpu.vector_load %arg9[%get3A_1019, %get3A_1020] {strides = array<i32>} : memref<26x128xf32, #tpu.memory_space<vmem>>, vector<16xf32>,
        %add3A_1022 = arith.addf %add3A_1017, %get3A_1021 : vector<16xf32>
        %get3A_1023 = arith.constant 2 : i32
        %get3A_1024 = arith.index_cast %get3A_1023 : i32 to index
        %get3A_1025 = arith.index_cast %mul3A_1009 : i32 to index
        %get3A_1026 = tpu.vector_load %arg9[%get3A_1024, %get3A_1025] {strides = array<i32>} : memref<26x128xf32, #tpu.memory_space<vmem>>, vector<16xf32>,
        %add3A_1027 = arith.addf %add3A_1022, %get3A_1026 : vector<16xf32>
        %get3A_1028 = arith.constant 3 : i32
        %get3A_1029 = arith.index_cast %get3A_1028 : i32 to index
        %get3A_1030 = arith.index_cast %mul3A_1009 : i32 to index
        %get3A_1031 = tpu.vector_load %arg9[%get3A_1029, %get3A_1030] {strides = array<i32>} : memref<26x128xf32, #tpu.memory_space<vmem>>, vector<16xf32>,
        %add3A_1032 = arith.addf %add3A_1027, %get3A_1031 : vector<16xf32>
        %get3A_1033 = arith.constant 4 : i32
        %get3A_1034 = arith.index_cast %get3A_1033 : i32 to index
        %get3A_1035 = arith.index_cast %mul3A_1009 : i32 to index
        %get3A_1036 = tpu.vector_load %arg9[%get3A_1034, %get3A_1035] {strides = array<i32>} : memref<26x128xf32, #tpu.memory_space<vmem>>, vector<16xf32>,
        %add3A_1037 = arith.addf %add3A_1032, %get3A_1036 : vector<16xf32>
        %get3A_1038 = arith.constant 5 : i32
        %get3A_1039 = arith.index_cast %get3A_1038 : i32 to index
        %get3A_1040 = arith.index_cast %mul3A_1009 : i32 to index
        %get3A_1041 = tpu.vector_load %arg9[%get3A_1039, %get3A_1040] {strides = array<i32>} : memref<26x128xf32, #tpu.memory_space<vmem>>, vector<16xf32>,
        %add3A_1042 = arith.addf %add3A_1037, %get3A_1041 : vector<16xf32>
        %get3A_1043 = arith.constant 6 : i32
        %get3A_1044 = arith.index_cast %get3A_1043 : i32 to index
        %get3A_1045 = arith.index_cast %mul3A_1009 : i32 to index
        %get3A_1046 = tpu.vector_load %arg9[%get3A_1044, %get3A_1045] {strides = array<i32>} : memref<26x128xf32, #tpu.memory_space<vmem>>, vector<16xf32>,
        %add3A_1047 = arith.addf %add3A_1042, %get3A_1046 : vector<16xf32>
        %get3A_1048 = arith.constant 7 : i32
        %get3A_1049 = arith.index_cast %get3A_1048 : i32 to index
        %get3A_1050 = arith.index_cast %mul3A_1009 : i32 to index
        %get3A_1051 = tpu.vector_load %arg9[%get3A_1049, %get3A_1050] {strides = array<i32>} : memref<26x128xf32, #tpu.memory_space<vmem>>, vector<16xf32>,
        %add3A_1052 = arith.addf %add3A_1047, %get3A_1051 : vector<16xf32>
        %get3A_1053 = arith.constant 8 : i32
        %get3A_1054 = arith.index_cast %get3A_1053 : i32 to index
        %get3A_1055 = arith.index_cast %mul3A_1009 : i32 to index
        %get3A_1056 = tpu.vector_load %arg9[%get3A_1054, %get3A_1055] {strides = array<i32>} : memref<26x128xf32, #tpu.memory_space<vmem>>, vector<16xf32>,
        %add3A_1057 = arith.addf %add3A_1052, %get3A_1056 : vector<16xf32>
        %get3A_1058 = arith.constant 9 : i32
        %get3A_1059 = arith.index_cast %get3A_1058 : i32 to index
        %get3A_1060 = arith.index_cast %mul3A_1009 : i32 to index
        %get3A_1061 = tpu.vector_load %arg9[%get3A_1059, %get3A_1060] {strides = array<i32>} : memref<26x128xf32, #tpu.memory_space<vmem>>, vector<16xf32>,
        %add3A_1062 = arith.addf %add3A_1057, %get3A_1061 : vector<16xf32>
        %get3A_1063 = arith.constant 10 : i32
        %get3A_1064 = arith.index_cast %get3A_1063 : i32 to index
        %get3A_1065 = arith.index_cast %mul3A_1009 : i32 to index
        %get3A_1066 = tpu.vector_load %arg9[%get3A_1064, %get3A_1065] {strides = array<i32>} : memref<26x128xf32, #tpu.memory_space<vmem>>, vector<16xf32>,
        %add3A_1067 = arith.addf %add3A_1062, %get3A_1066 : vector<16xf32>
        %get3A_1068 = arith.constant 11 : i32
        %get3A_1069 = arith.index_cast %get3A_1068 : i32 to index
        %get3A_1070 = arith.index_cast %mul3A_1009 : i32 to index
        %get3A_1071 = tpu.vector_load %arg9[%get3A_1069, %get3A_1070] {strides = array<i32>} : memref<26x128xf32, #tpu.memory_space<vmem>>, vector<16xf32>,
        %add3A_1072 = arith.addf %add3A_1067, %get3A_1071 : vector<16xf32>
        %get3A_1073 = arith.constant 12 : i32
        %get3A_1074 = arith.index_cast %get3A_1073 : i32 to index
        %get3A_1075 = arith.index_cast %mul3A_1009 : i32 to index
        %get3A_1076 = tpu.vector_load %arg9[%get3A_1074, %get3A_1075] {strides = array<i32>} : memref<26x128xf32, #tpu.memory_space<vmem>>, vector<16xf32>,
        %add3A_1077 = arith.addf %add3A_1072, %get3A_1076 : vector<16xf32>
        %get3A_1078 = arith.constant 13 : i32
        %get3A_1079 = arith.index_cast %get3A_1078 : i32 to index
        %get3A_1080 = arith.index_cast %mul3A_1009 : i32 to index
        %get3A_1081 = tpu.vector_load %arg9[%get3A_1079, %get3A_1080] {strides = array<i32>} : memref<26x128xf32, #tpu.memory_space<vmem>>, vector<16xf32>,
        %add3A_1082 = arith.addf %add3A_1077, %get3A_1081 : vector<16xf32>
        %get3A_1083 = arith.constant 14 : i32
        %get3A_1084 = arith.index_cast %get3A_1083 : i32 to index
        %get3A_1085 = arith.index_cast %mul3A_1009 : i32 to index
        %get3A_1086 = tpu.vector_load %arg9[%get3A_1084, %get3A_1085] {strides = array<i32>} : memref<26x128xf32, #tpu.memory_space<vmem>>, vector<16xf32>,
        %add3A_1087 = arith.addf %add3A_1082, %get3A_1086 : vector<16xf32>
        %get3A_1088 = arith.constant 15 : i32
        %get3A_1089 = arith.index_cast %get3A_1088 : i32 to index
        %get3A_1090 = arith.index_cast %mul3A_1009 : i32 to index
        %get3A_1091 = tpu.vector_load %arg9[%get3A_1089, %get3A_1090] {strides = array<i32>} : memref<26x128xf32, #tpu.memory_space<vmem>>, vector<16xf32>,
        %add3A_1092 = arith.addf %add3A_1087, %get3A_1091 : vector<16xf32>
        %get3A_1093 = arith.constant 16 : i32
        %get3A_1094 = arith.index_cast %get3A_1093 : i32 to index
        %get3A_1095 = arith.index_cast %mul3A_1009 : i32 to index
        %get3A_1096 = tpu.vector_load %arg9[%get3A_1094, %get3A_1095] {strides = array<i32>} : memref<26x128xf32, #tpu.memory_space<vmem>>, vector<16xf32>,
        %add3A_1097 = arith.addf %add3A_1092, %get3A_1096 : vector<16xf32>
        %get3A_1098 = arith.constant 17 : i32
        %get3A_1099 = arith.index_cast %get3A_1098 : i32 to index
        %get3A_1100 = arith.index_cast %mul3A_1009 : i32 to index
        %get3A_1101 = tpu.vector_load %arg9[%get3A_1099, %get3A_1100] {strides = array<i32>} : memref<26x128xf32, #tpu.memory_space<vmem>>, vector<16xf32>,
        %add3A_1102 = arith.addf %add3A_1097, %get3A_1101 : vector<16xf32>
        %get3A_1103 = arith.constant 18 : i32
        %get3A_1104 = arith.index_cast %get3A_1103 : i32 to index
        %get3A_1105 = arith.index_cast %mul3A_1009 : i32 to index
        %get3A_1106 = tpu.vector_load %arg9[%get3A_1104, %get3A_1105] {strides = array<i32>} : memref<26x128xf32, #tpu.memory_space<vmem>>, vector<16xf32>,
        %add3A_1107 = arith.addf %add3A_1102, %get3A_1106 : vector<16xf32>
        %get3A_1108 = arith.constant 19 : i32
        %get3A_1109 = arith.index_cast %get3A_1108 : i32 to index
        %get3A_1110 = arith.index_cast %mul3A_1009 : i32 to index
        %get3A_1111 = tpu.vector_load %arg9[%get3A_1109, %get3A_1110] {strides = array<i32>} : memref<26x128xf32, #tpu.memory_space<vmem>>, vector<16xf32>,
        %add3A_1112 = arith.addf %add3A_1107, %get3A_1111 : vector<16xf32>
        %get3A_1113 = arith.constant 20 : i32
        %get3A_1114 = arith.index_cast %get3A_1113 : i32 to index
        %get3A_1115 = arith.index_cast %mul3A_1009 : i32 to index
        %get3A_1116 = tpu.vector_load %arg9[%get3A_1114, %get3A_1115] {strides = array<i32>} : memref<26x128xf32, #tpu.memory_space<vmem>>, vector<16xf32>,
        %add3A_1117 = arith.addf %add3A_1112, %get3A_1116 : vector<16xf32>
        %get3A_1118 = arith.constant 21 : i32
        %get3A_1119 = arith.index_cast %get3A_1118 : i32 to index
        %get3A_1120 = arith.index_cast %mul3A_1009 : i32 to index
        %get3A_1121 = tpu.vector_load %arg9[%get3A_1119, %get3A_1120] {strides = array<i32>} : memref<26x128xf32, #tpu.memory_space<vmem>>, vector<16xf32>,
        %add3A_1122 = arith.addf %add3A_1117, %get3A_1121 : vector<16xf32>
        %get3A_1123 = arith.constant 22 : i32
        %get3A_1124 = arith.index_cast %get3A_1123 : i32 to index
        %get3A_1125 = arith.index_cast %mul3A_1009 : i32 to index
        %get3A_1126 = tpu.vector_load %arg9[%get3A_1124, %get3A_1125] {strides = array<i32>} : memref<26x128xf32, #tpu.memory_space<vmem>>, vector<16xf32>,
        %add3A_1127 = arith.addf %add3A_1122, %get3A_1126 : vector<16xf32>
        %get3A_1128 = arith.constant 23 : i32
        %get3A_1129 = arith.index_cast %get3A_1128 : i32 to index
        %get3A_1130 = arith.index_cast %mul3A_1009 : i32 to index
        %get3A_1131 = tpu.vector_load %arg9[%get3A_1129, %get3A_1130] {strides = array<i32>} : memref<26x128xf32, #tpu.memory_space<vmem>>, vector<16xf32>,
        %add3A_1132 = arith.addf %add3A_1127, %get3A_1131 : vector<16xf32>
        %get3A_1133 = arith.constant 24 : i32
        %get3A_1134 = arith.index_cast %get3A_1133 : i32 to index
        %get3A_1135 = arith.index_cast %mul3A_1009 : i32 to index
        %get3A_1136 = tpu.vector_load %arg9[%get3A_1134, %get3A_1135] {strides = array<i32>} : memref<26x128xf32, #tpu.memory_space<vmem>>, vector<16xf32>,
        %add3A_1137 = arith.addf %add3A_1132, %get3A_1136 : vector<16xf32>
        %get3A_1138 = arith.constant 25 : i32
        %get3A_1139 = arith.index_cast %get3A_1138 : i32 to index
        %get3A_1140 = arith.index_cast %mul3A_1009 : i32 to index
        %get3A_1141 = tpu.vector_load %arg9[%get3A_1139, %get3A_1140] {strides = array<i32>} : memref<26x128xf32, #tpu.memory_space<vmem>>, vector<16xf32>,
        %add3A_1142 = arith.addf %add3A_1137, %get3A_1141 : vector<16xf32>
        %broadcast_in_dim3A = arith.constant 0.000000e+00 : f32
        %broadcast_in_dim3A_1143 = vector.broadcast %broadcast_in_dim3A : f32 to vector<16xf32>
        %scan3A_1144 = arith.constant 0 : i32
        %scan3A_1145 = arith.constant 16 : i32
        %scan3A_1146 = arith.addi %scan3A_1144, %scan3A_1145 : i32
        %scan3A_1147 = arith.constant 1 : i32
        %scan3A_1148 = scf.for %scan3A_1165 = %scan3A_1144 to %scan3A_1146 step %scan3A_1147 iter_args(%scan3A_1166 = %broadcast_in_dim3A_1143) -> (vector<16xf32>)  : i32 {
          %broadcast_in_dim3A_1167 = vector.broadcast %scan3A_1165 : i32 to vector<16xi32>
          %broadcast_in_dim3A_1168 = arith.constant 0.000000e+00 : f32
          %broadcast_in_dim3A_1169 = vector.broadcast %broadcast_in_dim3A_1168 : f32 to vector<16xf32>
          %broadcast_in_dim3A_1170 = arith.constant 0.000000e+00 : f32
          %broadcast_in_dim3A_1171 = vector.broadcast %broadcast_in_dim3A_1170 : f32 to vector<16xf32>
          %add3A_1172 = arith.constant 0 : i32
          %add3A_1173 = vector.broadcast %add3A_1172 : i32 to vector<16xi32>
          %add3A_1174 = arith.addi %add3A_1011, %add3A_1173 : vector<16xi32>
          %gather3A = tpu.vector_load_idx %arg8[%add3A_1174, %broadcast_in_dim3A_1167] : memref<3328x16xf32, #tpu.memory_space<vmem>>[vector<16xi32>, vector<16xi32>], vector<16xf32>,
          %add3A_1175 = arith.addf %broadcast_in_dim3A_1169, %gather3A : vector<16xf32>
          %mul3A_1176 = arith.mulf %gather3A, %gather3A : vector<16xf32>
          %add3A_1177 = arith.addf %broadcast_in_dim3A_1171, %mul3A_1176 : vector<16xf32>
          %add3A_1178 = arith.constant 128 : i32
          %add3A_1179 = vector.broadcast %add3A_1178 : i32 to vector<16xi32>
          %add3A_1180 = arith.addi %add3A_1011, %add3A_1179 : vector<16xi32>
          %gather3A_1181 = tpu.vector_load_idx %arg8[%add3A_1180, %broadcast_in_dim3A_1167] : memref<3328x16xf32, #tpu.memory_space<vmem>>[vector<16xi32>, vector<16xi32>], vector<16xf32>,
          %add3A_1182 = arith.addf %add3A_1175, %gather3A_1181 : vector<16xf32>
          %mul3A_1183 = arith.mulf %gather3A_1181, %gather3A_1181 : vector<16xf32>
          %add3A_1184 = arith.addf %add3A_1177, %mul3A_1183 : vector<16xf32>
          %add3A_1185 = arith.constant 256 : i32
          %add3A_1186 = vector.broadcast %add3A_1185 : i32 to vector<16xi32>
          %add3A_1187 = arith.addi %add3A_1011, %add3A_1186 : vector<16xi32>
          %gather3A_1188 = tpu.vector_load_idx %arg8[%add3A_1187, %broadcast_in_dim3A_1167] : memref<3328x16xf32, #tpu.memory_space<vmem>>[vector<16xi32>, vector<16xi32>], vector<16xf32>,
          %add3A_1189 = arith.addf %add3A_1182, %gather3A_1188 : vector<16xf32>
          %mul3A_1190 = arith.mulf %gather3A_1188, %gather3A_1188 : vector<16xf32>
          %add3A_1191 = arith.addf %add3A_1184, %mul3A_1190 : vector<16xf32>
          %add3A_1192 = arith.constant 384 : i32
          %add3A_1193 = vector.broadcast %add3A_1192 : i32 to vector<16xi32>
          %add3A_1194 = arith.addi %add3A_1011, %add3A_1193 : vector<16xi32>
          %gather3A_1195 = tpu.vector_load_idx %arg8[%add3A_1194, %broadcast_in_dim3A_1167] : memref<3328x16xf32, #tpu.memory_space<vmem>>[vector<16xi32>, vector<16xi32>], vector<16xf32>,
          %add3A_1196 = arith.addf %add3A_1189, %gather3A_1195 : vector<16xf32>
          %mul3A_1197 = arith.mulf %gather3A_1195, %gather3A_1195 : vector<16xf32>
          %add3A_1198 = arith.addf %add3A_1191, %mul3A_1197 : vector<16xf32>
          %add3A_1199 = arith.constant 512 : i32
          %add3A_1200 = vector.broadcast %add3A_1199 : i32 to vector<16xi32>
          %add3A_1201 = arith.addi %add3A_1011, %add3A_1200 : vector<16xi32>
          %gather3A_1202 = tpu.vector_load_idx %arg8[%add3A_1201, %broadcast_in_dim3A_1167] : memref<3328x16xf32, #tpu.memory_space<vmem>>[vector<16xi32>, vector<16xi32>], vector<16xf32>,
          %add3A_1203 = arith.addf %add3A_1196, %gather3A_1202 : vector<16xf32>
          %mul3A_1204 = arith.mulf %gather3A_1202, %gather3A_1202 : vector<16xf32>
          %add3A_1205 = arith.addf %add3A_1198, %mul3A_1204 : vector<16xf32>
          %add3A_1206 = arith.constant 640 : i32
          %add3A_1207 = vector.broadcast %add3A_1206 : i32 to vector<16xi32>
          %add3A_1208 = arith.addi %add3A_1011, %add3A_1207 : vector<16xi32>
          %gather3A_1209 = tpu.vector_load_idx %arg8[%add3A_1208, %broadcast_in_dim3A_1167] : memref<3328x16xf32, #tpu.memory_space<vmem>>[vector<16xi32>, vector<16xi32>], vector<16xf32>,
          %add3A_1210 = arith.addf %add3A_1203, %gather3A_1209 : vector<16xf32>
          %mul3A_1211 = arith.mulf %gather3A_1209, %gather3A_1209 : vector<16xf32>
          %add3A_1212 = arith.addf %add3A_1205, %mul3A_1211 : vector<16xf32>
          %add3A_1213 = arith.constant 768 : i32
          %add3A_1214 = vector.broadcast %add3A_1213 : i32 to vector<16xi32>
          %add3A_1215 = arith.addi %add3A_1011, %add3A_1214 : vector<16xi32>
          %gather3A_1216 = tpu.vector_load_idx %arg8[%add3A_1215, %broadcast_in_dim3A_1167] : memref<3328x16xf32, #tpu.memory_space<vmem>>[vector<16xi32>, vector<16xi32>], vector<16xf32>,
          %add3A_1217 = arith.addf %add3A_1210, %gather3A_1216 : vector<16xf32>
          %mul3A_1218 = arith.mulf %gather3A_1216, %gather3A_1216 : vector<16xf32>
          %add3A_1219 = arith.addf %add3A_1212, %mul3A_1218 : vector<16xf32>
          %add3A_1220 = arith.constant 896 : i32
          %add3A_1221 = vector.broadcast %add3A_1220 : i32 to vector<16xi32>
          %add3A_1222 = arith.addi %add3A_1011, %add3A_1221 : vector<16xi32>
          %gather3A_1223 = tpu.vector_load_idx %arg8[%add3A_1222, %broadcast_in_dim3A_1167] : memref<3328x16xf32, #tpu.memory_space<vmem>>[vector<16xi32>, vector<16xi32>], vector<16xf32>,
          %add3A_1224 = arith.addf %add3A_1217, %gather3A_1223 : vector<16xf32>
          %mul3A_1225 = arith.mulf %gather3A_1223, %gather3A_1223 : vector<16xf32>
          %add3A_1226 = arith.addf %add3A_1219, %mul3A_1225 : vector<16xf32>
          %add3A_1227 = arith.constant 1024 : i32
          %add3A_1228 = vector.broadcast %add3A_1227 : i32 to vector<16xi32>
          %add3A_1229 = arith.addi %add3A_1011, %add3A_1228 : vector<16xi32>
          %gather3A_1230 = tpu.vector_load_idx %arg8[%add3A_1229, %broadcast_in_dim3A_1167] : memref<3328x16xf32, #tpu.memory_space<vmem>>[vector<16xi32>, vector<16xi32>], vector<16xf32>,
          %add3A_1231 = arith.addf %add3A_1224, %gather3A_1230 : vector<16xf32>
          %mul3A_1232 = arith.mulf %gather3A_1230, %gather3A_1230 : vector<16xf32>
          %add3A_1233 = arith.addf %add3A_1226, %mul3A_1232 : vector<16xf32>
          %add3A_1234 = arith.constant 1152 : i32
          %add3A_1235 = vector.broadcast %add3A_1234 : i32 to vector<16xi32>
          %add3A_1236 = arith.addi %add3A_1011, %add3A_1235 : vector<16xi32>
          %gather3A_1237 = tpu.vector_load_idx %arg8[%add3A_1236, %broadcast_in_dim3A_1167] : memref<3328x16xf32, #tpu.memory_space<vmem>>[vector<16xi32>, vector<16xi32>], vector<16xf32>,
          %add3A_1238 = arith.addf %add3A_1231, %gather3A_1237 : vector<16xf32>
          %mul3A_1239 = arith.mulf %gather3A_1237, %gather3A_1237 : vector<16xf32>
          %add3A_1240 = arith.addf %add3A_1233, %mul3A_1239 : vector<16xf32>
          %add3A_1241 = arith.constant 1280 : i32
          %add3A_1242 = vector.broadcast %add3A_1241 : i32 to vector<16xi32>
          %add3A_1243 = arith.addi %add3A_1011, %add3A_1242 : vector<16xi32>
          %gather3A_1244 = tpu.vector_load_idx %arg8[%add3A_1243, %broadcast_in_dim3A_1167] : memref<3328x16xf32, #tpu.memory_space<vmem>>[vector<16xi32>, vector<16xi32>], vector<16xf32>,
          %add3A_1245 = arith.addf %add3A_1238, %gather3A_1244 : vector<16xf32>
          %mul3A_1246 = arith.mulf %gather3A_1244, %gather3A_1244 : vector<16xf32>
          %add3A_1247 = arith.addf %add3A_1240, %mul3A_1246 : vector<16xf32>
          %add3A_1248 = arith.constant 1408 : i32
          %add3A_1249 = vector.broadcast %add3A_1248 : i32 to vector<16xi32>
          %add3A_1250 = arith.addi %add3A_1011, %add3A_1249 : vector<16xi32>
          %gather3A_1251 = tpu.vector_load_idx %arg8[%add3A_1250, %broadcast_in_dim3A_1167] : memref<3328x16xf32, #tpu.memory_space<vmem>>[vector<16xi32>, vector<16xi32>], vector<16xf32>,
          %add3A_1252 = arith.addf %add3A_1245, %gather3A_1251 : vector<16xf32>
          %mul3A_1253 = arith.mulf %gather3A_1251, %gather3A_1251 : vector<16xf32>
          %add3A_1254 = arith.addf %add3A_1247, %mul3A_1253 : vector<16xf32>
          %add3A_1255 = arith.constant 1536 : i32
          %add3A_1256 = vector.broadcast %add3A_1255 : i32 to vector<16xi32>
          %add3A_1257 = arith.addi %add3A_1011, %add3A_1256 : vector<16xi32>
          %gather3A_1258 = tpu.vector_load_idx %arg8[%add3A_1257, %broadcast_in_dim3A_1167] : memref<3328x16xf32, #tpu.memory_space<vmem>>[vector<16xi32>, vector<16xi32>], vector<16xf32>,
          %add3A_1259 = arith.addf %add3A_1252, %gather3A_1258 : vector<16xf32>
          %mul3A_1260 = arith.mulf %gather3A_1258, %gather3A_1258 : vector<16xf32>
          %add3A_1261 = arith.addf %add3A_1254, %mul3A_1260 : vector<16xf32>
          %add3A_1262 = arith.constant 1664 : i32
          %add3A_1263 = vector.broadcast %add3A_1262 : i32 to vector<16xi32>
          %add3A_1264 = arith.addi %add3A_1011, %add3A_1263 : vector<16xi32>
          %gather3A_1265 = tpu.vector_load_idx %arg8[%add3A_1264, %broadcast_in_dim3A_1167] : memref<3328x16xf32, #tpu.memory_space<vmem>>[vector<16xi32>, vector<16xi32>], vector<16xf32>,
          %add3A_1266 = arith.addf %add3A_1259, %gather3A_1265 : vector<16xf32>
          %mul3A_1267 = arith.mulf %gather3A_1265, %gather3A_1265 : vector<16xf32>
          %add3A_1268 = arith.addf %add3A_1261, %mul3A_1267 : vector<16xf32>
          %add3A_1269 = arith.constant 1792 : i32
          %add3A_1270 = vector.broadcast %add3A_1269 : i32 to vector<16xi32>
          %add3A_1271 = arith.addi %add3A_1011, %add3A_1270 : vector<16xi32>
          %gather3A_1272 = tpu.vector_load_idx %arg8[%add3A_1271, %broadcast_in_dim3A_1167] : memref<3328x16xf32, #tpu.memory_space<vmem>>[vector<16xi32>, vector<16xi32>], vector<16xf32>,
          %add3A_1273 = arith.addf %add3A_1266, %gather3A_1272 : vector<16xf32>
          %mul3A_1274 = arith.mulf %gather3A_1272, %gather3A_1272 : vector<16xf32>
          %add3A_1275 = arith.addf %add3A_1268, %mul3A_1274 : vector<16xf32>
          %add3A_1276 = arith.constant 1920 : i32
          %add3A_1277 = vector.broadcast %add3A_1276 : i32 to vector<16xi32>
          %add3A_1278 = arith.addi %add3A_1011, %add3A_1277 : vector<16xi32>
          %gather3A_1279 = tpu.vector_load_idx %arg8[%add3A_1278, %broadcast_in_dim3A_1167] : memref<3328x16xf32, #tpu.memory_space<vmem>>[vector<16xi32>, vector<16xi32>], vector<16xf32>,
          %add3A_1280 = arith.addf %add3A_1273, %gather3A_1279 : vector<16xf32>
          %mul3A_1281 = arith.mulf %gather3A_1279, %gather3A_1279 : vector<16xf32>
          %add3A_1282 = arith.addf %add3A_1275, %mul3A_1281 : vector<16xf32>
          %add3A_1283 = arith.constant 2048 : i32
          %add3A_1284 = vector.broadcast %add3A_1283 : i32 to vector<16xi32>
          %add3A_1285 = arith.addi %add3A_1011, %add3A_1284 : vector<16xi32>
          %gather3A_1286 = tpu.vector_load_idx %arg8[%add3A_1285, %broadcast_in_dim3A_1167] : memref<3328x16xf32, #tpu.memory_space<vmem>>[vector<16xi32>, vector<16xi32>], vector<16xf32>,
          %add3A_1287 = arith.addf %add3A_1280, %gather3A_1286 : vector<16xf32>
          %mul3A_1288 = arith.mulf %gather3A_1286, %gather3A_1286 : vector<16xf32>
          %add3A_1289 = arith.addf %add3A_1282, %mul3A_1288 : vector<16xf32>
          %add3A_1290 = arith.constant 2176 : i32
          %add3A_1291 = vector.broadcast %add3A_1290 : i32 to vector<16xi32>
          %add3A_1292 = arith.addi %add3A_1011, %add3A_1291 : vector<16xi32>
          %gather3A_1293 = tpu.vector_load_idx %arg8[%add3A_1292, %broadcast_in_dim3A_1167] : memref<3328x16xf32, #tpu.memory_space<vmem>>[vector<16xi32>, vector<16xi32>], vector<16xf32>,
          %add3A_1294 = arith.addf %add3A_1287, %gather3A_1293 : vector<16xf32>
          %mul3A_1295 = arith.mulf %gather3A_1293, %gather3A_1293 : vector<16xf32>
          %add3A_1296 = arith.addf %add3A_1289, %mul3A_1295 : vector<16xf32>
          %add3A_1297 = arith.constant 2304 : i32
          %add3A_1298 = vector.broadcast %add3A_1297 : i32 to vector<16xi32>
          %add3A_1299 = arith.addi %add3A_1011, %add3A_1298 : vector<16xi32>
          %gather3A_1300 = tpu.vector_load_idx %arg8[%add3A_1299, %broadcast_in_dim3A_1167] : memref<3328x16xf32, #tpu.memory_space<vmem>>[vector<16xi32>, vector<16xi32>], vector<16xf32>,
          %add3A_1301 = arith.addf %add3A_1294, %gather3A_1300 : vector<16xf32>
          %mul3A_1302 = arith.mulf %gather3A_1300, %gather3A_1300 : vector<16xf32>
          %add3A_1303 = arith.addf %add3A_1296, %mul3A_1302 : vector<16xf32>
          %add3A_1304 = arith.constant 2432 : i32
          %add3A_1305 = vector.broadcast %add3A_1304 : i32 to vector<16xi32>
          %add3A_1306 = arith.addi %add3A_1011, %add3A_1305 : vector<16xi32>
          %gather3A_1307 = tpu.vector_load_idx %arg8[%add3A_1306, %broadcast_in_dim3A_1167] : memref<3328x16xf32, #tpu.memory_space<vmem>>[vector<16xi32>, vector<16xi32>], vector<16xf32>,
          %add3A_1308 = arith.addf %add3A_1301, %gather3A_1307 : vector<16xf32>
          %mul3A_1309 = arith.mulf %gather3A_1307, %gather3A_1307 : vector<16xf32>
          %add3A_1310 = arith.addf %add3A_1303, %mul3A_1309 : vector<16xf32>
          %add3A_1311 = arith.constant 2560 : i32
          %add3A_1312 = vector.broadcast %add3A_1311 : i32 to vector<16xi32>
          %add3A_1313 = arith.addi %add3A_1011, %add3A_1312 : vector<16xi32>
          %gather3A_1314 = tpu.vector_load_idx %arg8[%add3A_1313, %broadcast_in_dim3A_1167] : memref<3328x16xf32, #tpu.memory_space<vmem>>[vector<16xi32>, vector<16xi32>], vector<16xf32>,
          %add3A_1315 = arith.addf %add3A_1308, %gather3A_1314 : vector<16xf32>
          %mul3A_1316 = arith.mulf %gather3A_1314, %gather3A_1314 : vector<16xf32>
          %add3A_1317 = arith.addf %add3A_1310, %mul3A_1316 : vector<16xf32>
          %add3A_1318 = arith.constant 2688 : i32
          %add3A_1319 = vector.broadcast %add3A_1318 : i32 to vector<16xi32>
          %add3A_1320 = arith.addi %add3A_1011, %add3A_1319 : vector<16xi32>
          %gather3A_1321 = tpu.vector_load_idx %arg8[%add3A_1320, %broadcast_in_dim3A_1167] : memref<3328x16xf32, #tpu.memory_space<vmem>>[vector<16xi32>, vector<16xi32>], vector<16xf32>,
          %add3A_1322 = arith.addf %add3A_1315, %gather3A_1321 : vector<16xf32>
          %mul3A_1323 = arith.mulf %gather3A_1321, %gather3A_1321 : vector<16xf32>
          %add3A_1324 = arith.addf %add3A_1317, %mul3A_1323 : vector<16xf32>
          %add3A_1325 = arith.constant 2816 : i32
          %add3A_1326 = vector.broadcast %add3A_1325 : i32 to vector<16xi32>
          %add3A_1327 = arith.addi %add3A_1011, %add3A_1326 : vector<16xi32>
          %gather3A_1328 = tpu.vector_load_idx %arg8[%add3A_1327, %broadcast_in_dim3A_1167] : memref<3328x16xf32, #tpu.memory_space<vmem>>[vector<16xi32>, vector<16xi32>], vector<16xf32>,
          %add3A_1329 = arith.addf %add3A_1322, %gather3A_1328 : vector<16xf32>
          %mul3A_1330 = arith.mulf %gather3A_1328, %gather3A_1328 : vector<16xf32>
          %add3A_1331 = arith.addf %add3A_1324, %mul3A_1330 : vector<16xf32>
          %add3A_1332 = arith.constant 2944 : i32
          %add3A_1333 = vector.broadcast %add3A_1332 : i32 to vector<16xi32>
          %add3A_1334 = arith.addi %add3A_1011, %add3A_1333 : vector<16xi32>
          %gather3A_1335 = tpu.vector_load_idx %arg8[%add3A_1334, %broadcast_in_dim3A_1167] : memref<3328x16xf32, #tpu.memory_space<vmem>>[vector<16xi32>, vector<16xi32>], vector<16xf32>,
          %add3A_1336 = arith.addf %add3A_1329, %gather3A_1335 : vector<16xf32>
          %mul3A_1337 = arith.mulf %gather3A_1335, %gather3A_1335 : vector<16xf32>
          %add3A_1338 = arith.addf %add3A_1331, %mul3A_1337 : vector<16xf32>
          %add3A_1339 = arith.constant 3072 : i32
          %add3A_1340 = vector.broadcast %add3A_1339 : i32 to vector<16xi32>
          %add3A_1341 = arith.addi %add3A_1011, %add3A_1340 : vector<16xi32>
          %gather3A_1342 = tpu.vector_load_idx %arg8[%add3A_1341, %broadcast_in_dim3A_1167] : memref<3328x16xf32, #tpu.memory_space<vmem>>[vector<16xi32>, vector<16xi32>], vector<16xf32>,
          %add3A_1343 = arith.addf %add3A_1336, %gather3A_1342 : vector<16xf32>
          %mul3A_1344 = arith.mulf %gather3A_1342, %gather3A_1342 : vector<16xf32>
          %add3A_1345 = arith.addf %add3A_1338, %mul3A_1344 : vector<16xf32>
          %add3A_1346 = arith.constant 3200 : i32
          %add3A_1347 = vector.broadcast %add3A_1346 : i32 to vector<16xi32>
          %add3A_1348 = arith.addi %add3A_1011, %add3A_1347 : vector<16xi32>
          %gather3A_1349 = tpu.vector_load_idx %arg8[%add3A_1348, %broadcast_in_dim3A_1167] : memref<3328x16xf32, #tpu.memory_space<vmem>>[vector<16xi32>, vector<16xi32>], vector<16xf32>,
          %add3A_1350 = arith.addf %add3A_1343, %gather3A_1349 : vector<16xf32>
          %mul3A_1351 = arith.mulf %gather3A_1349, %gather3A_1349 : vector<16xf32>
          %add3A_1352 = arith.addf %add3A_1345, %mul3A_1351 : vector<16xf32>
          %mul3A_1353 = arith.mulf %add3A_1350, %add3A_1350 : vector<16xf32>
          %sub3A = arith.subf %mul3A_1353, %add3A_1352 : vector<16xf32>
          %add3A_1354 = arith.addf %scan3A_1166, %sub3A : vector<16xf32>
          scf.yield %add3A_1354 : vector<16xf32>
        }
        %scan3A_1149 = arith.constant 16 : i32
        %mul3A_1150 = arith.constant 5.000000e-01 : f32
        %mul3A_1151 = vector.broadcast %mul3A_1150 : f32 to vector<16xf32>
        %mul3A_1152 = arith.mulf %mul3A_1151, %scan3A_1148 : vector<16xf32>
        %add3A_1153 = arith.addf %add3A_1142, %mul3A_1152 : vector<16xf32>
        %neg3A = arith.constant 0.000000e+00 : f32
        %neg3A_1154 = vector.broadcast %neg3A : f32 to vector<16xf32>
        %neg3A_1155 = arith.subf %neg3A_1154, %add3A_1153 : vector<16xf32>
        %exp3A = math.exp %neg3A_1155 : vector<16xf32>
        %add3A_1156 = arith.constant 1.000000e+00 : f32
        %add3A_1157 = vector.broadcast %add3A_1156 : f32 to vector<16xf32>
        %add3A_1158 = arith.addf %add3A_1157, %exp3A : vector<16xf32>
        %div3A = arith.constant 1.000000e+00 : f32
        %div3A_1159 = vector.broadcast %div3A : f32 to vector<16xf32>
        %div3A_1160 = arith.divf %div3A_1159, %add3A_1158 : vector<16xf32>
        %mul3A_1161 = arith.constant 128 : i32
        %mul3A_1162 = arith.muli %add3A_11, %mul3A_1161 : i32
        %add3A_1163 = arith.addi %mul3A_1162, %mul3A_1009 : i32
        %swap3A = arith.index_cast %add3A_1163 : i32 to index
        %swap3A_1164 = tpu.vector_load %arg11[%swap3A] {strides = array<i32>} : memref<512xf32, #tpu.memory_space<vmem>>, vector<16xf32>,
        tpu.vector_store %arg11[%swap3A], %div3A_1160 {strides = array<i32>} : memref<512xf32, #tpu.memory_space<vmem>>, vector<16xf32>,
      }
      %scan3A_1002 = arith.constant 8 : i32
    }
    %scan3A_4 = arith.constant 4 : i32
    %mul3A_5 = arith.constant 512 : i32
    %mul3A_6 = arith.muli %add3A, %mul3A_5 : i32
    "tpu.region"() ({
      %run_scoped3A = tpu.sem_alloc : memref<!tpu.dma_semaphore, #tpu.memory_space<semaphore_mem>>
      %dma_start3A = tpu.memref_slice %arg6[%mul3A_6] : memref<16384xf32, #tpu.memory_space<hbm>> -> memref<512xf32, #tpu.memory_space<hbm>>
      %dma_start3A_7 = tpu.memref_slice %arg6[%mul3A_6] : memref<16384xf32, #tpu.memory_space<hbm>> -> memref<512xf32, #tpu.memory_space<hbm>>
      tpu.enqueue_dma source(%arg11 : memref<512xf32, #tpu.memory_space<vmem>>) target(%dma_start3A_7 : memref<512xf32, #tpu.memory_space<hbm>>) target_semaphore(%run_scoped3A : memref<!tpu.dma_semaphore, #tpu.memory_space<semaphore_mem>>)
      %dma_wait3A = tpu.memref_slice %arg6[%mul3A_6] : memref<16384xf32, #tpu.memory_space<hbm>> -> memref<512xf32, #tpu.memory_space<hbm>>
      %dma_wait3A_8 = tpu.memref_slice %arg6[%mul3A_6] : memref<16384xf32, #tpu.memory_space<hbm>> -> memref<512xf32, #tpu.memory_space<hbm>>
      tpu.wait_dma2 semaphore(%run_scoped3A : memref<!tpu.dma_semaphore, #tpu.memory_space<semaphore_mem>>) src(%arg11 : memref<512xf32, #tpu.memory_space<vmem>>) dst(%dma_wait3A_8 : memref<512xf32, #tpu.memory_space<hbm>>)
      tpu.yield
    }) : () -> ()
    return
  }
}

</mosaic_0001>

<sc_bundles>
// kernel: kernel.3.cloned.1.call-start
scs
__scs_entry_jumppad:
0x0: {  	(pc) =	sbr.rel $0x88, $3  }
0x1: {  	(tag) =	ssettag $0x0;
	lr =	simm.s32 $0x1  }
0x2: {  	[smem:$0x3F9D] =	sst lr;
	_ =	strace $0xD0000000  }
0x3: {  	_ = 	snop  }
0x4: {  	_ = 	snop  }
0x5: {  	_ = 	snop  }
0x6: {  	_ = 	snop  }
0x7: {  	_ = 	snop  }
__scs_overlays_trampoline_lowered:
0x8: {  	[smem:$0x3FAC] =	sst s0  }
0x9: {  	[smem:$0x3FAD] =	sst s1  }
0xa: {  	[smem:$0x3FAE] =	sst s2  }
0xb: {  	[smem:$0x3FAF] =	sst s3  }
0xc: {  	[smem:$0x3FB0] =	sst s4  }
0xd: {  	[smem:$0x3FB1] =	sst s5  }
0xe: {  	[smem:$0x3FB2] =	sst s6  }
0xf: {  	[smem:$0x3FB3] =	sst s7  }
0x10: {  	[smem:$0x3FB4] =	sst s8  }
0x11: {  	[smem:$0x3FB5] =	sst s9;
	s0 =	simm.s32 @!p0 $0x0  }
0x12: {  	s1 =	sld [smem:$0x3F9B];
	s0 =	simm.s32 @p0 $0x1  }
0x13: {  	[smem:$0x3FB6] =	sst s0;
	s0 =	simm.s32 @!p1 $0x0  }
0x14: {  	s2 =	sld [smem:$0x3F9A];
	s0 =	simm.s32 @p1 $0x1  }
0x15: {  	[smem:$0x3FB7] =	sst s0;
	s0 =	simm.s32 @!p2 $0x0  }
0x16: {  	s3 =	sld [smem:$0x3FDB];
	s0 =	simm.s32 @p2 $0x1  }
0x17: {  	s4 =	simm.s32 $0x1BF5;
	[smem:$0x3FB9] =	sst s0  }
0x18: {  	s0 =	sld [smem:$0x3F9C];
	_ =	swait.ge [sflag:s4], $0x0  }
0x19: {  	s7 =	sld [smem:$0x3F9D]  }
0x1a: {  	s8 =	sadd.s32 $0xFFFFE003, lr  }
0x1b: {  	s9 =	sadd.s32 $0xFFFFFEF7, lr;
	s5 =	simm.s32 $0xFFFFFFFF;
	p2 =	slt.u32 s8, $0xFFFFF086  }
0x1c: {  	p1 =	slt.u32 s9, $0xF7A;
	s5 =	simm.s32 @!p2 $0x0  }
0x1d: {  	s5 =	simm.s32 @p1 $0x1;
	p0 =	seq.s32 s7, s2  }
0x1e: {  	s7 =	smul.u32 @!p0 $0xF7A, s2;
	p2 =	seq.s32 @!p0 s5, $0x0  }
0x1f: {  	s9 =	smul.u32 $0xF7A, s1;
	s8 =	simm.s32 @!p0 $0x1BF5;
	p2 =	por !p2, p0  }
0x20: {  	[sflag:s8] =	ssyncset.s32 @!p0 $0xFFFFF086;
	s6 =	sadd.s32 @!p0 s3, s7;
	s7 =	simm.s32 @!p0 $0x108  }
0x21: {  	s3 =	sadd.s32 s3, s9;
	s6 =	sadd.s32 @!p0 $0x88, s6;
	s7 =	simm.s32 @p2 $0x1082  }
0x22: {  	[simem:s7], [sflag:s8] =	dma.local @!p0 [hbm:s6], $0xF7A  }
0x23: {  	s9 =	sor.u32 $0xD0000000, s2;
	s6 =	simm.s32 $0x108;
	_ =	swait.ge @!p0 [sflag:s8], $0x0  }
0x24: {  	s3 =	sadd.s32 $0x88, s3;
	s6 =	simm.s32 @!p1 $0x1082;
	[sflag:s4] =	ssyncset.s32 $0xFFFFF086  }
0x25: {  	[simem:s6], [sflag:s4] =	dma.local [hbm:s3], $0xF7A  }
0x26: {  	[smem:$0x3F9D] =	sst s1;
	(tag) =	ssettag s2;
	_ =	strace s9  }
0x27: {  	s1 =	sld [smem:$0x3FAD]  }
0x28: {  	s2 =	sld [smem:$0x3FAE]  }
0x29: {  	s4 =	sld [smem:$0x3FB0]  }
0x2a: {  	p0 =	seq.s32 s5, $0x0;
	s5 =	sld [smem:$0x3FB1]  }
0x2b: {  	s6 =	sld [smem:$0x3FB2]  }
0x2c: {  	s7 =	sld [smem:$0x3FB3]  }
0x2d: {  	s3 =	simm.s32 $0x108;
	s8 =	sld [smem:$0x3FB4]  }
0x2e: {  	s3 =	simm.s32 @!p0 $0x1082;
	s9 =	sld [smem:$0x3FB5]  }
0x2f: {  	lr =	sadd.s32 s0, s3;
	s0 =	sld [smem:$0x3FAC]  }
0x30: {  	s3 =	sld [smem:$0x3FAF]  }
0x31: {  	[smem:$0x3FB8] =	sst s10  }
0x32: {  	s10 =	sld [smem:$0x3FB6];
	_ =	sdelay $0x3  }
0x33: {  	p0 =	seq.s32 s10, $0x1;
	s10 =	sld [smem:$0x3FB8];
	_ =	sdelay $0x3  }
0x34: {  	[smem:$0x3FB8] =	sst s10  }
0x35: {  	s10 =	sld [smem:$0x3FB7];
	_ =	sdelay $0x3  }
0x36: {  	p1 =	seq.s32 s10, $0x1;
	s10 =	sld [smem:$0x3FB8];
	_ =	sdelay $0x3  }
0x37: {  	[smem:$0x3FB8] =	sst s10  }
0x38: {  	s10 =	sld [smem:$0x3FB9]  }
0x39: {  	_ = 	snop;
	(pc) =	sbr.ind lr, $3  }
0x3a: {  	_ = 	snop  }
0x3b: {  	_ = 	snop  }
0x3c: {  	p2 =	seq.s32 s10, $0x1;
	s10 =	sld [smem:$0x3FB8]  }
0x3d: {  	_ =	shalt  }
0x3e: {  	_ =	shalt  }
0x3f: {  	_ =	shalt  }
0x40: {  	_ =	shalt  }
0x41: {  	_ =	shalt  }
0x42: {  	_ =	shalt  }
0x43: {  	_ =	shalt  }
0x44: {  	_ =	shalt  }
0x45: {  	_ =	shalt  }
0x46: {  	_ =	shalt  }
0x47: {  	_ =	shalt  }
0x48: {  	_ =	shalt  }
0x49: {  	_ =	shalt  }
0x4a: {  	_ =	shalt  }
0x4b: {  	_ =	shalt  }
0x4c: {  	_ =	shalt  }
0x4d: {  	_ =	shalt  }
0x4e: {  	_ =	shalt  }
0x4f: {  	_ =	shalt  }
0x50: {  	_ =	shalt  }
0x51: {  	_ =	shalt  }
0x52: {  	_ =	shalt  }
0x53: {  	_ =	shalt  }
0x54: {  	_ =	shalt  }
0x55: {  	_ =	shalt  }
0x56: {  	_ =	shalt  }
0x57: {  	_ =	shalt  }
0x58: {  	_ =	shalt  }
0x59: {  	_ =	shalt  }
0x5a: {  	_ =	shalt  }
0x5b: {  	_ =	shalt  }
0x5c: {  	_ =	shalt  }
0x5d: {  	_ =	shalt  }
0x5e: {  	_ =	shalt  }
0x5f: {  	_ =	shalt  }
0x60: {  	_ =	shalt  }
0x61: {  	_ =	shalt  }
0x62: {  	_ =	shalt  }
0x63: {  	_ =	shalt  }
0x64: {  	_ =	shalt  }
0x65: {  	_ =	shalt  }
0x66: {  	_ =	shalt  }
0x67: {  	_ =	shalt  }
0x68: {  	_ =	shalt  }
0x69: {  	_ =	shalt  }
0x6a: {  	_ =	shalt  }
0x6b: {  	_ =	shalt  }
0x6c: {  	_ =	shalt  }
0x6d: {  	_ =	shalt  }
0x6e: {  	_ =	shalt  }
0x6f: {  	_ =	shalt  }
0x70: {  	_ =	shalt  }
0x71: {  	_ =	shalt  }
0x72: {  	_ =	shalt  }
0x73: {  	_ =	shalt  }
0x74: {  	_ =	shalt  }
0x75: {  	_ =	shalt  }
0x76: {  	_ =	shalt  }
0x77: {  	_ =	shalt  }
0x78: {  	_ =	shalt  }
0x79: {  	_ =	shalt  }
0x7a: {  	_ =	shalt  }
0x7b: {  	_ =	shalt  }
0x7c: {  	_ =	shalt  }
0x7d: {  	_ =	shalt  }
0x7e: {  	_ =	shalt  }
0x7f: {  	_ =	shalt  }
0x80: {  	_ =	shalt  }
0x81: {  	_ =	shalt  }
0x82: {  	_ =	shalt  }
0x83: {  	_ =	shalt  }
0x84: {  	_ =	shalt  }
0x85: {  	_ =	shalt  }
0x86: {  	_ =	shalt  }
0x87: {  	_ =	shalt  }
.Lfunc_end0:
.L_simem_size_0:
called_computation_lowered:
.L_overlay_start_0:
0x88: {  	s2 =	sld [smem:$0x3FD9]  }
0x89: {  	s3 =	sld [smem:$0x3FFE];
	_ =	sdelay $0x1  }
0x8a: {  	s1 =	srdreg.scid  }
0x8b: {  	s0 =	sand.u32 $0x1, s1  }
0x8c: {  	s17 =	sshll.u32 s0, $0xA;
	s2 =	sadd.s32 s3, s2  }
0x8d: {  	s2 =	sadd.s32 s2, s17  }
0x8e: {  	[smem:$0x3FC4] =	sst s2  }
0x8f: {  	_ = 	snop  }
0x90: {  	s2 =	sld [smem:$0x3FD0];
	(tm) =	ssettm $0x1  }
0x91: {  	s18 =	sld [smem:$0x3FFB];
	_ =	sdelay $0x3  }
0x92: {  	_ =	strace s18  }
0x93: {  	s3 =	sld [smem:$0x3FFC];
	_ =	sdelay $0x3  }
0x94: {  	_ =	strace s3  }
0x95: {  	s3 =	sld [smem:$0x3FFD];
	_ =	sdelay $0x3  }
0x96: {  	_ =	strace s3  }
0x97: {  	_ =	strace $0x8FFFFFFF  }
0x98: {  	s19 =	sld [smem:$0x3FDB];
	_ =	sdelay $0x1  }
0x99: {  	s4 =	simm.s32 $_scs_section_size  }
0x9a: {  	s5 =	simm.s32 $_size__tile_overlayer_lowered;
	s6 =	simm.s32 $_tile_overlayer_lowered  }
0x9b: {  	s22 =	simm.s32 $0x1BFF;
	s21 =	sshll.u32 s6, $0x1;
	s3 =	sadd.s32 s4, s19  }
0x9c: {  	s7 =	simm.s32 $0x0;
	s20 =	sshll.u32 s5, $0x1;
	s5 =	sadd.s32 s21, s3  }
0x9d: {  	[timem:s7], [sflag:s22] =	dma.local [hbm:s5], s20  }
0x9e: {  	_ =	swait.ge [sflag:s22], s20  }
0x9f: {  	s4 =	ssub.s32 $0x0, s20;
	[sflag:s22] =	ssyncset.done $0x0  }
0xa0: {  	[sflag:s22] =	ssyncadd.s32 s4;
	_ =	sdelay $0x1  }
0xa1: {  	s23 =	simm.s32 $0x1B8B  }
0xa2: {  	_ =	swait.ge [sflag:s23], $0x1  }
0xa3: {  	[sflag:s23] =	ssyncset.done $0x0  }
0xa4: {  	s25 =	simm.s32 $0x1B8E;
	s24 =	sld [smem:$0x3FFE];
	[sflag:s23] =	ssyncadd.s32 $0xFFFFFFFF  }
0xa5: {  	s26 =	simm.s32 $execute0_lowered;
	[smem:$0x3FD2] =	sst s25  }
0xa6: {  	s5 =	sshll.u32 s26, $0x1;
	_ =	strace $0x80000046;
	[dreg:$0x1] =	wrdreg $0xFFFFFFFF  }
0xa7: {  	s28 =	simm.s32 $_size_execute0_lowered;
	s3 =	sadd.s32 s3, s5;
	[dreg:$0x0] =	wrdreg $0x0  }
0xa8: {  	s5 =	sshll.u32 s28, $0x1;
	[dreg:$0x2] =	wrdreg s3  }
0xa9: {  	[dreg:$0x3] =	wrdreg s5  }
0xaa: {  	[dreg:$0x4] =	wrdreg $0xC0  }
0xab: {  	_ =	task [dreg:s7], $0x5FFFF  }
0xac: {  	[dreg:$0x1] =	wrdreg $0xFFFFFFFF  }
0xad: {  	[dreg:$0x0] =	wrdreg $0x60  }
0xae: {  	[dreg:$0x2] =	wrdreg s24  }
0xaf: {  	[dreg:$0x3] =	wrdreg s2  }
0xb0: {  	[dreg:$0x4] =	wrdreg $0x9  }
0xb1: {  	_ =	task.clear_ibuf [dreg:s7], $0x5FFFF;
	_ =	strace $0x90000046  }
0xb2: {  	s29 =	simm.s32 $0x9;
	_ =	strace $0x80000048  }
0xb3: {  	_ =	swait.ge [sflag:s29], $0x1  }
0xb4: {  	[sflag:s29] =	ssyncadd.s32 $0xFFFFFFFF  }
0xb5: {  	_ =	strace $0x90000048  }
0xb6: {  	_ =	sfence  }
0xb7: {  	s30 =	sld [smem:$0x0];
	_ =	sdelay $0x2  }
0xb8: {  	s31 =	sshll.u32 s1, $0xD;
	s1 =	sshrl.u32 s1, $0x2  }
0xb9: {  	s3 =	sand.u32 $0x4000, s31;
	s1 =	sadd.s32 s1, s30  }
0xba: {  	s0 =	sor.u32 s3, s0;
	s1 =	sshll.u32 s1, $0x11  }
0xbb: {  	s0 =	sor.u32 s1, s0  }
0xbc: {  	s0 =	sadd.s32 $0x8F2B, s0  }
0xbd: {  	[sflag:s0] =	ssyncadd.remote.s32 $0x1  }
0xbe: {  	_ =	sfence.sel $0xFFFF  }
0xbf: {  	[dreg:$0x0] =	wrdreg $0xFFFFFFFF;
	(pc) =	sbr.abs _section_cstart, $3  }
0xc0: {  	[dreg:$0x1] =	wrdreg $0xFFFFFFFF  }
0xc1: {  	_ =	task.clear_ibuf [dreg:s7], $0x2FFFF;
	_ =	strace $0x9FFFFFFF  }
0xc2: {  	(tm) =	ssettm $0x7FFFFFFF  }
0xc3: {  	_ =	shalt  }
tec
execute0_lowered:
.L_overlay_start_1:
0x0: {  	(tag) =	ssettag $0x1  }
0x1: {  	v0 =	vlaneseq.u32  }
0x2: {  	s0 =	rddreg [dreg:$0x0];
	s9 =	simm.s32 $0x0;
	v0 =	vmul.u32 $0x10, v0  }
0x3: {  	[smem:$0x7FF] =	sst s9  }
0x4: {  	s2 =	rddreg [dreg:$0x1];
	_ =	strace $0x80000047;
	v1 =	vor.u32 $0xC800, v0;
	[tilespmem:$0x1FFE0] =	vst v0  }
0x5: {  	v41 =	vor.u32 $0xC000, v0;
	[tilespmem:$0x1FE60] =	vst v1  }
0x6: {  	v42 =	vor.u32 $0xB800, v0;
	[tilespmem:$0x1FE70] =	vst v41  }
0x7: {  	v43 =	vor.u32 $0xB000, v0;
	[tilespmem:$0x1FE80] =	vst v42  }
0x8: {  	v44 =	vor.u32 $0xA800, v0;
	[tilespmem:$0x1FE90] =	vst v43  }
0x9: {  	v45 =	vor.u32 $0xA000, v0;
	[tilespmem:$0x1FEA0] =	vst v44  }
0xa: {  	v46 =	vor.u32 $0x9800, v0;
	[tilespmem:$0x1FEB0] =	vst v45  }
0xb: {  	v47 =	vor.u32 $0x9000, v0;
	[tilespmem:$0x1FEC0] =	vst v46  }
0xc: {  	v48 =	vor.u32 $0x8800, v0;
	[tilespmem:$0x1FED0] =	vst v47  }
0xd: {  	v49 =	vor.u32 $0x8000, v0;
	[tilespmem:$0x1FEE0] =	vst v48  }
0xe: {  	s1 =	srdreg.scid;
	s3 =	stileid.u32;
	v50 =	vor.u32 $0x7800, v0;
	[tilespmem:$0x1FEF0] =	vst v49  }
0xf: {  	s13 =	simm.s32 $0x2;
	s11 =	simm.s32 $0x80;
	s12 =	simm.s32 $0x3400;
	v51 =	vor.u32 $0x7000, v0;
	[tilespmem:$0x1FF00] =	vst v50  }
0x10: {  	s16 =	simm.s32 $0x10B80;
	s17 =	simm.s32 $0xB400;
	s18 =	simm.s32 $0x10C00;
	v52 =	vor.u32 $0x6800, v0;
	[tilespmem:$0x1FF10] =	vst v51  }
0x11: {  	s19 =	simm.s32 $0xBC00;
	s20 =	simm.s32 $0x10C80;
	s21 =	simm.s32 $0xC400;
	v53 =	vor.u32 $0x6000, v0;
	[tilespmem:$0x1FF20] =	vst v52  }
0x12: {  	s22 =	simm.s32 $0x10D00;
	s23 =	simm.s32 $0xCC00;
	s28 =	simm.s32 $0xDC00;
	v54 =	vor.u32 $0x5800, v0;
	[tilespmem:$0x1FF30] =	vst v53  }
0x13: {  	s29 =	simm.s32 $0x10E80;
	s30 =	simm.s32 $0xE400;
	s31 =	simm.s32 $0x10F00;
	v55 =	vor.u32 $0x5000, v0;
	[tilespmem:$0x1FF40] =	vst v54  }
0x14: {  	s10 =	simm.s32 $0xF400;
	s1 =	sand.u32 $0x1, s1;
	s3 =	sshll.u32 s3, $0x1;
	v56 =	vor.u32 $0x4800, v0;
	[tilespmem:$0x1FF50] =	vst v55  }
0x15: {  	s7 =	simm.s32 $0x11080;
	s8 =	simm.s32 $0x1;
	s5 =	sor.u32 s1, s3;
	v57 =	vor.u32 $0x4000, v0;
	[tilespmem:$0x1FF60] =	vst v56  }
0x16: {  	s14 =	simm.s32 $0x0;
	s1 =	ssub.s32 $0x2, s1;
	s3 =	smul.u32 $0x680, s5;
	v58 =	vor.u32 $0x3800, v0;
	[tilespmem:$0x1FF70] =	vst v57  }
0x17: {  	s4 =	sadd.s32 $0xD600, s0;
	s24 =	sshrl.u32 s1, $0x1;
	s26 =	sshll.u32 s5, $0x6;
	v59 =	vor.u32 $0x3000, v0;
	[tilespmem:$0x1FF80] =	vst v58  }
0x18: {  	v60 =	vor.u32 $0x2800, v0;
	[tilespmem:$0x1FF90] =	vst v59;
	s6 =	sadd.s32 s3, s0;
	s3 =	sadd.s32 $0xFDEE00, s0;
	s0 =	sadd.s32 $0x2D200, s0  }
0x19: {  	v61 =	vor.u32 $0x2000, v0;
	s5 =	simm.s32 $0x11000;
	[tilespmem:$0x1FFA0] =	vst v60;
	[dreg:$0x3] =	wrdreg s0;
	s0 =	ssub.s32 s1, s24  }
0x1a: {  	v62 =	vor.u32 $0x1800, v0;
	[tilespmem:$0x1FFB0] =	vst v61;
	s25 =	sadd.s32 $0x600, s6;
	s1 =	sadd.s32 s2, s26;
	s24 =	simm.s32 $0x10D80  }
0x1b: {  	v63 =	vor.u32 $0x1000, v0;
	[tilespmem:$0x1FFC0] =	vst v62;
	s26 =	simm.s32 $0x10E00;
	s6 =	simm.s32 $0xFC00;
	[dreg:$0x4] =	wrdreg s25  }
0x1c: {  	v0 =	vor.u32 $0x800, v0;
	[tilespmem:$0x1FFD0] =	vst v63;
	[dreg:$0x5] =	wrdreg s1;
	s0 =	smax.u32 s0, $0x1;
	s25 =	simm.s32 $0xD400  }
0x1d: {  	[tilespmem:$0x1FFF0] =	vst v0;
	s1 =	simm.s32 $0xEC00;
	[dreg:$0x6] =	wrdreg s0;
	s0 =	simm.s32 $0x10F80  }
.LBB2_1:
0x1e: {  	[dreg:$0x7] =	wrdreg s14  }
0x1f: {  	s2 =	rddreg [dreg:$0x4]  }
0x20: {  	[tilespmem:s9], [sflag:$0x2] =	stream.linear.gather [hbm4b:s2+s9], $0x3400, $0x38;
	[tilespmem:$0x11310] =	vst v63  }
0x21: {  	_ =	swait.ge [sflag:s13], $0x3400  }
0x22: {  	[sflag:s13] =	ssyncset.done $0x0  }
0x23: {  	s15 =	simm.s32 $0x11100;
	s14 =	rddreg [dreg:$0x3];
	[sflag:s13] =	ssyncadd.s32 $0xFFFFCC00  }
0x24: {  	[tilespmem:s15], [sflag:$0x2] =	stream.linear.gather [hbm4b:s14+s9], $0x10, $0x38;
	[tilespmem:$0x11310] =	vst v63  }
0x25: {  	_ =	swait.ge [sflag:s13], $0x10  }
0x26: {  	[sflag:s13] =	ssyncset.done $0x0  }
0x27: {  	s2 =	simm.s32 $0x0;
	[sflag:s13] =	ssyncadd.s32 $0xFFFFFFF0  }
.LBB2_2:
0x28: {  	s9 =	sshll.u32 s2, $0x7  }
0x29: {  	[tilespmem:s12], [sflag:$0x1] =	stream.indirect.gather [hbm4b:s3+s11], $0x10, s9, s11, $0xb8;
	[tilespmem:$0x11310] =	vst v63  }
0x2a: {  	s13 =	simm.s32 $0x10400  }
0x2b: {  	[tilespmem:s13], [sflag:$0x1] =	stream.indirect.gather [hbm4b:s4+s11], $0x1, s9, s11, $0xb8;
	[tilespmem:$0x11310] =	vst v63  }
0x2c: {  	s13 =	sand.u32 $0x3FFFFF80, s9  }
0x2d: {  	s15 =	simm.s32 $0x3C00;
	s14 =	sadd.s32 $0x200, s13  }
0x2e: {  	[tilespmem:s15], [sflag:$0x1] =	stream.indirect.gather [hbm4b:s3+s11], $0x10, s14, s11, $0xb8;
	[tilespmem:$0x11310] =	vst v63  }
0x2f: {  	s15 =	simm.s32 $0x10480  }
0x30: {  	[tilespmem:s15], [sflag:$0x1] =	stream.indirect.gather [hbm4b:s4+s11], $0x1, s14, s11, $0xb8;
	[tilespmem:$0x11310] =	vst v63  }
0x31: {  	s14 =	sadd.s32 $0x400, s13;
	s15 =	simm.s32 $0x4400  }
0x32: {  	[tilespmem:s15], [sflag:$0x1] =	stream.indirect.gather [hbm4b:s3+s11], $0x10, s14, s11, $0xb8;
	[tilespmem:$0x11310] =	vst v63  }
0x33: {  	s15 =	simm.s32 $0x10500  }
0x34: {  	[tilespmem:s15], [sflag:$0x1] =	stream.indirect.gather [hbm4b:s4+s11], $0x1, s14, s11, $0xb8;
	[tilespmem:$0x11310] =	vst v63  }
0x35: {  	s14 =	sadd.s32 $0x600, s13;
	s15 =	simm.s32 $0x4C00  }
0x36: {  	[tilespmem:s15], [sflag:$0x1] =	stream.indirect.gather [hbm4b:s3+s11], $0x10, s14, s11, $0xb8;
	[tilespmem:$0x11310] =	vst v63  }
0x37: {  	s15 =	simm.s32 $0x10580  }
0x38: {  	[tilespmem:s15], [sflag:$0x1] =	stream.indirect.gather [hbm4b:s4+s11], $0x1, s14, s11, $0xb8;
	[tilespmem:$0x11310] =	vst v63  }
0x39: {  	s14 =	sadd.s32 $0x800, s13;
	s15 =	simm.s32 $0x5400  }
0x3a: {  	[tilespmem:s15], [sflag:$0x1] =	stream.indirect.gather [hbm4b:s3+s11], $0x10, s14, s11, $0xb8;
	[tilespmem:$0x11310] =	vst v63  }
0x3b: {  	s15 =	simm.s32 $0x10600  }
0x3c: {  	[tilespmem:s15], [sflag:$0x1] =	stream.indirect.gather [hbm4b:s4+s11], $0x1, s14, s11, $0xb8;
	[tilespmem:$0x11310] =	vst v63  }
0x3d: {  	s14 =	sadd.s32 $0xA00, s13;
	s15 =	simm.s32 $0x5C00  }
0x3e: {  	[tilespmem:s15], [sflag:$0x1] =	stream.indirect.gather [hbm4b:s3+s11], $0x10, s14, s11, $0xb8;
	[tilespmem:$0x11310] =	vst v63  }
0x3f: {  	s15 =	simm.s32 $0x10680  }
0x40: {  	[tilespmem:s15], [sflag:$0x1] =	stream.indirect.gather [hbm4b:s4+s11], $0x1, s14, s11, $0xb8;
	[tilespmem:$0x11310] =	vst v63  }
0x41: {  	s14 =	sadd.s32 $0xC00, s13;
	s15 =	simm.s32 $0x6400  }
0x42: {  	[tilespmem:s15], [sflag:$0x1] =	stream.indirect.gather [hbm4b:s3+s11], $0x10, s14, s11, $0xb8;
	[tilespmem:$0x11310] =	vst v63  }
0x43: {  	s15 =	simm.s32 $0x10700  }
0x44: {  	[tilespmem:s15], [sflag:$0x1] =	stream.indirect.gather [hbm4b:s4+s11], $0x1, s14, s11, $0xb8;
	[tilespmem:$0x11310] =	vst v63  }
0x45: {  	s14 =	sadd.s32 $0xE00, s13;
	s15 =	simm.s32 $0x6C00  }
0x46: {  	[tilespmem:s15], [sflag:$0x1] =	stream.indirect.gather [hbm4b:s3+s11], $0x10, s14, s11, $0xb8;
	[tilespmem:$0x11310] =	vst v63  }
0x47: {  	s15 =	simm.s32 $0x10780  }
0x48: {  	[tilespmem:s15], [sflag:$0x1] =	stream.indirect.gather [hbm4b:s4+s11], $0x1, s14, s11, $0xb8;
	[tilespmem:$0x11310] =	vst v63  }
0x49: {  	s14 =	sadd.s32 $0x1000, s13;
	s15 =	simm.s32 $0x7400  }
0x4a: {  	[tilespmem:s15], [sflag:$0x1] =	stream.indirect.gather [hbm4b:s3+s11], $0x10, s14, s11, $0xb8;
	[tilespmem:$0x11310] =	vst v63  }
0x4b: {  	s15 =	simm.s32 $0x10800  }
0x4c: {  	[tilespmem:s15], [sflag:$0x1] =	stream.indirect.gather [hbm4b:s4+s11], $0x1, s14, s11, $0xb8;
	[tilespmem:$0x11310] =	vst v63  }
0x4d: {  	s14 =	sadd.s32 $0x1200, s13;
	s15 =	simm.s32 $0x7C00  }
0x4e: {  	[tilespmem:s15], [sflag:$0x1] =	stream.indirect.gather [hbm4b:s3+s11], $0x10, s14, s11, $0xb8;
	[tilespmem:$0x11310] =	vst v63  }
0x4f: {  	s15 =	simm.s32 $0x10880  }
0x50: {  	[tilespmem:s15], [sflag:$0x1] =	stream.indirect.gather [hbm4b:s4+s11], $0x1, s14, s11, $0xb8;
	[tilespmem:$0x11310] =	vst v63  }
0x51: {  	s14 =	sadd.s32 $0x1400, s13;
	s15 =	simm.s32 $0x8400  }
0x52: {  	[tilespmem:s15], [sflag:$0x1] =	stream.indirect.gather [hbm4b:s3+s11], $0x10, s14, s11, $0xb8;
	[tilespmem:$0x11310] =	vst v63  }
0x53: {  	s15 =	simm.s32 $0x10900  }
0x54: {  	[tilespmem:s15], [sflag:$0x1] =	stream.indirect.gather [hbm4b:s4+s11], $0x1, s14, s11, $0xb8;
	[tilespmem:$0x11310] =	vst v63  }
0x55: {  	s14 =	sadd.s32 $0x1600, s13;
	s15 =	simm.s32 $0x8C00  }
0x56: {  	[tilespmem:s15], [sflag:$0x1] =	stream.indirect.gather [hbm4b:s3+s11], $0x10, s14, s11, $0xb8;
	[tilespmem:$0x11310] =	vst v63  }
0x57: {  	s15 =	simm.s32 $0x10980  }
0x58: {  	[tilespmem:s15], [sflag:$0x1] =	stream.indirect.gather [hbm4b:s4+s11], $0x1, s14, s11, $0xb8;
	[tilespmem:$0x11310] =	vst v63  }
0x59: {  	s14 =	sadd.s32 $0x1800, s13;
	s15 =	simm.s32 $0x9400  }
0x5a: {  	[tilespmem:s15], [sflag:$0x1] =	stream.indirect.gather [hbm4b:s3+s11], $0x10, s14, s11, $0xb8;
	[tilespmem:$0x11310] =	vst v63  }
0x5b: {  	s15 =	simm.s32 $0x10A00  }
0x5c: {  	[tilespmem:s15], [sflag:$0x1] =	stream.indirect.gather [hbm4b:s4+s11], $0x1, s14, s11, $0xb8;
	[tilespmem:$0x11310] =	vst v63  }
0x5d: {  	s14 =	sadd.s32 $0x1A00, s13;
	s15 =	simm.s32 $0x9C00  }
0x5e: {  	[tilespmem:s15], [sflag:$0x1] =	stream.indirect.gather [hbm4b:s3+s11], $0x10, s14, s11, $0xb8;
	[tilespmem:$0x11310] =	vst v63  }
0x5f: {  	s15 =	simm.s32 $0x10A80  }
0x60: {  	[tilespmem:s15], [sflag:$0x1] =	stream.indirect.gather [hbm4b:s4+s11], $0x1, s14, s11, $0xb8;
	[tilespmem:$0x11310] =	vst v63  }
0x61: {  	s14 =	sadd.s32 $0x1C00, s13;
	s15 =	simm.s32 $0xA400  }
0x62: {  	[tilespmem:s15], [sflag:$0x1] =	stream.indirect.gather [hbm4b:s3+s11], $0x10, s14, s11, $0xb8;
	[tilespmem:$0x11310] =	vst v63  }
0x63: {  	s15 =	simm.s32 $0x10B00  }
0x64: {  	[tilespmem:s15], [sflag:$0x1] =	stream.indirect.gather [hbm4b:s4+s11], $0x1, s14, s11, $0xb8;
	[tilespmem:$0x11310] =	vst v63  }
0x65: {  	s14 =	sadd.s32 $0x1E00, s13;
	s15 =	simm.s32 $0xAC00  }
0x66: {  	[tilespmem:s15], [sflag:$0x1] =	stream.indirect.gather [hbm4b:s3+s11], $0x10, s14, s11, $0xb8;
	[tilespmem:$0x11310] =	vst v63  }
0x67: {  	_ = 	snop  }
0x68: {  	[tilespmem:s16], [sflag:$0x1] =	stream.indirect.gather [hbm4b:s4+s11], $0x1, s14, s11, $0xb8;
	[tilespmem:$0x11310] =	vst v63  }
0x69: {  	s15 =	sadd.s32 $0x2000, s13  }
0x6a: {  	[tilespmem:s17], [sflag:$0x1] =	stream.indirect.gather [hbm4b:s3+s11], $0x10, s15, s11, $0xb8;
	[tilespmem:$0x11310] =	vst v63  }
0x6b: {  	_ = 	snop  }
0x6c: {  	[tilespmem:s18], [sflag:$0x1] =	stream.indirect.gather [hbm4b:s4+s11], $0x1, s15, s11, $0xb8;
	[tilespmem:$0x11310] =	vst v63  }
0x6d: {  	s15 =	sadd.s32 $0x2200, s13  }
0x6e: {  	[tilespmem:s19], [sflag:$0x1] =	stream.indirect.gather [hbm4b:s3+s11], $0x10, s15, s11, $0xb8;
	[tilespmem:$0x11310] =	vst v63  }
0x6f: {  	_ = 	snop  }
0x70: {  	[tilespmem:s20], [sflag:$0x1] =	stream.indirect.gather [hbm4b:s4+s11], $0x1, s15, s11, $0xb8;
	[tilespmem:$0x11310] =	vst v63  }
0x71: {  	s15 =	sadd.s32 $0x2400, s13  }
0x72: {  	[tilespmem:s21], [sflag:$0x1] =	stream.indirect.gather [hbm4b:s3+s11], $0x10, s15, s11, $0xb8;
	[tilespmem:$0x11310] =	vst v63  }
0x73: {  	_ = 	snop  }
0x74: {  	[tilespmem:s22], [sflag:$0x1] =	stream.indirect.gather [hbm4b:s4+s11], $0x1, s15, s11, $0xb8;
	[tilespmem:$0x11310] =	vst v63  }
0x75: {  	s15 =	sadd.s32 $0x2600, s13  }
0x76: {  	[tilespmem:s23], [sflag:$0x1] =	stream.indirect.gather [hbm4b:s3+s11], $0x10, s15, s11, $0xb8;
	[tilespmem:$0x11310] =	vst v63  }
0x77: {  	_ = 	snop  }
0x78: {  	[tilespmem:s24], [sflag:$0x1] =	stream.indirect.gather [hbm4b:s4+s11], $0x1, s15, s11, $0xb8;
	[tilespmem:$0x11310] =	vst v63  }
0x79: {  	s15 =	sadd.s32 $0x2800, s13  }
0x7a: {  	[tilespmem:s25], [sflag:$0x1] =	stream.indirect.gather [hbm4b:s3+s11], $0x10, s15, s11, $0xb8;
	[tilespmem:$0x11310] =	vst v63  }
0x7b: {  	_ = 	snop  }
0x7c: {  	[tilespmem:s26], [sflag:$0x1] =	stream.indirect.gather [hbm4b:s4+s11], $0x1, s15, s11, $0xb8;
	[tilespmem:$0x11310] =	vst v63  }
0x7d: {  	s15 =	sadd.s32 $0x2A00, s13  }
0x7e: {  	[tilespmem:s28], [sflag:$0x1] =	stream.indirect.gather [hbm4b:s3+s11], $0x10, s15, s11, $0xb8;
	[tilespmem:$0x11310] =	vst v63  }
0x7f: {  	_ = 	snop  }
0x80: {  	[tilespmem:s29], [sflag:$0x1] =	stream.indirect.gather [hbm4b:s4+s11], $0x1, s15, s11, $0xb8;
	[tilespmem:$0x11310] =	vst v63  }
0x81: {  	s15 =	sadd.s32 $0x2C00, s13  }
0x82: {  	[tilespmem:s30], [sflag:$0x1] =	stream.indirect.gather [hbm4b:s3+s11], $0x10, s15, s11, $0xb8;
	[tilespmem:$0x11310] =	vst v63  }
0x83: {  	_ = 	snop  }
0x84: {  	[tilespmem:s31], [sflag:$0x1] =	stream.indirect.gather [hbm4b:s4+s11], $0x1, s15, s11, $0xb8;
	[tilespmem:$0x11310] =	vst v63  }
0x85: {  	s15 =	sadd.s32 $0x2E00, s13  }
0x86: {  	[tilespmem:s1], [sflag:$0x1] =	stream.indirect.gather [hbm4b:s3+s11], $0x10, s15, s11, $0xb8;
	[tilespmem:$0x11310] =	vst v63  }
0x87: {  	_ = 	snop  }
0x88: {  	[tilespmem:s0], [sflag:$0x1] =	stream.indirect.gather [hbm4b:s4+s11], $0x1, s15, s11, $0xb8;
	[tilespmem:$0x11310] =	vst v63  }
0x89: {  	s15 =	sadd.s32 $0x3000, s13  }
0x8a: {  	[tilespmem:s10], [sflag:$0x1] =	stream.indirect.gather [hbm4b:s3+s11], $0x10, s15, s11, $0xb8;
	[tilespmem:$0x11310] =	vst v63  }
0x8b: {  	_ = 	snop  }
0x8c: {  	[tilespmem:s5], [sflag:$0x1] =	stream.indirect.gather [hbm4b:s4+s11], $0x1, s15, s11, $0xb8;
	[tilespmem:$0x11310] =	vst v63  }
0x8d: {  	s13 =	sadd.s32 $0x3200, s13  }
0x8e: {  	[tilespmem:s6], [sflag:$0x1] =	stream.indirect.gather [hbm4b:s3+s11], $0x10, s13, s11, $0xb8;
	[tilespmem:$0x11310] =	vst v63  }
0x8f: {  	_ = 	snop  }
0x90: {  	[tilespmem:s7], [sflag:$0x1] =	stream.indirect.gather [hbm4b:s4+s11], $0x1, s13, s11, $0xb8;
	[tilespmem:$0x11310] =	vst v63  }
0x91: {  	_ =	swait.ge [sflag:s8], $0x800  }
0x92: {  	[sflag:s8] =	ssyncset.done $0x0  }
0x93: {  	[sflag:s8] =	ssyncadd.s32 $0xFFFFF800  }
0x94: {  	_ =	swait.ge [sflag:s8], $0x80  }
0x95: {  	[sflag:s8] =	ssyncset.done $0x0  }
0x96: {  	[sflag:s8] =	ssyncadd.s32 $0xFFFFFF80  }
0x97: {  	_ =	swait.ge [sflag:s8], $0x800  }
0x98: {  	[sflag:s8] =	ssyncset.done $0x0  }
0x99: {  	[sflag:s8] =	ssyncadd.s32 $0xFFFFF800  }
0x9a: {  	_ =	swait.ge [sflag:s8], $0x80  }
0x9b: {  	[sflag:s8] =	ssyncset.done $0x0  }
0x9c: {  	[sflag:s8] =	ssyncadd.s32 $0xFFFFFF80  }
0x9d: {  	_ =	swait.ge [sflag:s8], $0x800  }
0x9e: {  	[sflag:s8] =	ssyncset.done $0x0  }
0x9f: {  	[sflag:s8] =	ssyncadd.s32 $0xFFFFF800  }
0xa0: {  	_ =	swait.ge [sflag:s8], $0x80  }
0xa1: {  	[sflag:s8] =	ssyncset.done $0x0  }
0xa2: {  	[sflag:s8] =	ssyncadd.s32 $0xFFFFFF80  }
0xa3: {  	_ =	swait.ge [sflag:s8], $0x800  }
0xa4: {  	[sflag:s8] =	ssyncset.done $0x0  }
0xa5: {  	[sflag:s8] =	ssyncadd.s32 $0xFFFFF800  }
0xa6: {  	_ =	swait.ge [sflag:s8], $0x80  }
0xa7: {  	[sflag:s8] =	ssyncset.done $0x0  }
0xa8: {  	[sflag:s8] =	ssyncadd.s32 $0xFFFFFF80  }
0xa9: {  	_ =	swait.ge [sflag:s8], $0x800  }
0xaa: {  	[sflag:s8] =	ssyncset.done $0x0  }
0xab: {  	[sflag:s8] =	ssyncadd.s32 $0xFFFFF800  }
0xac: {  	_ =	swait.ge [sflag:s8], $0x80  }
0xad: {  	[sflag:s8] =	ssyncset.done $0x0  }
0xae: {  	[sflag:s8] =	ssyncadd.s32 $0xFFFFFF80  }
0xaf: {  	_ =	swait.ge [sflag:s8], $0x800  }
0xb0: {  	[sflag:s8] =	ssyncset.done $0x0  }
0xb1: {  	[sflag:s8] =	ssyncadd.s32 $0xFFFFF800  }
0xb2: {  	_ =	swait.ge [sflag:s8], $0x80  }
0xb3: {  	[sflag:s8] =	ssyncset.done $0x0  }
0xb4: {  	[sflag:s8] =	ssyncadd.s32 $0xFFFFFF80  }
0xb5: {  	_ =	swait.ge [sflag:s8], $0x800  }
0xb6: {  	[sflag:s8] =	ssyncset.done $0x0  }
0xb7: {  	[sflag:s8] =	ssyncadd.s32 $0xFFFFF800  }
0xb8: {  	_ =	swait.ge [sflag:s8], $0x80  }
0xb9: {  	[sflag:s8] =	ssyncset.done $0x0  }
0xba: {  	[sflag:s8] =	ssyncadd.s32 $0xFFFFFF80  }
0xbb: {  	_ =	swait.ge [sflag:s8], $0x800  }
0xbc: {  	[sflag:s8] =	ssyncset.done $0x0  }
0xbd: {  	[sflag:s8] =	ssyncadd.s32 $0xFFFFF800  }
0xbe: {  	_ =	swait.ge [sflag:s8], $0x80  }
0xbf: {  	[sflag:s8] =	ssyncset.done $0x0  }
0xc0: {  	[sflag:s8] =	ssyncadd.s32 $0xFFFFFF80  }
0xc1: {  	_ =	swait.ge [sflag:s8], $0x800  }
0xc2: {  	[sflag:s8] =	ssyncset.done $0x0  }
0xc3: {  	[sflag:s8] =	ssyncadd.s32 $0xFFFFF800  }
0xc4: {  	_ =	swait.ge [sflag:s8], $0x80  }
0xc5: {  	[sflag:s8] =	ssyncset.done $0x0  }
0xc6: {  	[sflag:s8] =	ssyncadd.s32 $0xFFFFFF80  }
0xc7: {  	_ =	swait.ge [sflag:s8], $0x800  }
0xc8: {  	[sflag:s8] =	ssyncset.done $0x0  }
0xc9: {  	[sflag:s8] =	ssyncadd.s32 $0xFFFFF800  }
0xca: {  	_ =	swait.ge [sflag:s8], $0x80  }
0xcb: {  	[sflag:s8] =	ssyncset.done $0x0  }
0xcc: {  	[sflag:s8] =	ssyncadd.s32 $0xFFFFFF80  }
0xcd: {  	_ =	swait.ge [sflag:s8], $0x800  }
0xce: {  	[sflag:s8] =	ssyncset.done $0x0  }
0xcf: {  	[sflag:s8] =	ssyncadd.s32 $0xFFFFF800  }
0xd0: {  	_ =	swait.ge [sflag:s8], $0x80  }
0xd1: {  	[sflag:s8] =	ssyncset.done $0x0  }
0xd2: {  	[sflag:s8] =	ssyncadd.s32 $0xFFFFFF80  }
0xd3: {  	_ =	swait.ge [sflag:s8], $0x800  }
0xd4: {  	[sflag:s8] =	ssyncset.done $0x0  }
0xd5: {  	[sflag:s8] =	ssyncadd.s32 $0xFFFFF800  }
0xd6: {  	_ =	swait.ge [sflag:s8], $0x80  }
0xd7: {  	[sflag:s8] =	ssyncset.done $0x0  }
0xd8: {  	[sflag:s8] =	ssyncadd.s32 $0xFFFFFF80  }
0xd9: {  	_ =	swait.ge [sflag:s8], $0x800  }
0xda: {  	[sflag:s8] =	ssyncset.done $0x0  }
0xdb: {  	[sflag:s8] =	ssyncadd.s32 $0xFFFFF800  }
0xdc: {  	_ =	swait.ge [sflag:s8], $0x80  }
0xdd: {  	[sflag:s8] =	ssyncset.done $0x0  }
0xde: {  	[sflag:s8] =	ssyncadd.s32 $0xFFFFFF80  }
0xdf: {  	_ =	swait.ge [sflag:s8], $0x800  }
0xe0: {  	[sflag:s8] =	ssyncset.done $0x0  }
0xe1: {  	[sflag:s8] =	ssyncadd.s32 $0xFFFFF800  }
0xe2: {  	_ =	swait.ge [sflag:s8], $0x80  }
0xe3: {  	[sflag:s8] =	ssyncset.done $0x0  }
0xe4: {  	[sflag:s8] =	ssyncadd.s32 $0xFFFFFF80  }
0xe5: {  	_ =	swait.ge [sflag:s8], $0x800  }
0xe6: {  	[sflag:s8] =	ssyncset.done $0x0  }
0xe7: {  	[sflag:s8] =	ssyncadd.s32 $0xFFFFF800  }
0xe8: {  	_ =	swait.ge [sflag:s8], $0x80  }
0xe9: {  	[sflag:s8] =	ssyncset.done $0x0  }
0xea: {  	[sflag:s8] =	ssyncadd.s32 $0xFFFFFF80  }
0xeb: {  	_ =	swait.ge [sflag:s8], $0x800  }
0xec: {  	[sflag:s8] =	ssyncset.done $0x0  }
0xed: {  	[sflag:s8] =	ssyncadd.s32 $0xFFFFF800  }
0xee: {  	_ =	swait.ge [sflag:s8], $0x80  }
0xef: {  	[sflag:s8] =	ssyncset.done $0x0  }
0xf0: {  	[sflag:s8] =	ssyncadd.s32 $0xFFFFFF80  }
0xf1: {  	_ =	swait.ge [sflag:s8], $0x800  }
0xf2: {  	[sflag:s8] =	ssyncset.done $0x0  }
0xf3: {  	[sflag:s8] =	ssyncadd.s32 $0xFFFFF800  }
0xf4: {  	_ =	swait.ge [sflag:s8], $0x80  }
0xf5: {  	[sflag:s8] =	ssyncset.done $0x0  }
0xf6: {  	[sflag:s8] =	ssyncadd.s32 $0xFFFFFF80  }
0xf7: {  	_ =	swait.ge [sflag:s8], $0x800  }
0xf8: {  	[sflag:s8] =	ssyncset.done $0x0  }
0xf9: {  	[sflag:s8] =	ssyncadd.s32 $0xFFFFF800  }
0xfa: {  	_ =	swait.ge [sflag:s8], $0x80  }
0xfb: {  	[sflag:s8] =	ssyncset.done $0x0  }
0xfc: {  	[sflag:s8] =	ssyncadd.s32 $0xFFFFFF80  }
0xfd: {  	_ =	swait.ge [sflag:s8], $0x800  }
0xfe: {  	[sflag:s8] =	ssyncset.done $0x0  }
0xff: {  	[sflag:s8] =	ssyncadd.s32 $0xFFFFF800  }
0x100: {  	_ =	swait.ge [sflag:s8], $0x80  }
0x101: {  	[sflag:s8] =	ssyncset.done $0x0  }
0x102: {  	[sflag:s8] =	ssyncadd.s32 $0xFFFFFF80  }
0x103: {  	_ =	swait.ge [sflag:s8], $0x800  }
0x104: {  	[sflag:s8] =	ssyncset.done $0x0  }
0x105: {  	[sflag:s8] =	ssyncadd.s32 $0xFFFFF800  }
0x106: {  	_ =	swait.ge [sflag:s8], $0x80  }
0x107: {  	[sflag:s8] =	ssyncset.done $0x0  }
0x108: {  	[sflag:s8] =	ssyncadd.s32 $0xFFFFFF80  }
0x109: {  	_ =	swait.ge [sflag:s8], $0x800  }
0x10a: {  	[sflag:s8] =	ssyncset.done $0x0  }
0x10b: {  	[sflag:s8] =	ssyncadd.s32 $0xFFFFF800  }
0x10c: {  	_ =	swait.ge [sflag:s8], $0x80  }
0x10d: {  	[sflag:s8] =	ssyncset.done $0x0  }
0x10e: {  	[sflag:s8] =	ssyncadd.s32 $0xFFFFFF80  }
0x10f: {  	_ =	swait.ge [sflag:s8], $0x800  }
0x110: {  	[sflag:s8] =	ssyncset.done $0x0  }
0x111: {  	[sflag:s8] =	ssyncadd.s32 $0xFFFFF800  }
0x112: {  	_ =	swait.ge [sflag:s8], $0x80  }
0x113: {  	[sflag:s8] =	ssyncset.done $0x0  }
0x114: {  	[sflag:s8] =	ssyncadd.s32 $0xFFFFFF80  }
0x115: {  	_ =	swait.ge [sflag:s8], $0x800  }
0x116: {  	[sflag:s8] =	ssyncset.done $0x0  }
0x117: {  	[sflag:s8] =	ssyncadd.s32 $0xFFFFF800  }
0x118: {  	_ =	swait.ge [sflag:s8], $0x80  }
0x119: {  	[sflag:s8] =	ssyncset.done $0x0  }
0x11a: {  	[sflag:s8] =	ssyncadd.s32 $0xFFFFFF80  }
0x11b: {  	_ =	swait.ge [sflag:s8], $0x800  }
0x11c: {  	[sflag:s8] =	ssyncset.done $0x0  }
0x11d: {  	[sflag:s8] =	ssyncadd.s32 $0xFFFFF800  }
0x11e: {  	_ =	swait.ge [sflag:s8], $0x80  }
0x11f: {  	[sflag:s8] =	ssyncset.done $0x0  }
0x120: {  	[sflag:s8] =	ssyncadd.s32 $0xFFFFFF80  }
0x121: {  	_ =	swait.ge [sflag:s8], $0x800  }
0x122: {  	[sflag:s8] =	ssyncset.done $0x0  }
0x123: {  	[sflag:s8] =	ssyncadd.s32 $0xFFFFF800  }
0x124: {  	_ =	swait.ge [sflag:s8], $0x80  }
0x125: {  	[sflag:s8] =	ssyncset.done $0x0  }
0x126: {  	[sflag:s8] =	ssyncadd.s32 $0xFFFFFF80  }
0x127: {  	_ =	swait.ge [sflag:s8], $0x800  }
0x128: {  	[sflag:s8] =	ssyncset.done $0x0  }
0x129: {  	[sflag:s8] =	ssyncadd.s32 $0xFFFFF800  }
0x12a: {  	s15 =	sadd.s32 $0x11110, s9;
	_ =	swait.ge [sflag:s8], $0x80  }
0x12b: {  	v0 =	vmov s15;
	[sflag:s8] =	ssyncset.done $0x0  }
0x12c: {  	s9 =	simm.s32 $0x0;
	s13 =	simm.s32 $0x0;
	[tilespmem:$0x1FE50] =	vst v0;
	[sflag:s8] =	ssyncadd.s32 $0xFFFFFF80  }
.LBB2_3:
0x12d: {  	v1 =	vld [tilespmem:$0x1FFE0];
	_ =	sdelay $0x1  }
0x12e: {  	s14 =	sshll.u32 s13, $0x4  }
0x12f: {  	v0 =	vmov s14  }
0x130: {  	v5 =	vshll.u32 v0, $0x4  }
0x131: {  	v9 =	vor.u32 v1, v5;
	v1 =	vld [tilespmem:$0x1FFF0];
	_ =	sdelay $0x3  }
0x132: {  	v0 =	vmov s9  }
0x133: {  	v23 =	vand.u32 $0x8, v0;
	v10 =	vadd.s32 v1, v5  }
0x134: {  	v27 =	vand.u32 $0x7, v0;
	v1 =	vor.u32 v10, v23  }
0x135: {  	v1 =	vor.u32 v27, v1;
	_ =	sdelay $0x4  }
0x136: {  	v16 =	vld.idx.msk [tilespmem:v1+s12+$0x0], $0xffff  }
0x137: {  	v1 =	vld [tilespmem:$0x1FF70];
	_ =	sdelay $0x3  }
0x138: {  	v3 =	vld [tilespmem:$0x1FFC0]  }
0x139: {  	v17 =	vadd.s32 v1, v5;
	v1 =	vld [tilespmem:$0x1FF60]  }
0x13a: {  	v2 =	vld [tilespmem:$0x1FFD0]  }
0x13b: {  	v0 =	vor.u32 v9, v23  }
0x13c: {  	v0 =	vor.u32 v27, v0  }
0x13d: {  	v4 =	vld [tilespmem:$0x1FFB0]  }
0x13e: {  	v14 =	vadd.s32 v3, v5;
	v18 =	vadd.s32 v1, v5;
	v1 =	vld [tilespmem:$0x1FF50]  }
0x13f: {  	v11 =	vadd.s32 v2, v5;
	v3 =	vor.u32 v14, v23  }
0x140: {  	v2 =	vor.u32 v11, v23;
	v7 =	vor.u32 v27, v3;
	v3 =	vld [tilespmem:$0x1FF90]  }
0x141: {  	v2 =	vor.u32 v27, v2;
	v0 =	vld.idx.msk [tilespmem:v0+s12+$0x0], $0xffff  }
0x142: {  	v15 =	vadd.s32 v4, v5;
	v4 =	vld [tilespmem:$0x1FFA0]  }
0x143: {  	v19 =	vadd.s32 v1, v5;
	v1 =	vld [tilespmem:$0x1FF40];
	_ =	sdelay $0x1  }
0x144: {  	v13 =	vadd.s32 v3, v5;
	v3 =	vld [tilespmem:$0x1FF80]  }
0x145: {  	v21 =	vld.idx.msk [tilespmem:v2+s12+$0x0], $0xffff;
	v24 =	vadd.f32 $0.0e+00, v0  }
0x146: {  	v12 =	vadd.s32 v4, v5;
	v2 =	vld [tilespmem:$0x1FF30];
	v26 =	vmul.f32 v16, v16  }
0x147: {  	v16 =	vadd.f32 v16, v24;
	v24 =	vld [tilespmem:s14+$0x10880];
	v6 =	vadd.s32 v1, v5;
	v1 =	vor.u32 v12, v23  }
0x148: {  	v22 =	vor.u32 v27, v1;
	_ =	sdelay $0x1  }
0x149: {  	v25 =	vld [tilespmem:s14+$0x10800];
	v8 =	vadd.s32 v3, v5;
	v3 =	vor.u32 v15, v23  }
0x14a: {  	v4 =	vadd.s32 v2, v5;
	v2 =	vld [tilespmem:$0x1FF20];
	v0 =	vmul.f32 v0, v0;
	v28 =	vor.u32 v8, v23  }
0x14b: {  	v20 =	vor.u32 v27, v3;
	[tilespmem:$0x1FDB0] =	vst v24;
	v24 =	vor.u32 v27, v28;
	v28 =	vld [tilespmem:$0x1FEF0]  }
0x14c: {  	v0 =	vadd.f32 v26, v0;
	v26 =	vmul.f32 v21, v21;
	v16 =	vadd.f32 v21, v16;
	v21 =	vld.idx.msk [tilespmem:v22+s12+$0x0], $0xffff  }
0x14d: {  	v22 =	vld [tilespmem:s14+$0x10900];
	_ =	sdelay $0x1  }
0x14e: {  	v7 =	vld.idx.msk [tilespmem:v7+s12+$0x0], $0xffff  }
0x14f: {  	[tilespmem:$0x1FDA0] =	vst v25;
	v3 =	vadd.s32 v2, v5;
	v2 =	vor.u32 v13, v23  }
0x150: {  	v25 =	vor.u32 v27, v2;
	v20 =	vld.idx.msk [tilespmem:v20+s12+$0x0], $0xffff;
	v60 =	vadd.s32 v28, v5;
	v28 =	vor.u32 v17, v23  }
0x151: {  	[tilespmem:$0x1FDC0] =	vst v22;
	v22 =	vor.u32 v27, v28;
	v28 =	vld [tilespmem:$0x1FEE0];
	_ =	sdelay $0x1  }
0x152: {  	v0 =	vadd.f32 v26, v0;
	v26 =	vmul.f32 v7, v7  }
0x153: {  	v7 =	vadd.f32 v7, v16  }
0x154: {  	v16 =	vld.idx.msk [tilespmem:v25+s12+$0x0], $0xffff;
	v0 =	vadd.f32 v26, v0;
	v26 =	vmul.f32 v20, v20  }
0x155: {  	v7 =	vadd.f32 v20, v7;
	v20 =	vld.idx.msk [tilespmem:v24+s12+$0x0], $0xffff;
	v61 =	vadd.s32 v28, v5;
	v28 =	vor.u32 v18, v23  }
0x156: {  	v25 =	vor.u32 v27, v28;
	v28 =	vld [tilespmem:$0x1FED0]  }
0x157: {  	v24 =	vld [tilespmem:s14+$0x10A00];
	_ =	sdelay $0x2  }
0x158: {  	v0 =	vadd.f32 v26, v0;
	v26 =	vmul.f32 v21, v21  }
0x159: {  	v7 =	vadd.f32 v21, v7;
	v21 =	vld.idx.msk [tilespmem:v22+s12+$0x0], $0xffff;
	v62 =	vadd.s32 v28, v5;
	v28 =	vor.u32 v19, v23  }
0x15a: {  	[tilespmem:$0x1FDD0] =	vst v24;
	v24 =	vor.u32 v27, v28;
	v28 =	vld [tilespmem:$0x1FEC0]  }
0x15b: {  	v22 =	vld [tilespmem:s14+$0x10A80];
	_ =	sdelay $0x2  }
0x15c: {  	v0 =	vadd.f32 v26, v0;
	v26 =	vmul.f32 v16, v16  }
0x15d: {  	v7 =	vadd.f32 v16, v7;
	v16 =	vld.idx.msk [tilespmem:v25+s12+$0x0], $0xffff;
	v55 =	vadd.s32 v28, v5;
	v28 =	vor.u32 v6, v23  }
0x15e: {  	[tilespmem:$0x1FDE0] =	vst v22;
	v22 =	vor.u32 v27, v28;
	v28 =	vld [tilespmem:$0x1FEB0]  }
0x15f: {  	v25 =	vld [tilespmem:s14+$0x10B00];
	_ =	sdelay $0x2  }
0x160: {  	v0 =	vadd.f32 v26, v0;
	v26 =	vmul.f32 v20, v20  }
0x161: {  	v7 =	vadd.f32 v20, v7;
	v20 =	vld.idx.msk [tilespmem:v24+s12+$0x0], $0xffff;
	v54 =	vadd.s32 v28, v5;
	v28 =	vor.u32 v4, v23  }
0x162: {  	[tilespmem:$0x1FDF0] =	vst v25;
	v25 =	vor.u32 v27, v28;
	v28 =	vld [tilespmem:$0x1FEA0]  }
0x163: {  	v24 =	vld [tilespmem:s14+$0x10B80];
	_ =	sdelay $0x2  }
0x164: {  	v1 =	vld [tilespmem:$0x1FF10];
	v0 =	vadd.f32 v26, v0;
	v26 =	vmul.f32 v21, v21  }
0x165: {  	v7 =	vadd.f32 v21, v7;
	v21 =	vld.idx.msk [tilespmem:v22+s12+$0x0], $0xffff;
	v56 =	vadd.s32 v28, v5;
	v28 =	vor.u32 v3, v23  }
0x166: {  	[tilespmem:$0x1FE00] =	vst v24;
	v24 =	vor.u32 v27, v28;
	v28 =	vld [tilespmem:$0x1FE90]  }
0x167: {  	v22 =	vld [tilespmem:s14+$0x10C00]  }
0x168: {  	v49 =	vld [tilespmem:$0x11100]  }
0x169: {  	v29 =	vld [tilespmem:$0x1FE70]  }
0x16a: {  	v57 =	vld [tilespmem:s14+$0x10400];
	v1 =	vadd.s32 v1, v5  }
0x16b: {  	v48 =	vld [tilespmem:s14+$0x10480];
	v59 =	vadd.s32 v28, v5;
	v28 =	vor.u32 v1, v23  }
0x16c: {  	v47 =	vld [tilespmem:s14+$0x10500];
	v26 =	vadd.f32 v26, v0;
	[tilespmem:$0x1FE10] =	vst v22;
	v22 =	vor.u32 v27, v28;
	v28 =	vmul.f32 v16, v16  }
0x16d: {  	v2 =	vld [tilespmem:$0x1FF00]  }
0x16e: {  	v7 =	vadd.f32 v16, v7;
	v16 =	vld.idx.msk [tilespmem:v25+s12+$0x0], $0xffff;
	v26 =	vadd.f32 v28, v26;
	v28 =	vmul.f32 v20, v20  }
0x16f: {  	v25 =	vld [tilespmem:s14+$0x10C80]  }
0x170: {  	v46 =	vld [tilespmem:s14+$0x10580];
	v26 =	vadd.f32 v28, v26;
	v28 =	vmul.f32 v21, v21  }
0x171: {  	v30 =	vld.idx.msk [tilespmem:v22+s12+$0x0], $0xffff  }
0x172: {  	v22 =	vadd.f32 v28, v26;
	v28 =	vld [tilespmem:s14+$0x10E00]  }
0x173: {  	v2 =	vadd.s32 v2, v5;
	v7 =	vadd.f32 v20, v7;
	v20 =	vld.idx.msk [tilespmem:v24+s12+$0x0], $0xffff  }
0x174: {  	v24 =	vld [tilespmem:s14+$0x10D00];
	[tilespmem:$0x1FE20] =	vst v25;
	v25 =	vor.u32 v2, v23  }
0x175: {  	v43 =	vld [tilespmem:s14+$0x10600];
	v25 =	vor.u32 v27, v25  }
0x176: {  	v0 =	vld [tilespmem:$0x1FE80]  }
0x177: {  	[tilespmem:$0x1FE40] =	vst v28;
	v28 =	vld [tilespmem:$0x1FE60]  }
0x178: {  	v39 =	vld [tilespmem:s14+$0x10680];
	v53 =	vadd.s32 v29, v5;
	v29 =	vor.u32 v60, v23  }
0x179: {  	v44 =	vld [tilespmem:s14+$0x10700];
	v29 =	vor.u32 v27, v29;
	[tilespmem:$0x1FE30] =	vst v24;
	v24 =	vor.u32 v61, v23  }
0x17a: {  	v7 =	vadd.f32 v21, v7;
	v24 =	vor.u32 v27, v24;
	v25 =	vld.idx.msk [tilespmem:v25+s12+$0x0], $0xffff  }
0x17b: {  	v63 =	vimm.f32 $0.0e+00;
	v45 =	vld [tilespmem:s14+$0x10780];
	v0 =	vadd.s32 v0, v5;
	v26 =	vmul.f32 v16, v16  }
0x17c: {  	v40 =	vld [tilespmem:s14+$0x10980];
	v21 =	vor.u32 v62, v23;
	v5 =	vadd.s32 v28, v5;
	v28 =	vadd.f32 v16, v7  }
0x17d: {  	s15 =	simm.s32 $0x1;
	v42 =	vld [tilespmem:s14+$0x10D80];
	v33 =	vor.u32 v27, v21;
	v21 =	vadd.f32 v26, v22;
	v22 =	vmul.f32 v20, v20  }
0x17e: {  	v32 =	vld.idx.msk [tilespmem:v29+s12+$0x0], $0xffff;
	v29 =	vmul.f32 v30, v30;
	v7 =	vmov s15;
	v26 =	vadd.f32 v20, v28  }
0x17f: {  	v31 =	vld.idx.msk [tilespmem:v24+s12+$0x0], $0xffff;
	v24 =	vor.u32 v59, v23;
	v36 =	vmul.f32 v25, v25;
	v16 =	vand.u32 $0x7, v7  }
0x180: {  	v41 =	vld [tilespmem:s14+$0x10E80];
	v28 =	vadd.f32 v22, v21;
	v26 =	vadd.f32 v30, v26;
	v30 =	vor.u32 v55, v23  }
0x181: {  	v50 =	vld [tilespmem:s14+$0x10F00];
	v7 =	vand.u32 $0x8, v7;
	v20 =	vor.u32 v5, v23;
	v30 =	vor.u32 v27, v30  }
0x182: {  	v51 =	vld [tilespmem:s14+$0x10F80];
	v21 =	vor.u32 v53, v23;
	v34 =	vadd.f32 v29, v28;
	v28 =	vor.u32 v54, v23  }
0x183: {  	v52 =	vld [tilespmem:s14+$0x11000];
	v22 =	vor.u32 v0, v23;
	v37 =	vor.u32 v9, v7;
	v28 =	vor.u32 v27, v28  }
0x184: {  	v29 =	vld.idx.msk [tilespmem:v33+s12+$0x0], $0xffff;
	v23 =	vor.u32 v56, v23;
	v33 =	vor.u32 v17, v7;
	v35 =	vadd.f32 v25, v26  }
0x185: {  	v58 =	vld [tilespmem:s14+$0x11080];
	s15 =	simm.s32 $0x2;
	v26 =	vor.u32 v27, v23;
	v25 =	vor.u32 v18, v7;
	v23 =	vor.u32 v19, v7  }
.LBB2_4:
0x186: {  	p0 =	sne.s32 s15, $0xF;
	v34 =	vadd.f32 v36, v34;
	v35 =	vadd.f32 v32, v35;
	v32 =	vmul.f32 v32, v32;
	v30 =	vld.idx.msk [tilespmem:v30+s12+$0x0], $0xffff  }
0x187: {  	v36 =	vor.u32 v16, v37;
	v37 =	vor.u32 v10, v7;
	v24 =	vor.u32 v27, v24  }
0x188: {  	v32 =	vadd.f32 v32, v34;
	v34 =	vadd.f32 v31, v35;
	v31 =	vmul.f32 v31, v31;
	v28 =	vld.idx.msk [tilespmem:v28+s12+$0x0], $0xffff  }
0x189: {  	v22 =	vor.u32 v27, v22;
	v35 =	vor.u32 v16, v37;
	v37 =	vor.u32 v11, v7  }
0x18a: {  	v31 =	vadd.f32 v31, v32;
	v32 =	vadd.f32 v29, v34;
	v29 =	vmul.f32 v29, v29;
	v26 =	vld.idx.msk [tilespmem:v26+s12+$0x0], $0xffff  }
0x18b: {  	v21 =	vor.u32 v27, v21;
	v34 =	vor.u32 v16, v37;
	v37 =	vor.u32 v14, v7  }
0x18c: {  	v29 =	vadd.f32 v29, v31;
	v31 =	vadd.f32 v30, v32;
	v30 =	vmul.f32 v30, v30;
	v24 =	vld.idx.msk [tilespmem:v24+s12+$0x0], $0xffff  }
0x18d: {  	v20 =	vor.u32 v27, v20;
	v32 =	vld.idx.msk [tilespmem:v36+s12+$0x0], $0xffff;
	v36 =	vor.u32 v16, v37;
	v37 =	vor.u32 v15, v7  }
0x18e: {  	v27 =	vadd.f32 v30, v29;
	v29 =	vadd.f32 v28, v31;
	v28 =	vmul.f32 v28, v28  }
0x18f: {  	v22 =	vld.idx.msk [tilespmem:v22+s12+$0x0], $0xffff;
	v31 =	vor.u32 v16, v37  }
0x190: {  	v37 =	vor.u32 v8, v7;
	v30 =	vld.idx.msk [tilespmem:v35+s12+$0x0], $0xffff;
	v35 =	vor.u32 v12, v7;
	v27 =	vadd.f32 v28, v27  }
0x191: {  	v28 =	vadd.f32 v26, v29;
	v26 =	vmul.f32 v26, v26;
	v21 =	vld.idx.msk [tilespmem:v21+s12+$0x0], $0xffff  }
0x192: {  	v33 =	vor.u32 v16, v33;
	v29 =	vld.idx.msk [tilespmem:v34+s12+$0x0], $0xffff;
	v34 =	vor.u32 v16, v35;
	v35 =	vor.u32 v13, v7  }
0x193: {  	v26 =	vadd.f32 v26, v27;
	v28 =	vadd.f32 v24, v28;
	v24 =	vmul.f32 v24, v24;
	v20 =	vld.idx.msk [tilespmem:v20+s12+$0x0], $0xffff  }
0x194: {  	v37 =	vor.u32 v16, v37;
	v38 =	vadd.f32 $0.0e+00, v32;
	v35 =	vor.u32 v16, v35;
	v36 =	vld.idx.msk [tilespmem:v36+s12+$0x0], $0xffff;
	v27 =	vmovc v16  }
0x195: {  	v16 =	vadd.f32 v24, v26;
	v24 =	vadd.f32 v22, v28;
	v22 =	vmul.f32 v22, v22  }
0x196: {  	v26 =	vmul.f32 v32, v32;
	v28 =	vadd.f32 v30, v38;
	v30 =	vmul.f32 v30, v30;
	v31 =	vld.idx.msk [tilespmem:v31+s12+$0x0], $0xffff  }
0x197: {  	v16 =	vadd.f32 v22, v16;
	v22 =	vadd.f32 v21, v24;
	v21 =	vmul.f32 v21, v21  }
0x198: {  	v24 =	vadd.f32 v30, v26;
	v26 =	vadd.f32 v29, v28;
	v28 =	vmul.f32 v29, v29;
	v29 =	vld.idx.msk [tilespmem:v34+s12+$0x0], $0xffff  }
0x199: {  	v16 =	vadd.f32 v21, v16;
	v21 =	vadd.f32 v20, v22;
	v20 =	vmul.f32 v20, v20  }
0x19a: {  	v22 =	vadd.f32 v28, v24;
	v24 =	vadd.f32 v36, v26;
	v26 =	vmul.f32 v36, v36;
	v28 =	vld.idx.msk [tilespmem:v35+s12+$0x0], $0xffff  }
0x19b: {  	v25 =	vor.u32 v27, v25;
	v16 =	vadd.f32 v20, v16;
	v20 =	vmul.f32 v21, v21  }
0x19c: {  	v21 =	vadd.f32 v26, v22;
	v22 =	vadd.f32 v31, v24;
	v24 =	vmul.f32 v31, v31;
	v26 =	vld.idx.msk [tilespmem:v37+s12+$0x0], $0xffff  }
0x19d: {  	v23 =	vor.u32 v27, v23;
	v30 =	vor.u32 v6, v7;
	v16 =	vsub.f32 v20, v16  }
0x19e: {  	v20 =	vadd.f32 v24, v21;
	v21 =	vadd.f32 v29, v22;
	v22 =	vmul.f32 v29, v29;
	v24 =	vld.idx.msk [tilespmem:v33+s12+$0x0], $0xffff  }
0x19f: {  	v29 =	vor.u32 v27, v30;
	v30 =	vor.u32 v4, v7;
	v63 =	vadd.f32 v16, v63  }
0x1a0: {  	v16 =	vadd.f32 v22, v20;
	v20 =	vadd.f32 v28, v21;
	v21 =	vmul.f32 v28, v28;
	v22 =	vld.idx.msk [tilespmem:v25+s12+$0x0], $0xffff  }
0x1a1: {  	v28 =	vor.u32 v27, v30;
	v30 =	vor.u32 v3, v7;
	v25 =	vmov s15  }
0x1a2: {  	v21 =	vadd.f32 v21, v16;
	v20 =	vadd.f32 v26, v20;
	v26 =	vmul.f32 v26, v26;
	v23 =	vld.idx.msk [tilespmem:v23+s12+$0x0], $0xffff  }
0x1a3: {  	v31 =	vor.u32 v1, v7;
	v30 =	vor.u32 v27, v30;
	v16 =	vand.u32 $0x7, v25  }
0x1a4: {  	v21 =	vadd.f32 v26, v21;
	v20 =	vadd.f32 v24, v20;
	v24 =	vmul.f32 v24, v24;
	v26 =	vld.idx.msk [tilespmem:v29+s12+$0x0], $0xffff  }
0x1a5: {  	v25 =	vand.u32 $0x8, v25;
	v29 =	vor.u32 v27, v31;
	v31 =	vor.u32 v2, v7  }
0x1a6: {  	v21 =	vadd.f32 v24, v21;
	v24 =	vadd.f32 v22, v20;
	v22 =	vmul.f32 v22, v22;
	v28 =	vld.idx.msk [tilespmem:v28+s12+$0x0], $0xffff  }
0x1a7: {  	v32 =	vor.u32 v60, v7;
	v31 =	vor.u32 v27, v31;
	v20 =	vor.u32 v5, v7  }
0x1a8: {  	v22 =	vadd.f32 v22, v21;
	v24 =	vadd.f32 v23, v24;
	v23 =	vmul.f32 v23, v23;
	v30 =	vld.idx.msk [tilespmem:v30+s12+$0x0], $0xffff  }
0x1a9: {  	v32 =	vor.u32 v27, v32;
	v33 =	vor.u32 v61, v7;
	v21 =	vor.u32 v53, v7  }
0x1aa: {  	v23 =	vadd.f32 v23, v22;
	v24 =	vadd.f32 v26, v24;
	v26 =	vmul.f32 v26, v26;
	v29 =	vld.idx.msk [tilespmem:v29+s12+$0x0], $0xffff  }
0x1ab: {  	v34 =	vor.u32 v62, v7;
	v33 =	vor.u32 v27, v33;
	v22 =	vor.u32 v0, v7  }
0x1ac: {  	v23 =	vadd.f32 v26, v23;
	v26 =	vadd.f32 v28, v24;
	v28 =	vmul.f32 v28, v28;
	v36 =	vld.idx.msk [tilespmem:v31+s12+$0x0], $0xffff  }
0x1ad: {  	v37 =	vor.u32 v27, v34;
	v24 =	vor.u32 v59, v7;
	v31 =	vor.u32 v55, v7  }
0x1ae: {  	v23 =	vadd.f32 v28, v23;
	v26 =	vadd.f32 v30, v26;
	v28 =	vmul.f32 v30, v30;
	v32 =	vld.idx.msk [tilespmem:v32+s12+$0x0], $0xffff  }
.Ltmp0:
0x1af: {  	v38 =	vor.u32 v56, v7;
	v34 =	vor.u32 v54, v7;
	v7 =	vmovc v25;
	v30 =	vor.u32 v27, v31;
	(pc) =	sbr.rel @p0 .LBB2_4-.Ltmp0, $4  }
0x1b0: {  	v35 =	vadd.f32 v28, v23;
	v26 =	vadd.f32 v29, v26;
	v29 =	vmul.f32 v29, v29;
	v31 =	vld.idx.msk [tilespmem:v33+s12+$0x0], $0xffff  }
0x1b1: {  	v25 =	vor.u32 v18, v7;
	v23 =	vor.u32 v19, v7;
	v28 =	vor.u32 v27, v34  }
0x1b2: {  	v34 =	vadd.f32 v29, v35;
	v35 =	vadd.f32 v36, v26;
	v36 =	vmul.f32 v36, v36;
	v29 =	vld.idx.msk [tilespmem:v37+s12+$0x0], $0xffff  }
0x1b3: {  	s15 =	sadd.s32 $0x1, s15;
	v33 =	vor.u32 v17, v7;
	v26 =	vor.u32 v27, v38;
	v37 =	vor.u32 v9, v7  }
0x1b4: {  	v9 =	vor.u32 v16, v37  }
0x1b5: {  	v10 =	vor.u32 v10, v7  }
0x1b6: {  	v10 =	vor.u32 v16, v10  }
0x1b7: {  	v11 =	vor.u32 v11, v7  }
0x1b8: {  	v11 =	vor.u32 v16, v11  }
0x1b9: {  	v14 =	vor.u32 v14, v7;
	v9 =	vld.idx.msk [tilespmem:v9+s12+$0x0], $0xffff  }
0x1ba: {  	v15 =	vor.u32 v15, v7;
	v14 =	vor.u32 v16, v14  }
0x1bb: {  	v12 =	vor.u32 v12, v7;
	v13 =	vor.u32 v13, v7;
	v8 =	vor.u32 v8, v7;
	v10 =	vld.idx.msk [tilespmem:v10+s12+$0x0], $0xffff  }
0x1bc: {  	v19 =	vadd.f32 v32, v35;
	v35 =	vor.u32 v16, v25;
	v15 =	vor.u32 v16, v15  }
0x1bd: {  	v57 =	vadd.f32 v57, v49;
	v23 =	vor.u32 v16, v23;
	v6 =	vor.u32 v6, v7;
	v11 =	vld.idx.msk [tilespmem:v11+s12+$0x0], $0xffff  }
0x1be: {  	v4 =	vor.u32 v4, v7;
	v12 =	vor.u32 v16, v12;
	v17 =	vadd.f32 $0.0e+00, v9  }
0x1bf: {  	v3 =	vor.u32 v3, v7;
	v1 =	vor.u32 v1, v7;
	v13 =	vor.u32 v16, v13;
	v14 =	vld.idx.msk [tilespmem:v14+s12+$0x0], $0xffff  }
0x1c0: {  	v9 =	vmul.f32 v9, v9;
	v18 =	vmul.f32 v10, v10;
	v10 =	vadd.f32 v10, v17  }
0x1c1: {  	v2 =	vor.u32 v2, v7;
	v0 =	vor.u32 v0, v7;
	v8 =	vor.u32 v16, v8;
	v15 =	vld.idx.msk [tilespmem:v15+s12+$0x0], $0xffff  }
0x1c2: {  	v37 =	vmul.f32 v11, v11;
	v9 =	vadd.f32 v18, v9;
	v10 =	vadd.f32 v11, v10  }
0x1c3: {  	v5 =	vor.u32 v5, v7;
	v6 =	vor.u32 v16, v6;
	v3 =	vor.u32 v16, v3;
	v11 =	vld.idx.msk [tilespmem:v12+s12+$0x0], $0xffff  }
0x1c4: {  	v38 =	vmul.f32 v14, v14;
	v9 =	vadd.f32 v37, v9;
	v10 =	vadd.f32 v14, v10  }
0x1c5: {  	v4 =	vor.u32 v16, v4;
	v1 =	vor.u32 v16, v1;
	v13 =	vld.idx.msk [tilespmem:v13+s12+$0x0], $0xffff;
	v14 =	vor.u32 v16, v33  }
0x1c6: {  	v25 =	vld.idx.msk [tilespmem:v30+s12+$0x0], $0xffff;
	v33 =	vmul.f32 v15, v15;
	v9 =	vadd.f32 v38, v9;
	v10 =	vadd.f32 v15, v10  }
0x1c7: {  	v2 =	vor.u32 v16, v2;
	v8 =	vld.idx.msk [tilespmem:v8+s12+$0x0], $0xffff;
	v37 =	vadd.f32 v36, v34;
	v38 =	vmul.f32 v32, v32  }
0x1c8: {  	v3 =	vld.idx.msk [tilespmem:v3+s12+$0x0], $0xffff;
	v9 =	vadd.f32 v33, v9;
	v34 =	vmul.f32 v11, v11;
	v10 =	vadd.f32 v11, v10  }
0x1c9: {  	v0 =	vor.u32 v16, v0;
	v30 =	vmul.f32 v29, v29;
	v12 =	vadd.f32 v38, v37  }
0x1ca: {  	v38 =	vmul.f32 v13, v13;
	v9 =	vadd.f32 v34, v9;
	v14 =	vld.idx.msk [tilespmem:v14+s12+$0x0], $0xffff;
	v10 =	vadd.f32 v13, v10  }
0x1cb: {  	v36 =	vmul.f32 v31, v31;
	v37 =	vadd.f32 v31, v19;
	v31 =	vadd.f32 v48, v57  }
0x1cc: {  	v11 =	vld.idx.msk [tilespmem:v35+s12+$0x0], $0xffff;
	v9 =	vadd.f32 v38, v9;
	v10 =	vadd.f32 v8, v10;
	v8 =	vmul.f32 v8, v8  }
0x1cd: {  	v1 =	vld.idx.msk [tilespmem:v1+s12+$0x0], $0xffff;
	v49 =	vmul.f32 v3, v3;
	v17 =	vmul.f32 v25, v25;
	v48 =	vor.u32 v61, v7  }
0x1ce: {  	v33 =	vld.idx.msk [tilespmem:v23+s12+$0x0], $0xffff;
	v57 =	vor.u32 v27, v20;
	v8 =	vadd.f32 v8, v9;
	v9 =	vadd.f32 v47, v31  }
0x1cf: {  	v2 =	vld.idx.msk [tilespmem:v2+s12+$0x0], $0xffff;
	v12 =	vadd.f32 v36, v12;
	v18 =	vadd.f32 v29, v37;
	v32 =	vmul.f32 v14, v14  }
0x1d0: {  	v6 =	vld.idx.msk [tilespmem:v6+s12+$0x0], $0xffff;
	v61 =	vor.u32 v62, v7;
	v10 =	vadd.f32 v14, v10;
	v9 =	vadd.f32 v46, v9  }
0x1d1: {  	v12 =	vadd.f32 v30, v12;
	v36 =	vmul.f32 v11, v11;
	v8 =	vadd.f32 v32, v8  }
0x1d2: {  	v62 =	vmul.f32 v1, v1;
	v10 =	vadd.f32 v11, v10;
	v9 =	vadd.f32 v43, v9  }
0x1d3: {  	v4 =	vld.idx.msk [tilespmem:v4+s12+$0x0], $0xffff;
	v35 =	vadd.f32 v25, v18;
	v37 =	vmul.f32 v33, v33;
	v8 =	vadd.f32 v36, v8  }
0x1d4: {  	v34 =	vld.idx.msk [tilespmem:v28+s12+$0x0], $0xffff;
	v29 =	vmul.f32 v2, v2;
	v10 =	vadd.f32 v33, v10;
	v9 =	vadd.f32 v39, v9  }
0x1d5: {  	v20 =	vld [tilespmem:$0x1FDB0];
	v18 =	vor.u32 v16, v48;
	v8 =	vadd.f32 v37, v8;
	v39 =	vmul.f32 v6, v6  }
0x1d6: {  	v6 =	vadd.f32 v6, v10;
	v9 =	vadd.f32 v44, v9;
	v44 =	vor.u32 v60, v7;
	v60 =	vld [tilespmem:$0x1FDA0]  }
0x1d7: {  	v28 =	vld [tilespmem:$0x1FDC0];
	v12 =	vadd.f32 v17, v12;
	v43 =	vor.u32 v27, v24;
	v8 =	vadd.f32 v39, v8  }
0x1d8: {  	v48 =	vld.idx.msk [tilespmem:v57+s12+$0x0], $0xffff;
	v6 =	vadd.f32 v4, v6;
	v4 =	vmul.f32 v4, v4;
	v11 =	vor.u32 v16, v44  }
0x1d9: {  	v38 =	vadd.f32 v34, v35;
	v14 =	vmul.f32 v34, v34;
	v46 =	vld.idx.msk [tilespmem:v26+s12+$0x0], $0xffff;
	v9 =	vadd.f32 v45, v9  }
0x1da: {  	v47 =	vor.u32 v27, v21;
	v34 =	vld [tilespmem:$0x1FDD0];
	v26 =	vor.u32 v55, v7;
	v4 =	vadd.f32 v4, v8  }
0x1db: {  	v30 =	vor.u32 v16, v26;
	v37 =	vld [tilespmem:$0x1FDE0];
	v3 =	vadd.f32 v3, v6;
	v6 =	vadd.f32 v60, v9  }
0x1dc: {  	v21 =	vor.u32 v16, v61;
	v31 =	vor.u32 v54, v7;
	v23 =	vld.idx.msk [tilespmem:v43+s12+$0x0], $0xffff;
	v4 =	vadd.f32 v49, v4  }
0x1dd: {  	v45 =	vor.u32 v27, v22;
	v1 =	vadd.f32 v1, v3;
	v22 =	vld.idx.msk [tilespmem:v11+s12+$0x0], $0xffff;
	v3 =	vadd.f32 v20, v6  }
0x1de: {  	v35 =	vor.u32 v59, v7;
	v12 =	vadd.f32 v14, v12;
	v25 =	vmul.f32 v46, v46;
	v27 =	vld.idx.msk [tilespmem:v18+s12+$0x0], $0xffff  }
0x1df: {  	v32 =	vor.u32 v56, v7;
	v44 =	vld.idx.msk [tilespmem:v47+s12+$0x0], $0xffff;
	v4 =	vadd.f32 v62, v4;
	v3 =	vadd.f32 v28, v3  }
0x1e0: {  	v11 =	vadd.f32 v25, v12;
	v1 =	vadd.f32 v2, v1;
	v12 =	vor.u32 v16, v31;
	v2 =	vld.idx.msk [tilespmem:v30+s12+$0x0], $0xffff  }
0x1e1: {  	v13 =	vor.u32 v16, v32;
	v8 =	vmul.f32 v23, v23;
	v6 =	vld.idx.msk [tilespmem:v21+s12+$0x0], $0xffff;
	v3 =	vadd.f32 v40, v3  }
0x1e2: {  	v4 =	vadd.f32 v29, v4;
	v1 =	vadd.f32 v22, v1;
	v9 =	vmul.f32 v22, v22;
	v40 =	vld [tilespmem:$0x1FDF0]  }
0x1e3: {  	v33 =	vmul.f32 v27, v27;
	v36 =	vld.idx.msk [tilespmem:v45+s12+$0x0], $0xffff;
	v8 =	vadd.f32 v8, v11;
	v3 =	vadd.f32 v34, v3  }
0x1e4: {  	v45 =	vld [tilespmem:$0x1FE00];
	v11 =	vor.u32 v16, v35;
	v4 =	vadd.f32 v9, v4;
	v1 =	vadd.f32 v27, v1  }
0x1e5: {  	v24 =	vadd.f32 v46, v38;
	v39 =	vor.u32 v53, v7;
	v12 =	vld.idx.msk [tilespmem:v12+s12+$0x0], $0xffff;
	v3 =	vadd.f32 v37, v3  }
0x1e6: {  	v47 =	vld [tilespmem:$0x1FE10];
	v38 =	vmul.f32 v6, v6;
	v4 =	vadd.f32 v33, v4;
	v1 =	vadd.f32 v6, v1  }
0x1e7: {  	v43 =	vld.idx.msk [tilespmem:v13+s12+$0x0], $0xffff;
	v10 =	vadd.f32 v23, v24;
	v6 =	vor.u32 v16, v39;
	v3 =	vadd.f32 v40, v3  }
0x1e8: {  	v49 =	vld [tilespmem:$0x1FE20];
	v4 =	vadd.f32 v38, v4;
	v1 =	vadd.f32 v2, v1;
	v2 =	vmul.f32 v2, v2  }
0x1e9: {  	v5 =	vor.u32 v16, v5;
	v10 =	vadd.f32 v36, v10;
	v11 =	vld.idx.msk [tilespmem:v11+s12+$0x0], $0xffff;
	v3 =	vadd.f32 v45, v3  }
0x1ea: {  	v56 =	vld [tilespmem:$0x1FE30];
	v46 =	vmul.f32 v12, v12;
	v2 =	vadd.f32 v2, v4;
	v1 =	vadd.f32 v12, v1  }
0x1eb: {  	v0 =	vld.idx.msk [tilespmem:v0+s12+$0x0], $0xffff;
	v9 =	vmul.f32 v36, v36;
	v53 =	vadd.f32 v44, v10;
	v3 =	vadd.f32 v47, v3  }
0x1ec: {  	v7 =	vmul.f32 v43, v43;
	v2 =	vadd.f32 v46, v2;
	v1 =	vadd.f32 v43, v1  }
0x1ed: {  	v8 =	vadd.f32 v9, v8;
	v6 =	vld.idx.msk [tilespmem:v6+s12+$0x0], $0xffff;
	v3 =	vadd.f32 v49, v3  }
0x1ee: {  	v60 =	vld [tilespmem:$0x1FE40];
	v55 =	vmul.f32 v11, v11;
	v2 =	vadd.f32 v7, v2;
	v1 =	vadd.f32 v11, v1  }
0x1ef: {  	v54 =	vmul.f32 v44, v44;
	v57 =	vadd.f32 v48, v53;
	v3 =	vadd.f32 v56, v3  }
0x1f0: {  	v5 =	vld.idx.msk [tilespmem:v5+s12+$0x0], $0xffff;
	v2 =	vadd.f32 v55, v2;
	v1 =	vadd.f32 v0, v1;
	v0 =	vmul.f32 v0, v0  }
0x1f1: {  	v8 =	vadd.f32 v54, v8;
	v3 =	vadd.f32 v42, v3  }
0x1f2: {  	v4 =	vmul.f32 v48, v48;
	v59 =	vmul.f32 v6, v6;
	v0 =	vadd.f32 v0, v2  }
0x1f3: {  	v1 =	vadd.f32 v6, v1;
	v3 =	vadd.f32 v60, v3  }
0x1f4: {  	v61 =	vmul.f32 v57, v57;
	v4 =	vadd.f32 v4, v8;
	v0 =	vadd.f32 v59, v0  }
0x1f5: {  	v1 =	vadd.f32 v5, v1;
	v5 =	vmul.f32 v5, v5;
	v3 =	vadd.f32 v41, v3  }
0x1f6: {  	v2 =	vsub.f32 v61, v4  }
0x1f7: {  	v0 =	vadd.f32 v5, v0;
	v1 =	vmul.f32 v1, v1;
	v3 =	vadd.f32 v50, v3  }
0x1f8: {  	v2 =	vadd.f32 v2, v63  }
0x1f9: {  	v0 =	vsub.f32 v1, v0;
	v62 =	vadd.f32 v51, v3;
	_ =	sdelay $0x1  }
0x1fa: {  	v0 =	vadd.f32 v0, v2;
	v1 =	vadd.f32 v52, v62;
	_ =	sdelay $0x1  }
0x1fb: {  	v0 =	vmul.f32 $5.000000000e-01, v0;
	v1 =	vadd.f32 v58, v1;
	_ =	sdelay $0x1  }
0x1fc: {  	v0 =	vadd.f32 v0, v1;
	_ =	sdelay $0x1  }
0x1fd: {  	v0 =	vsub.f32 $0.0e+00, v0;
	_ =	sdelay $0x1  }
0x1fe: {  	v0 =	vmul.f32 $1.442695020e+00, v0;
	_ =	sdelay $0x1  }
0x1ff: {  	(erf) = vpow2.f32 v0;
	_ =	sdelay $0x8  }
0x200: {  	v0 =	vpop (erf)  }
0x201: {  	v0 =	vadd.f32 $1.000000000e+00, v0;
	_ =	sdelay $0x1  }
0x202: {  	(erf) = vrcp.f32 v0;
	_ =	sdelay $0x1  }
0x203: {  	v63 =	vld [tilespmem:$0x1FE50];
	_ =	sdelay $0x1  }
0x204: {  	s13 =	sadd.s32 $0x1, s13  }
0x205: {  	p0 =	sne.s32 s13, $0x8  }
.Ltmp1:
0x206: {  	_ = 	snop;
	(pc) =	sbr.rel @p0 .LBB2_3-.Ltmp1, $3  }
0x207: {  	_ =	sdelay $0x1  }
0x208: {  	v0 =	vpop (erf)  }
0x209: {  	[tilespmem:v63+s14+$0x0 ss:$0x1] =	vst.idx.msk $0xffff, v0  }
0x20a: {  	s2 =	sadd.s32 $0x1, s2  }
0x20b: {  	p0 =	sne.s32 s2, $0x4  }
.Ltmp2:
0x20c: {  	_ = 	snop;
	(pc) =	sbr.rel @p0 .LBB2_2-.Ltmp2, $1  }
0x20d: {  	_ =	sdelay $0x3  }
0x20e: {  	s9 =	simm.s32 $0x0;
	s2 =	rddreg [dreg:$0x5];
	s13 =	simm.s32 $0x11110  }
0x20f: {  	[hbm4b:s2+s9] =	stream.linear.scatter [tilespmem:s13], [sflag:$0x2], $0x200, $0x38;
	[tilespmem:$0x11310] =	vst v63  }
0x210: {  	s13 =	simm.s32 $0x2  }
0x211: {  	_ =	swait.ge [sflag:s13], $0x200  }
0x212: {  	s14 =	rddreg [dreg:$0x7]  }
0x213: {  	s15 =	rddreg [dreg:$0x6];
	s14 =	sadd.s32 $0x1, s14  }
0x214: {  	p0 =	sne.s32 s14, s15  }
.Ltmp3:
0x215: {  	_ = 	snop;
	(pc) =	sbr.rel @p0 .LBB2_1-.Ltmp3, $3  }
0x216: {  	_ =	sdelay $0x1  }
0x217: {  	[sflag:s13] =	ssyncset.done $0x0  }
0x218: {  	[sflag:s13] =	ssyncadd.s32 $0xFFFFFE00  }
0x219: {  	_ =	sfence.sel $0x180000  }
0x21a: {  	[bflag:$0x0] =	sbarrier.arrive $0xFFFF  }
0x21b: {  	_ =	strace $0x90000047  }
0x21c: {  	s0 =	stileid.u32;
	[bflag:$0x2] =	sbarrier.arrive $0xFFFF  }
0x21d: {  	p0 =	sne.s32 s0, $0x0;
	s0 =	rddreg [dreg:$0x2]  }
0x21e: {  	s0 =	sadd.s32 @!p0 $0x100000, s0  }
0x21f: {  	[sflag:s0] =	ssyncadd.tile.s32 @!p0 $0x1;
	_ =	shalt  }
.Lfunc_end2:
_tile_overlayer_lowered:
.L_overlay_start_2:
0x220: {  	(tag) =	ssettag $0x2  }
0x221: {  	s0 =	rddreg [dreg:$0x0];
	s2 =	stileid.u32  }
0x222: {  	s1 =	rddreg [dreg:$0x1];
	p0 =	sne.s32 s2, $0x0  }
0x223: {  	s3 =	rddreg [dreg:$0x2];
	[bflag:$0x3] =	sbarrier.arrive $0xFFFF;
	s2 =	simm.s32 @!p0 $0x1C02  }
0x224: {  	[timem:s3], [sflag:s2] =	dma.local @!p0 [hbm:s0], s1  }
0x225: {  	s0 =	simm.s32 @!p0 $0x2  }
0x226: {  	_ =	swait.ge @!p0 [sflag:s0], s1  }
0x227: {  	s1 =	ssub.s32 @!p0 $0x0, s1;
	[sflag:s0] =	ssyncset.done @!p0 $0x0  }
0x228: {  	[sflag:s0] =	ssyncadd.s32 @!p0 s1  }
0x229: {  	[bflag:$0x3] =	sbarrier.arrive $0xFFFF  }
0x22a: {  	_ =	shalt  }

</sc_bundles>
